<compile_context>
chip_gen: v7x
topology: tpu7x:2x2x1
jax: 0.10.2.dev20260603
libtpu: 0.0.44.dev20260713+nightly
codegen_flags: <defaults>
</compile_context>

<pallas_src>
import functools

import jax
import jax.numpy as jnp
from jax import lax
from jax.experimental import pallas as pl
from jax.experimental.pallas import tpu as pltpu
from jax.experimental.pallas import tpu_sc as plsc

_N, _E, _D, _R = 10000, 320000, 128, 8
_NC, _NS = 2, 16
_NW = _NC * _NS
_K = 128
_BN = 5000
_BE = _E
_NB = _N // _BN



def _prep_body(ei_ref, et_ref, gi_ref, ds_ref):
    gi_ref[...] = et_ref[...] * _N + ei_ref[0]
    ds_ref[...] = ei_ref[1]


def _prep(ei, et):
    return pl.pallas_call(
        _prep_body,
        grid=(_E // _BE,),
        in_specs=[
            pl.BlockSpec((2, _BE), lambda i: (0, i)),
            pl.BlockSpec((_BE,), lambda i: (i,)),
        ],
        out_specs=[
            pl.BlockSpec((_BE,), lambda i: (i,)),
            pl.BlockSpec((_BE,), lambda i: (i,)),
        ],
        out_shape=[jax.ShapeDtypeStruct((_E,), jnp.int32)] * 2,
    )(ei, et)



def _mm_body(h_ref, w_ref, o_ref):
    o_ref[...] = jnp.dot(h_ref[...], w_ref[0], preferred_element_type=jnp.float32)


_TBL_SHAPES = jax.ShapeDtypeStruct(((_R + 1) * _N, _D), jnp.float32)
_TBL_OUT_SPECS = pl.BlockSpec((_BN, _D), lambda i, r: (r * _NB + i, 0))


def _table(h, wcat):
    return pl.pallas_call(
        _mm_body,
        grid=(_NB, _R + 1),
        in_specs=[
            pl.BlockSpec((_BN, _D), lambda i, r: (i, 0)),
            pl.BlockSpec((1, _D, _D), lambda i, r: (r, 0, 0)),
        ],
        out_specs=_TBL_OUT_SPECS,
        out_shape=_TBL_SHAPES,
    )(h, wcat)


def _combine_mm_body(p_ref, sl_ref, b_ref, w_ref, o_ref):
    h = jnp.maximum(p_ref[0] + p_ref[1] + sl_ref[...] + b_ref[...], 0.0)
    o_ref[...] = jnp.dot(h, w_ref[0], preferred_element_type=jnp.float32)


def _combine_table(parts, table1, brow, wcat):
    return pl.pallas_call(
        _combine_mm_body,
        grid=(_NB, _R + 1),
        in_specs=[
            pl.BlockSpec((_NC, _BN, _D), lambda i, r: (0, i, 0)),
            pl.BlockSpec((_BN, _D), lambda i, r: (_R * _NB + i, 0)),
            pl.BlockSpec((1, _D), lambda i, r: (0, 0)),
            pl.BlockSpec((1, _D, _D), lambda i, r: (r, 0, 0)),
        ],
        out_specs=_TBL_OUT_SPECS,
        out_shape=_TBL_SHAPES,
    )(parts, table1, brow, wcat)


def _final_body(p_ref, sl_ref, b_ref, o_ref):
    h = p_ref[0] + p_ref[1] + sl_ref[...] + b_ref[...]
    nrm = jnp.sqrt(jnp.sum(h * h, axis=1, keepdims=True))
    o_ref[...] = h / jnp.maximum(nrm, 1e-12)


def _final(parts, table2, brow):
    return pl.pallas_call(
        _final_body,
        grid=(_NB,),
        in_specs=[
            pl.BlockSpec((_NC, _BN, _D), lambda i: (0, i, 0)),
            pl.BlockSpec((_BN, _D), lambda i: (_R * _NB + i, 0)),
            pl.BlockSpec((1, _D), lambda i: (0, 0)),
        ],
        out_specs=pl.BlockSpec((_BN, _D), lambda i: (i, 0)),
        out_shape=jax.ShapeDtypeStruct((_N, _D), jnp.float32),
    )(parts, table2, brow)



_EC = _E // _K


def _sc_scatter(table, gidx, dst):
    mesh = plsc.VectorSubcoreMesh(core_axis_name="c", subcore_axis_name="s")

    @functools.partial(
        pl.kernel,
        mesh=mesh,
        out_type=jax.ShapeDtypeStruct((_NC, _N, _D), jnp.float32),
        scratch_types=(
            [pltpu.VMEM((_K,), jnp.int32)] * 12
            + [pltpu.VMEM((_K, _D), jnp.float32)] * 3
            + [pltpu.VMEM_SHARED((_N, _D), jnp.float32)]
            + [pltpu.SemaphoreType.DMA] * 12
        ),
    )
    def body(table_hbm, gidx_hbm, dst_hbm, out_hbm, *scr):
        idxs = scr[0:6]
        dsts = scr[6:12]
        bufs = scr[12:15]
        acc_sh = scr[15]
        semgs = scr[16:19]
        semss = scr[19:22]
        semis = scr[22:28]
        c = lax.axis_index("c")
        s = lax.axis_index("s")
        w = s * _NC + c

        for m in range(3):
            pltpu.async_copy(gidx_hbm.at[pl.ds((w + m * _NW) * _K, _K)],
                             idxs[m], semis[m])
            pltpu.async_copy(dst_hbm.at[pl.ds((w + m * _NW) * _K, _K)],
                             dsts[m], semis[m])

        def zrow(i, carry):
            for k8 in range(8):
                bufs[0][i, pl.ds(k8 * 16, 16)] = jnp.zeros((16,), jnp.float32)
            return carry

        lax.fori_loop(0, _K, zrow, 0)

        @pl.when(s < 14)
        def _():
            for k in range(4):
                pltpu.async_copy(bufs[0], acc_sh.at[pl.ds(s * 624 + k * _K, _K)],
                                 semss[0])
            pltpu.async_copy(bufs[0].at[pl.ds(0, 112)],
                             acc_sh.at[pl.ds(s * 624 + 4 * _K, 112)], semss[0])
            for k in range(4):
                pltpu.make_async_copy(bufs[0], acc_sh.at[pl.ds(s * 624 + k * _K, _K)],
                                      semss[0]).wait()
            pltpu.make_async_copy(bufs[0].at[pl.ds(0, 112)],
                                  acc_sh.at[pl.ds(s * 624 + 4 * _K, 112)],
                                  semss[0]).wait()

        @pl.when(s >= 14)
        def _():
            base = 8736 + (s - 14) * 632
            for k in range(4):
                pltpu.async_copy(bufs[0], acc_sh.at[pl.ds(base + k * _K, _K)],
                                 semss[0])
            pltpu.async_copy(bufs[0].at[pl.ds(0, 120)],
                             acc_sh.at[pl.ds(base + 4 * _K, 120)], semss[0])
            for k in range(4):
                pltpu.make_async_copy(bufs[0], acc_sh.at[pl.ds(base + k * _K, _K)],
                                      semss[0]).wait()
            pltpu.make_async_copy(bufs[0].at[pl.ds(0, 120)],
                                  acc_sh.at[pl.ds(base + 4 * _K, 120)],
                                  semss[0]).wait()

        plsc.subcore_barrier()


        def step(t, carry):
            for m in range(6):
                s3 = m % 3
                p3 = (m - 1) % 3
                s6 = m
                p6 = (m - 1) % 6
                f6 = (m + 3) % 6
                q = 6 * t + m

                def guard(dq, q=q):
                    cond = (w + _NW * (q + dq)) < _EC
                    if m + dq < 0:
                        cond = jnp.logical_and(t > 0, cond)
                    return cond

                @pl.when(guard(-3))
                def _(s3=s3, f6=f6, q=q):
                    pltpu.make_async_copy(
                        bufs[s3], acc_sh.at[dsts[(f6)]], semss[s3]).wait()

                @pl.when(guard(3))
                def _(f6=f6, q=q):
                    nk = w + _NW * (q + 3)
                    pltpu.async_copy(gidx_hbm.at[pl.ds(nk * _K, _K)],
                                     idxs[f6], semis[f6])
                    pltpu.async_copy(dst_hbm.at[pl.ds(nk * _K, _K)],
                                     dsts[f6], semis[f6])

                @pl.when(guard(0))
                def _(s3=s3, s6=s6, q=q):
                    ck = w + _NW * q
                    pltpu.make_async_copy(gidx_hbm.at[pl.ds(ck * _K, _K)],
                                          idxs[s6], semis[s6]).wait()
                    pltpu.make_async_copy(dst_hbm.at[pl.ds(ck * _K, _K)],
                                          dsts[s6], semis[s6]).wait()
                    pltpu.async_copy(table_hbm.at[idxs[s6]], bufs[s3], semgs[s3])

                @pl.when(guard(-1))
                def _(p3=p3, p6=p6):
                    pltpu.make_async_copy(table_hbm.at[idxs[p6]],
                                          bufs[p3], semgs[p3]).wait()
                    pltpu.async_copy(bufs[p3], acc_sh.at[dsts[p6]],
                                     semss[p3], add=True)

            return carry

        lax.fori_loop(0, 14, step, 0)
        plsc.subcore_barrier()

        @pl.when(s < 14)
        def _():
            pltpu.sync_copy(acc_sh.at[pl.ds(s * 624, 624)],
                            out_hbm.at[c, pl.ds(s * 624, 624)])

        @pl.when(s >= 14)
        def _():
            pltpu.sync_copy(acc_sh.at[pl.ds(8736 + (s - 14) * 632, 632)],
                            out_hbm.at[c, pl.ds(8736 + (s - 14) * 632, 632)])

    return body(table, gidx, dst)


def kernel(in_feat, edge_index, edge_types, W1, loop1, b1, W2, loop2, b2):
    gidx, dst = _prep(edge_index.astype(jnp.int32), edge_types.astype(jnp.int32))
    wcat1 = jnp.concatenate([W1, loop1[None]], axis=0)
    wcat2 = jnp.concatenate([W2, loop2[None]], axis=0)
    b1r = b1.reshape(1, _D)
    b2r = b2.reshape(1, _D)

    t1 = _table(in_feat, wcat1)
    p1 = _sc_scatter(t1, gidx, dst)
    t2 = _combine_table(p1, t1, b1r, wcat2)
    p2 = _sc_scatter(t2, gidx, dst)
    return _final(p2, t2, b2r)

# --- scband reference (transcript-rebuilt; emitter-appended) ---
"""Pipeline reference for scband-rel-gcn-64381559767254 (READ-ONLY COPY).

The authoritative reference and input builder live on the scoring server;
editing this copy changes nothing except your own understanding.
"""

import jax, jax.numpy as jnp
import numpy as np

N = 10000
E = 320000
D = 128
R = 8

def setup_inputs(seed: int = 0) -> dict:
    key = jax.random.key(seed)
    ks = jax.random.split(key, 9)
    in_feat = jax.random.normal(ks[0], (N, D), dtype=jnp.float32)
    edge_index = jax.random.randint(ks[1], (2, E), 0, N, dtype=jnp.int64)
    edge_types = jax.random.randint(ks[2], (E,), 0, R, dtype=jnp.int64)
    # RelGraphConv layer 1 params: per-relation weight, self-loop weight, bias
    W1 = jax.random.normal(ks[3], (R, D, D), dtype=jnp.float32) * 0.05
    loop1 = jax.random.normal(ks[4], (D, D), dtype=jnp.float32) * 0.05
    b1 = jnp.zeros((D,), dtype=jnp.float32)
    # RelGraphConv layer 2 params
    W2 = jax.random.normal(ks[5], (R, D, D), dtype=jnp.float32) * 0.05
    loop2 = jax.random.normal(ks[6], (D, D), dtype=jnp.float32) * 0.05
    b2 = jnp.zeros((D,), dtype=jnp.float32)
    return {"in_feat": in_feat, "edge_index": edge_index, "edge_types": edge_types,
            "W1": W1, "loop1": loop1, "b1": b1, "W2": W2, "loop2": loop2, "b2": b2}


def _rel_graph_conv(h, src, dst, etypes, W, Wloop, b):
    # message: m_e = h[src_e] @ W[etype_e]; equivalently precompute per-relation transforms
    # then gather by (etype, src) -- mathematically identical, avoids per-edge weight gather.
    xW = jnp.einsum('nd,rdo->rno', h, W)          # [R, N, Dout]
    msg = xW[etypes, src]                          # gather -> [E, Dout]
    agg = jax.ops.segment_sum(msg, dst, num_segments=h.shape[0])  # scatter-add
    return agg + h @ Wloop + b                     # self-loop + bias


def reference(in_feat, edge_index, edge_types, W1, loop1, b1, W2, loop2, b2):
    src = edge_index[0]
    dst = edge_index[1]
    h = jax.nn.relu(_rel_graph_conv(in_feat, src, dst, edge_types, W1, loop1, b1))
    h = _rel_graph_conv(h, src, dst, edge_types, W2, loop2, b2)
    # F.normalize: L2 normalize over dim=1 with eps=1e-12
    norm = jnp.maximum(jnp.linalg.norm(h, axis=1, keepdims=True), 1e-12)
    return h / norm

if __name__ == "__main__":
    import jax
    _d = setup_inputs()
    print(jax.jit(kernel)(*tuple(_d.values())))

</pallas_src>

<mosaic_0001>
#map = affine_map<(d0, d1) -> (0, 0)>
#map1 = affine_map<(d0, d1) -> (0)>
#map2 = affine_map<(d0, d1) -> (0, 0, 0)>
module attributes {stable_mosaic.version = 14 : i64} {
  func.func @body(%arg0: i32, %arg1: i32, %arg2: memref<90000x128xf32, #tpu.memory_space<hbm>>, %arg3: memref<320000xi32, #tpu.memory_space<hbm>>, %arg4: memref<320000xi32, #tpu.memory_space<hbm>>, %arg5: memref<2x10000x128xf32, #tpu.memory_space<hbm>>, %arg6: memref<128xi32, #tpu.memory_space<vmem>>, %arg7: memref<128xi32, #tpu.memory_space<vmem>>, %arg8: memref<128xi32, #tpu.memory_space<vmem>>, %arg9: memref<128xi32, #tpu.memory_space<vmem>>, %arg10: memref<128xi32, #tpu.memory_space<vmem>>, %arg11: memref<128xi32, #tpu.memory_space<vmem>>, %arg12: memref<128xi32, #tpu.memory_space<vmem>>, %arg13: memref<128xi32, #tpu.memory_space<vmem>>, %arg14: memref<128xi32, #tpu.memory_space<vmem>>, %arg15: memref<128xi32, #tpu.memory_space<vmem>>, %arg16: memref<128xi32, #tpu.memory_space<vmem>>, %arg17: memref<128xi32, #tpu.memory_space<vmem>>, %arg18: memref<128x128xf32, #tpu.memory_space<vmem>>, %arg19: memref<128x128xf32, #tpu.memory_space<vmem>>, %arg20: memref<128x128xf32, #tpu.memory_space<vmem>>, %arg21: memref<10000x128xf32, #tpu.memory_space<vmem_shared>>, %arg22: memref<!tpu.dma_semaphore, #tpu.memory_space<semaphore_mem>>, %arg23: memref<!tpu.dma_semaphore, #tpu.memory_space<semaphore_mem>>, %arg24: memref<!tpu.dma_semaphore, #tpu.memory_space<semaphore_mem>>, %arg25: memref<!tpu.dma_semaphore, #tpu.memory_space<semaphore_mem>>, %arg26: memref<!tpu.dma_semaphore, #tpu.memory_space<semaphore_mem>>, %arg27: memref<!tpu.dma_semaphore, #tpu.memory_space<semaphore_mem>>, %arg28: memref<!tpu.dma_semaphore, #tpu.memory_space<semaphore_mem>>, %arg29: memref<!tpu.dma_semaphore, #tpu.memory_space<semaphore_mem>>, %arg30: memref<!tpu.dma_semaphore, #tpu.memory_space<semaphore_mem>>, %arg31: memref<!tpu.dma_semaphore, #tpu.memory_space<semaphore_mem>>, %arg32: memref<!tpu.dma_semaphore, #tpu.memory_space<semaphore_mem>>, %arg33: memref<!tpu.dma_semaphore, #tpu.memory_space<semaphore_mem>>) attributes {dimension_semantics = [#tpu.dimension_semantics<core_parallel>, #tpu.dimension_semantics<subcore_parallel>], iteration_bounds = array<i64: 2, 16>, scalar_prefetch = 0 : i64, scratch_operands = 28 : i64, tpu.core_type = #tpu.core_type<sc_vector_subcore>, window_params = [{transform_indices = #map}, {transform_indices = #map1}, {transform_indices = #map1}, {transform_indices = #map2}]} {
    %mul3A = arith.constant 2 : i32
    %mul3A_0 = arith.muli %arg1, %mul3A : i32
    %add3A = arith.addi %mul3A_0, %arg0 : i32
    %add3A_1 = arith.constant 0 : i32
    %add3A_2 = arith.addi %add3A, %add3A_1 : i32
    %mul3A_3 = arith.constant 128 : i32
    %mul3A_4 = arith.muli %add3A_2, %mul3A_3 : i32
    %dma_start3A = tpu.memref_slice %arg3[%mul3A_4] : memref<320000xi32, #tpu.memory_space<hbm>> -> memref<128xi32, #tpu.memory_space<hbm>>
    %dma_start3A_5 = tpu.memref_slice %arg3[%mul3A_4] : memref<320000xi32, #tpu.memory_space<hbm>> -> memref<128xi32, #tpu.memory_space<hbm>>
    tpu.enqueue_dma source(%dma_start3A_5 : memref<128xi32, #tpu.memory_space<hbm>>) target(%arg6 : memref<128xi32, #tpu.memory_space<vmem>>) target_semaphore(%arg28 : memref<!tpu.dma_semaphore, #tpu.memory_space<semaphore_mem>>)
    %add3A_6 = arith.constant 0 : i32
    %add3A_7 = arith.addi %add3A, %add3A_6 : i32
    %mul3A_8 = arith.constant 128 : i32
    %mul3A_9 = arith.muli %add3A_7, %mul3A_8 : i32
    %dma_start3A_10 = tpu.memref_slice %arg4[%mul3A_9] : memref<320000xi32, #tpu.memory_space<hbm>> -> memref<128xi32, #tpu.memory_space<hbm>>
    %dma_start3A_11 = tpu.memref_slice %arg4[%mul3A_9] : memref<320000xi32, #tpu.memory_space<hbm>> -> memref<128xi32, #tpu.memory_space<hbm>>
    tpu.enqueue_dma source(%dma_start3A_11 : memref<128xi32, #tpu.memory_space<hbm>>) target(%arg12 : memref<128xi32, #tpu.memory_space<vmem>>) target_semaphore(%arg28 : memref<!tpu.dma_semaphore, #tpu.memory_space<semaphore_mem>>)
    %add3A_12 = arith.constant 32 : i32
    %add3A_13 = arith.addi %add3A, %add3A_12 : i32
    %mul3A_14 = arith.constant 128 : i32
    %mul3A_15 = arith.muli %add3A_13, %mul3A_14 : i32
    %dma_start3A_16 = tpu.memref_slice %arg3[%mul3A_15] : memref<320000xi32, #tpu.memory_space<hbm>> -> memref<128xi32, #tpu.memory_space<hbm>>
    %dma_start3A_17 = tpu.memref_slice %arg3[%mul3A_15] : memref<320000xi32, #tpu.memory_space<hbm>> -> memref<128xi32, #tpu.memory_space<hbm>>
    tpu.enqueue_dma source(%dma_start3A_17 : memref<128xi32, #tpu.memory_space<hbm>>) target(%arg7 : memref<128xi32, #tpu.memory_space<vmem>>) target_semaphore(%arg29 : memref<!tpu.dma_semaphore, #tpu.memory_space<semaphore_mem>>)
    %add3A_18 = arith.constant 32 : i32
    %add3A_19 = arith.addi %add3A, %add3A_18 : i32
    %mul3A_20 = arith.constant 128 : i32
    %mul3A_21 = arith.muli %add3A_19, %mul3A_20 : i32
    %dma_start3A_22 = tpu.memref_slice %arg4[%mul3A_21] : memref<320000xi32, #tpu.memory_space<hbm>> -> memref<128xi32, #tpu.memory_space<hbm>>
    %dma_start3A_23 = tpu.memref_slice %arg4[%mul3A_21] : memref<320000xi32, #tpu.memory_space<hbm>> -> memref<128xi32, #tpu.memory_space<hbm>>
    tpu.enqueue_dma source(%dma_start3A_23 : memref<128xi32, #tpu.memory_space<hbm>>) target(%arg13 : memref<128xi32, #tpu.memory_space<vmem>>) target_semaphore(%arg29 : memref<!tpu.dma_semaphore, #tpu.memory_space<semaphore_mem>>)
    %add3A_24 = arith.constant 64 : i32
    %add3A_25 = arith.addi %add3A, %add3A_24 : i32
    %mul3A_26 = arith.constant 128 : i32
    %mul3A_27 = arith.muli %add3A_25, %mul3A_26 : i32
    %dma_start3A_28 = tpu.memref_slice %arg3[%mul3A_27] : memref<320000xi32, #tpu.memory_space<hbm>> -> memref<128xi32, #tpu.memory_space<hbm>>
    %dma_start3A_29 = tpu.memref_slice %arg3[%mul3A_27] : memref<320000xi32, #tpu.memory_space<hbm>> -> memref<128xi32, #tpu.memory_space<hbm>>
    tpu.enqueue_dma source(%dma_start3A_29 : memref<128xi32, #tpu.memory_space<hbm>>) target(%arg8 : memref<128xi32, #tpu.memory_space<vmem>>) target_semaphore(%arg30 : memref<!tpu.dma_semaphore, #tpu.memory_space<semaphore_mem>>)
    %add3A_30 = arith.constant 64 : i32
    %add3A_31 = arith.addi %add3A, %add3A_30 : i32
    %mul3A_32 = arith.constant 128 : i32
    %mul3A_33 = arith.muli %add3A_31, %mul3A_32 : i32
    %dma_start3A_34 = tpu.memref_slice %arg4[%mul3A_33] : memref<320000xi32, #tpu.memory_space<hbm>> -> memref<128xi32, #tpu.memory_space<hbm>>
    %dma_start3A_35 = tpu.memref_slice %arg4[%mul3A_33] : memref<320000xi32, #tpu.memory_space<hbm>> -> memref<128xi32, #tpu.memory_space<hbm>>
    tpu.enqueue_dma source(%dma_start3A_35 : memref<128xi32, #tpu.memory_space<hbm>>) target(%arg14 : memref<128xi32, #tpu.memory_space<vmem>>) target_semaphore(%arg30 : memref<!tpu.dma_semaphore, #tpu.memory_space<semaphore_mem>>)
    %scan3A = arith.constant 0 : i32
    %scan3A_36 = arith.constant 0 : i32
    %scan3A_37 = arith.constant 128 : i32
    %scan3A_38 = arith.addi %scan3A_36, %scan3A_37 : i32
    %scan3A_39 = arith.constant 1 : i32
    scf.for %scan3A_64 = %scan3A_36 to %scan3A_38 step %scan3A_39  : i32 {
      %broadcast_in_dim3A = arith.constant 0.000000e+00 : f32
      %broadcast_in_dim3A_65 = vector.broadcast %broadcast_in_dim3A : f32 to vector<16xf32>
      %swap3A = arith.index_cast %scan3A_64 : i32 to index
      %swap3A_66 = arith.constant 0 : index
      %swap3A_67 = tpu.vector_load %arg18[%swap3A, %swap3A_66] {strides = array<i32>} : memref<128x128xf32, #tpu.memory_space<vmem>>, vector<1x16xf32>,
      %swap3A_68 = vector.shape_cast %swap3A_67 : vector<1x16xf32> to vector<16xf32>
      %swap3A_69 = vector.shape_cast %broadcast_in_dim3A_65 : vector<16xf32> to vector<1x16xf32>
      tpu.vector_store %arg18[%swap3A, %swap3A_66], %swap3A_69 {strides = array<i32>} : memref<128x128xf32, #tpu.memory_space<vmem>>, vector<1x16xf32>,
      %broadcast_in_dim3A_70 = arith.constant 0.000000e+00 : f32
      %broadcast_in_dim3A_71 = vector.broadcast %broadcast_in_dim3A_70 : f32 to vector<16xf32>
      %swap3A_72 = arith.index_cast %scan3A_64 : i32 to index
      %swap3A_73 = arith.constant 16 : index
      %swap3A_74 = tpu.vector_load %arg18[%swap3A_72, %swap3A_73] {strides = array<i32>} : memref<128x128xf32, #tpu.memory_space<vmem>>, vector<1x16xf32>,
      %swap3A_75 = vector.shape_cast %swap3A_74 : vector<1x16xf32> to vector<16xf32>
      %swap3A_76 = vector.shape_cast %broadcast_in_dim3A_71 : vector<16xf32> to vector<1x16xf32>
      tpu.vector_store %arg18[%swap3A_72, %swap3A_73], %swap3A_76 {strides = array<i32>} : memref<128x128xf32, #tpu.memory_space<vmem>>, vector<1x16xf32>,
      %broadcast_in_dim3A_77 = arith.constant 0.000000e+00 : f32
      %broadcast_in_dim3A_78 = vector.broadcast %broadcast_in_dim3A_77 : f32 to vector<16xf32>
      %swap3A_79 = arith.index_cast %scan3A_64 : i32 to index
      %swap3A_80 = arith.constant 32 : index
      %swap3A_81 = tpu.vector_load %arg18[%swap3A_79, %swap3A_80] {strides = array<i32>} : memref<128x128xf32, #tpu.memory_space<vmem>>, vector<1x16xf32>,
      %swap3A_82 = vector.shape_cast %swap3A_81 : vector<1x16xf32> to vector<16xf32>
      %swap3A_83 = vector.shape_cast %broadcast_in_dim3A_78 : vector<16xf32> to vector<1x16xf32>
      tpu.vector_store %arg18[%swap3A_79, %swap3A_80], %swap3A_83 {strides = array<i32>} : memref<128x128xf32, #tpu.memory_space<vmem>>, vector<1x16xf32>,
      %broadcast_in_dim3A_84 = arith.constant 0.000000e+00 : f32
      %broadcast_in_dim3A_85 = vector.broadcast %broadcast_in_dim3A_84 : f32 to vector<16xf32>
      %swap3A_86 = arith.index_cast %scan3A_64 : i32 to index
      %swap3A_87 = arith.constant 48 : index
      %swap3A_88 = tpu.vector_load %arg18[%swap3A_86, %swap3A_87] {strides = array<i32>} : memref<128x128xf32, #tpu.memory_space<vmem>>, vector<1x16xf32>,
      %swap3A_89 = vector.shape_cast %swap3A_88 : vector<1x16xf32> to vector<16xf32>
      %swap3A_90 = vector.shape_cast %broadcast_in_dim3A_85 : vector<16xf32> to vector<1x16xf32>
      tpu.vector_store %arg18[%swap3A_86, %swap3A_87], %swap3A_90 {strides = array<i32>} : memref<128x128xf32, #tpu.memory_space<vmem>>, vector<1x16xf32>,
      %broadcast_in_dim3A_91 = arith.constant 0.000000e+00 : f32
      %broadcast_in_dim3A_92 = vector.broadcast %broadcast_in_dim3A_91 : f32 to vector<16xf32>
      %swap3A_93 = arith.index_cast %scan3A_64 : i32 to index
      %swap3A_94 = arith.constant 64 : index
      %swap3A_95 = tpu.vector_load %arg18[%swap3A_93, %swap3A_94] {strides = array<i32>} : memref<128x128xf32, #tpu.memory_space<vmem>>, vector<1x16xf32>,
      %swap3A_96 = vector.shape_cast %swap3A_95 : vector<1x16xf32> to vector<16xf32>
      %swap3A_97 = vector.shape_cast %broadcast_in_dim3A_92 : vector<16xf32> to vector<1x16xf32>
      tpu.vector_store %arg18[%swap3A_93, %swap3A_94], %swap3A_97 {strides = array<i32>} : memref<128x128xf32, #tpu.memory_space<vmem>>, vector<1x16xf32>,
      %broadcast_in_dim3A_98 = arith.constant 0.000000e+00 : f32
      %broadcast_in_dim3A_99 = vector.broadcast %broadcast_in_dim3A_98 : f32 to vector<16xf32>
      %swap3A_100 = arith.index_cast %scan3A_64 : i32 to index
      %swap3A_101 = arith.constant 80 : index
      %swap3A_102 = tpu.vector_load %arg18[%swap3A_100, %swap3A_101] {strides = array<i32>} : memref<128x128xf32, #tpu.memory_space<vmem>>, vector<1x16xf32>,
      %swap3A_103 = vector.shape_cast %swap3A_102 : vector<1x16xf32> to vector<16xf32>
      %swap3A_104 = vector.shape_cast %broadcast_in_dim3A_99 : vector<16xf32> to vector<1x16xf32>
      tpu.vector_store %arg18[%swap3A_100, %swap3A_101], %swap3A_104 {strides = array<i32>} : memref<128x128xf32, #tpu.memory_space<vmem>>, vector<1x16xf32>,
      %broadcast_in_dim3A_105 = arith.constant 0.000000e+00 : f32
      %broadcast_in_dim3A_106 = vector.broadcast %broadcast_in_dim3A_105 : f32 to vector<16xf32>
      %swap3A_107 = arith.index_cast %scan3A_64 : i32 to index
      %swap3A_108 = arith.constant 96 : index
      %swap3A_109 = tpu.vector_load %arg18[%swap3A_107, %swap3A_108] {strides = array<i32>} : memref<128x128xf32, #tpu.memory_space<vmem>>, vector<1x16xf32>,
      %swap3A_110 = vector.shape_cast %swap3A_109 : vector<1x16xf32> to vector<16xf32>
      %swap3A_111 = vector.shape_cast %broadcast_in_dim3A_106 : vector<16xf32> to vector<1x16xf32>
      tpu.vector_store %arg18[%swap3A_107, %swap3A_108], %swap3A_111 {strides = array<i32>} : memref<128x128xf32, #tpu.memory_space<vmem>>, vector<1x16xf32>,
      %broadcast_in_dim3A_112 = arith.constant 0.000000e+00 : f32
      %broadcast_in_dim3A_113 = vector.broadcast %broadcast_in_dim3A_112 : f32 to vector<16xf32>
      %swap3A_114 = arith.index_cast %scan3A_64 : i32 to index
      %swap3A_115 = arith.constant 112 : index
      %swap3A_116 = tpu.vector_load %arg18[%swap3A_114, %swap3A_115] {strides = array<i32>} : memref<128x128xf32, #tpu.memory_space<vmem>>, vector<1x16xf32>,
      %swap3A_117 = vector.shape_cast %swap3A_116 : vector<1x16xf32> to vector<16xf32>
      %swap3A_118 = vector.shape_cast %broadcast_in_dim3A_113 : vector<16xf32> to vector<1x16xf32>
      tpu.vector_store %arg18[%swap3A_114, %swap3A_115], %swap3A_118 {strides = array<i32>} : memref<128x128xf32, #tpu.memory_space<vmem>>, vector<1x16xf32>,
    }
    %scan3A_40 = arith.constant 128 : i32
    %lt3A = arith.constant 14 : i32
    %lt3A_41 = arith.cmpi slt, %arg1, %lt3A : i32
    %convert_element_type3A = arith.extui %lt3A_41 : i1 to i32
    %cond3A = arith.constant 0 : i32
    %cond3A_42 = arith.cmpi ne, %convert_element_type3A, %cond3A : i32
    scf.if %cond3A_42 {
      %mul3A_64 = arith.constant 624 : i32
      %mul3A_65 = arith.muli %arg1, %mul3A_64 : i32
      %add3A_66 = arith.constant 0 : i32
      %add3A_67 = arith.addi %mul3A_65, %add3A_66 : i32
      %dma_start3A_68 = arith.constant 0 : i32
      %dma_start3A_69 = tpu.memref_slice %arg21[%add3A_67, %dma_start3A_68] : memref<10000x128xf32, #tpu.memory_space<vmem_shared>> -> memref<128x128xf32, #tpu.memory_space<vmem_shared>>
      %dma_start3A_70 = arith.constant 0 : i32
      %dma_start3A_71 = tpu.memref_slice %arg21[%add3A_67, %dma_start3A_70] : memref<10000x128xf32, #tpu.memory_space<vmem_shared>> -> memref<128x128xf32, #tpu.memory_space<vmem_shared>>
      tpu.enqueue_dma source(%arg18 : memref<128x128xf32, #tpu.memory_space<vmem>>) target(%dma_start3A_71 : memref<128x128xf32, #tpu.memory_space<vmem_shared>>) target_semaphore(%arg25 : memref<!tpu.dma_semaphore, #tpu.memory_space<semaphore_mem>>)
      %mul3A_72 = arith.constant 624 : i32
      %mul3A_73 = arith.muli %arg1, %mul3A_72 : i32
      %add3A_74 = arith.constant 128 : i32
      %add3A_75 = arith.addi %mul3A_73, %add3A_74 : i32
      %dma_start3A_76 = arith.constant 0 : i32
      %dma_start3A_77 = tpu.memref_slice %arg21[%add3A_75, %dma_start3A_76] : memref<10000x128xf32, #tpu.memory_space<vmem_shared>> -> memref<128x128xf32, #tpu.memory_space<vmem_shared>>
      %dma_start3A_78 = arith.constant 0 : i32
      %dma_start3A_79 = tpu.memref_slice %arg21[%add3A_75, %dma_start3A_78] : memref<10000x128xf32, #tpu.memory_space<vmem_shared>> -> memref<128x128xf32, #tpu.memory_space<vmem_shared>>
      tpu.enqueue_dma source(%arg18 : memref<128x128xf32, #tpu.memory_space<vmem>>) target(%dma_start3A_79 : memref<128x128xf32, #tpu.memory_space<vmem_shared>>) target_semaphore(%arg25 : memref<!tpu.dma_semaphore, #tpu.memory_space<semaphore_mem>>)
      %mul3A_80 = arith.constant 624 : i32
      %mul3A_81 = arith.muli %arg1, %mul3A_80 : i32
      %add3A_82 = arith.constant 256 : i32
      %add3A_83 = arith.addi %mul3A_81, %add3A_82 : i32
      %dma_start3A_84 = arith.constant 0 : i32
      %dma_start3A_85 = tpu.memref_slice %arg21[%add3A_83, %dma_start3A_84] : memref<10000x128xf32, #tpu.memory_space<vmem_shared>> -> memref<128x128xf32, #tpu.memory_space<vmem_shared>>
      %dma_start3A_86 = arith.constant 0 : i32
      %dma_start3A_87 = tpu.memref_slice %arg21[%add3A_83, %dma_start3A_86] : memref<10000x128xf32, #tpu.memory_space<vmem_shared>> -> memref<128x128xf32, #tpu.memory_space<vmem_shared>>
      tpu.enqueue_dma source(%arg18 : memref<128x128xf32, #tpu.memory_space<vmem>>) target(%dma_start3A_87 : memref<128x128xf32, #tpu.memory_space<vmem_shared>>) target_semaphore(%arg25 : memref<!tpu.dma_semaphore, #tpu.memory_space<semaphore_mem>>)
      %mul3A_88 = arith.constant 624 : i32
      %mul3A_89 = arith.muli %arg1, %mul3A_88 : i32
      %add3A_90 = arith.constant 384 : i32
      %add3A_91 = arith.addi %mul3A_89, %add3A_90 : i32
      %dma_start3A_92 = arith.constant 0 : i32
      %dma_start3A_93 = tpu.memref_slice %arg21[%add3A_91, %dma_start3A_92] : memref<10000x128xf32, #tpu.memory_space<vmem_shared>> -> memref<128x128xf32, #tpu.memory_space<vmem_shared>>
      %dma_start3A_94 = arith.constant 0 : i32
      %dma_start3A_95 = tpu.memref_slice %arg21[%add3A_91, %dma_start3A_94] : memref<10000x128xf32, #tpu.memory_space<vmem_shared>> -> memref<128x128xf32, #tpu.memory_space<vmem_shared>>
      tpu.enqueue_dma source(%arg18 : memref<128x128xf32, #tpu.memory_space<vmem>>) target(%dma_start3A_95 : memref<128x128xf32, #tpu.memory_space<vmem_shared>>) target_semaphore(%arg25 : memref<!tpu.dma_semaphore, #tpu.memory_space<semaphore_mem>>)
      %mul3A_96 = arith.constant 624 : i32
      %mul3A_97 = arith.muli %arg1, %mul3A_96 : i32
      %add3A_98 = arith.constant 512 : i32
      %add3A_99 = arith.addi %mul3A_97, %add3A_98 : i32
      %dma_start3A_100 = arith.constant 0 : i32
      %dma_start3A_101 = arith.constant 0 : i32
      %dma_start3A_102 = tpu.memref_slice %arg18[%dma_start3A_100, %dma_start3A_101] : memref<128x128xf32, #tpu.memory_space<vmem>> -> memref<112x128xf32, #tpu.memory_space<vmem>>
      %dma_start3A_103 = arith.constant 0 : i32
      %dma_start3A_104 = tpu.memref_slice %arg21[%add3A_99, %dma_start3A_103] : memref<10000x128xf32, #tpu.memory_space<vmem_shared>> -> memref<112x128xf32, #tpu.memory_space<vmem_shared>>
      %dma_start3A_105 = arith.constant 0 : i32
      %dma_start3A_106 = tpu.memref_slice %arg21[%add3A_99, %dma_start3A_105] : memref<10000x128xf32, #tpu.memory_space<vmem_shared>> -> memref<112x128xf32, #tpu.memory_space<vmem_shared>>
      %dma_start3A_107 = arith.constant 0 : i32
      %dma_start3A_108 = arith.constant 0 : i32
      %dma_start3A_109 = tpu.memref_slice %arg18[%dma_start3A_107, %dma_start3A_108] : memref<128x128xf32, #tpu.memory_space<vmem>> -> memref<112x128xf32, #tpu.memory_space<vmem>>
      tpu.enqueue_dma source(%dma_start3A_109 : memref<112x128xf32, #tpu.memory_space<vmem>>) target(%dma_start3A_106 : memref<112x128xf32, #tpu.memory_space<vmem_shared>>) target_semaphore(%arg25 : memref<!tpu.dma_semaphore, #tpu.memory_space<semaphore_mem>>)
      %mul3A_110 = arith.constant 624 : i32
      %mul3A_111 = arith.muli %arg1, %mul3A_110 : i32
      %add3A_112 = arith.constant 0 : i32
      %add3A_113 = arith.addi %mul3A_111, %add3A_112 : i32
      %dma_wait3A = arith.constant 0 : i32
      %dma_wait3A_114 = tpu.memref_slice %arg21[%add3A_113, %dma_wait3A] : memref<10000x128xf32, #tpu.memory_space<vmem_shared>> -> memref<128x128xf32, #tpu.memory_space<vmem_shared>>
      %dma_wait3A_115 = arith.constant 0 : i32
      %dma_wait3A_116 = tpu.memref_slice %arg21[%add3A_113, %dma_wait3A_115] : memref<10000x128xf32, #tpu.memory_space<vmem_shared>> -> memref<128x128xf32, #tpu.memory_space<vmem_shared>>
      tpu.wait_dma2 semaphore(%arg25 : memref<!tpu.dma_semaphore, #tpu.memory_space<semaphore_mem>>) src(%arg18 : memref<128x128xf32, #tpu.memory_space<vmem>>) dst(%dma_wait3A_116 : memref<128x128xf32, #tpu.memory_space<vmem_shared>>)
      %mul3A_117 = arith.constant 624 : i32
      %mul3A_118 = arith.muli %arg1, %mul3A_117 : i32
      %add3A_119 = arith.constant 128 : i32
      %add3A_120 = arith.addi %mul3A_118, %add3A_119 : i32
      %dma_wait3A_121 = arith.constant 0 : i32
      %dma_wait3A_122 = tpu.memref_slice %arg21[%add3A_120, %dma_wait3A_121] : memref<10000x128xf32, #tpu.memory_space<vmem_shared>> -> memref<128x128xf32, #tpu.memory_space<vmem_shared>>
      %dma_wait3A_123 = arith.constant 0 : i32
      %dma_wait3A_124 = tpu.memref_slice %arg21[%add3A_120, %dma_wait3A_123] : memref<10000x128xf32, #tpu.memory_space<vmem_shared>> -> memref<128x128xf32, #tpu.memory_space<vmem_shared>>
      tpu.wait_dma2 semaphore(%arg25 : memref<!tpu.dma_semaphore, #tpu.memory_space<semaphore_mem>>) src(%arg18 : memref<128x128xf32, #tpu.memory_space<vmem>>) dst(%dma_wait3A_124 : memref<128x128xf32, #tpu.memory_space<vmem_shared>>)
      %mul3A_125 = arith.constant 624 : i32
      %mul3A_126 = arith.muli %arg1, %mul3A_125 : i32
      %add3A_127 = arith.constant 256 : i32
      %add3A_128 = arith.addi %mul3A_126, %add3A_127 : i32
      %dma_wait3A_129 = arith.constant 0 : i32
      %dma_wait3A_130 = tpu.memref_slice %arg21[%add3A_128, %dma_wait3A_129] : memref<10000x128xf32, #tpu.memory_space<vmem_shared>> -> memref<128x128xf32, #tpu.memory_space<vmem_shared>>
      %dma_wait3A_131 = arith.constant 0 : i32
      %dma_wait3A_132 = tpu.memref_slice %arg21[%add3A_128, %dma_wait3A_131] : memref<10000x128xf32, #tpu.memory_space<vmem_shared>> -> memref<128x128xf32, #tpu.memory_space<vmem_shared>>
      tpu.wait_dma2 semaphore(%arg25 : memref<!tpu.dma_semaphore, #tpu.memory_space<semaphore_mem>>) src(%arg18 : memref<128x128xf32, #tpu.memory_space<vmem>>) dst(%dma_wait3A_132 : memref<128x128xf32, #tpu.memory_space<vmem_shared>>)
      %mul3A_133 = arith.constant 624 : i32
      %mul3A_134 = arith.muli %arg1, %mul3A_133 : i32
      %add3A_135 = arith.constant 384 : i32
      %add3A_136 = arith.addi %mul3A_134, %add3A_135 : i32
      %dma_wait3A_137 = arith.constant 0 : i32
      %dma_wait3A_138 = tpu.memref_slice %arg21[%add3A_136, %dma_wait3A_137] : memref<10000x128xf32, #tpu.memory_space<vmem_shared>> -> memref<128x128xf32, #tpu.memory_space<vmem_shared>>
      %dma_wait3A_139 = arith.constant 0 : i32
      %dma_wait3A_140 = tpu.memref_slice %arg21[%add3A_136, %dma_wait3A_139] : memref<10000x128xf32, #tpu.memory_space<vmem_shared>> -> memref<128x128xf32, #tpu.memory_space<vmem_shared>>
      tpu.wait_dma2 semaphore(%arg25 : memref<!tpu.dma_semaphore, #tpu.memory_space<semaphore_mem>>) src(%arg18 : memref<128x128xf32, #tpu.memory_space<vmem>>) dst(%dma_wait3A_140 : memref<128x128xf32, #tpu.memory_space<vmem_shared>>)
      %mul3A_141 = arith.constant 624 : i32
      %mul3A_142 = arith.muli %arg1, %mul3A_141 : i32
      %add3A_143 = arith.constant 512 : i32
      %add3A_144 = arith.addi %mul3A_142, %add3A_143 : i32
      %dma_wait3A_145 = arith.constant 0 : i32
      %dma_wait3A_146 = arith.constant 0 : i32
      %dma_wait3A_147 = tpu.memref_slice %arg18[%dma_wait3A_145, %dma_wait3A_146] : memref<128x128xf32, #tpu.memory_space<vmem>> -> memref<112x128xf32, #tpu.memory_space<vmem>>
      %dma_wait3A_148 = arith.constant 0 : i32
      %dma_wait3A_149 = tpu.memref_slice %arg21[%add3A_144, %dma_wait3A_148] : memref<10000x128xf32, #tpu.memory_space<vmem_shared>> -> memref<112x128xf32, #tpu.memory_space<vmem_shared>>
      %dma_wait3A_150 = arith.constant 0 : i32
      %dma_wait3A_151 = tpu.memref_slice %arg21[%add3A_144, %dma_wait3A_150] : memref<10000x128xf32, #tpu.memory_space<vmem_shared>> -> memref<112x128xf32, #tpu.memory_space<vmem_shared>>
      %dma_wait3A_152 = arith.constant 0 : i32
      %dma_wait3A_153 = arith.constant 0 : i32
      %dma_wait3A_154 = tpu.memref_slice %arg18[%dma_wait3A_152, %dma_wait3A_153] : memref<128x128xf32, #tpu.memory_space<vmem>> -> memref<112x128xf32, #tpu.memory_space<vmem>>
      tpu.wait_dma2 semaphore(%arg25 : memref<!tpu.dma_semaphore, #tpu.memory_space<semaphore_mem>>) src(%dma_wait3A_154 : memref<112x128xf32, #tpu.memory_space<vmem>>) dst(%dma_wait3A_151 : memref<112x128xf32, #tpu.memory_space<vmem_shared>>)
    } else {
    }
    %ge3A = arith.constant 14 : i32
    %ge3A_43 = arith.cmpi sge, %arg1, %ge3A : i32
    %convert_element_type3A_44 = arith.extui %ge3A_43 : i1 to i32
    %cond3A_45 = arith.constant 0 : i32
    %cond3A_46 = arith.cmpi ne, %convert_element_type3A_44, %cond3A_45 : i32
    scf.if %cond3A_46 {
      %sub3A = arith.constant 14 : i32
      %sub3A_64 = arith.subi %arg1, %sub3A : i32
      %mul3A_65 = arith.constant 632 : i32
      %mul3A_66 = arith.muli %sub3A_64, %mul3A_65 : i32
      %add3A_67 = arith.constant 8736 : i32
      %add3A_68 = arith.addi %add3A_67, %mul3A_66 : i32
      %add3A_69 = arith.constant 0 : i32
      %add3A_70 = arith.addi %add3A_68, %add3A_69 : i32
      %dma_start3A_71 = arith.constant 0 : i32
      %dma_start3A_72 = tpu.memref_slice %arg21[%add3A_70, %dma_start3A_71] : memref<10000x128xf32, #tpu.memory_space<vmem_shared>> -> memref<128x128xf32, #tpu.memory_space<vmem_shared>>
      %dma_start3A_73 = arith.constant 0 : i32
      %dma_start3A_74 = tpu.memref_slice %arg21[%add3A_70, %dma_start3A_73] : memref<10000x128xf32, #tpu.memory_space<vmem_shared>> -> memref<128x128xf32, #tpu.memory_space<vmem_shared>>
      tpu.enqueue_dma source(%arg18 : memref<128x128xf32, #tpu.memory_space<vmem>>) target(%dma_start3A_74 : memref<128x128xf32, #tpu.memory_space<vmem_shared>>) target_semaphore(%arg25 : memref<!tpu.dma_semaphore, #tpu.memory_space<semaphore_mem>>)
      %add3A_75 = arith.constant 128 : i32
      %add3A_76 = arith.addi %add3A_68, %add3A_75 : i32
      %dma_start3A_77 = arith.constant 0 : i32
      %dma_start3A_78 = tpu.memref_slice %arg21[%add3A_76, %dma_start3A_77] : memref<10000x128xf32, #tpu.memory_space<vmem_shared>> -> memref<128x128xf32, #tpu.memory_space<vmem_shared>>
      %dma_start3A_79 = arith.constant 0 : i32
      %dma_start3A_80 = tpu.memref_slice %arg21[%add3A_76, %dma_start3A_79] : memref<10000x128xf32, #tpu.memory_space<vmem_shared>> -> memref<128x128xf32, #tpu.memory_space<vmem_shared>>
      tpu.enqueue_dma source(%arg18 : memref<128x128xf32, #tpu.memory_space<vmem>>) target(%dma_start3A_80 : memref<128x128xf32, #tpu.memory_space<vmem_shared>>) target_semaphore(%arg25 : memref<!tpu.dma_semaphore, #tpu.memory_space<semaphore_mem>>)
      %add3A_81 = arith.constant 256 : i32
      %add3A_82 = arith.addi %add3A_68, %add3A_81 : i32
      %dma_start3A_83 = arith.constant 0 : i32
      %dma_start3A_84 = tpu.memref_slice %arg21[%add3A_82, %dma_start3A_83] : memref<10000x128xf32, #tpu.memory_space<vmem_shared>> -> memref<128x128xf32, #tpu.memory_space<vmem_shared>>
      %dma_start3A_85 = arith.constant 0 : i32
      %dma_start3A_86 = tpu.memref_slice %arg21[%add3A_82, %dma_start3A_85] : memref<10000x128xf32, #tpu.memory_space<vmem_shared>> -> memref<128x128xf32, #tpu.memory_space<vmem_shared>>
      tpu.enqueue_dma source(%arg18 : memref<128x128xf32, #tpu.memory_space<vmem>>) target(%dma_start3A_86 : memref<128x128xf32, #tpu.memory_space<vmem_shared>>) target_semaphore(%arg25 : memref<!tpu.dma_semaphore, #tpu.memory_space<semaphore_mem>>)
      %add3A_87 = arith.constant 384 : i32
      %add3A_88 = arith.addi %add3A_68, %add3A_87 : i32
      %dma_start3A_89 = arith.constant 0 : i32
      %dma_start3A_90 = tpu.memref_slice %arg21[%add3A_88, %dma_start3A_89] : memref<10000x128xf32, #tpu.memory_space<vmem_shared>> -> memref<128x128xf32, #tpu.memory_space<vmem_shared>>
      %dma_start3A_91 = arith.constant 0 : i32
      %dma_start3A_92 = tpu.memref_slice %arg21[%add3A_88, %dma_start3A_91] : memref<10000x128xf32, #tpu.memory_space<vmem_shared>> -> memref<128x128xf32, #tpu.memory_space<vmem_shared>>
      tpu.enqueue_dma source(%arg18 : memref<128x128xf32, #tpu.memory_space<vmem>>) target(%dma_start3A_92 : memref<128x128xf32, #tpu.memory_space<vmem_shared>>) target_semaphore(%arg25 : memref<!tpu.dma_semaphore, #tpu.memory_space<semaphore_mem>>)
      %add3A_93 = arith.constant 512 : i32
      %add3A_94 = arith.addi %add3A_68, %add3A_93 : i32
      %dma_start3A_95 = arith.constant 0 : i32
      %dma_start3A_96 = arith.constant 0 : i32
      %dma_start3A_97 = tpu.memref_slice %arg18[%dma_start3A_95, %dma_start3A_96] : memref<128x128xf32, #tpu.memory_space<vmem>> -> memref<120x128xf32, #tpu.memory_space<vmem>>
      %dma_start3A_98 = arith.constant 0 : i32
      %dma_start3A_99 = tpu.memref_slice %arg21[%add3A_94, %dma_start3A_98] : memref<10000x128xf32, #tpu.memory_space<vmem_shared>> -> memref<120x128xf32, #tpu.memory_space<vmem_shared>>
      %dma_start3A_100 = arith.constant 0 : i32
      %dma_start3A_101 = tpu.memref_slice %arg21[%add3A_94, %dma_start3A_100] : memref<10000x128xf32, #tpu.memory_space<vmem_shared>> -> memref<120x128xf32, #tpu.memory_space<vmem_shared>>
      %dma_start3A_102 = arith.constant 0 : i32
      %dma_start3A_103 = arith.constant 0 : i32
      %dma_start3A_104 = tpu.memref_slice %arg18[%dma_start3A_102, %dma_start3A_103] : memref<128x128xf32, #tpu.memory_space<vmem>> -> memref<120x128xf32, #tpu.memory_space<vmem>>
      tpu.enqueue_dma source(%dma_start3A_104 : memref<120x128xf32, #tpu.memory_space<vmem>>) target(%dma_start3A_101 : memref<120x128xf32, #tpu.memory_space<vmem_shared>>) target_semaphore(%arg25 : memref<!tpu.dma_semaphore, #tpu.memory_space<semaphore_mem>>)
      %add3A_105 = arith.constant 0 : i32
      %add3A_106 = arith.addi %add3A_68, %add3A_105 : i32
      %dma_wait3A = arith.constant 0 : i32
      %dma_wait3A_107 = tpu.memref_slice %arg21[%add3A_106, %dma_wait3A] : memref<10000x128xf32, #tpu.memory_space<vmem_shared>> -> memref<128x128xf32, #tpu.memory_space<vmem_shared>>
      %dma_wait3A_108 = arith.constant 0 : i32
      %dma_wait3A_109 = tpu.memref_slice %arg21[%add3A_106, %dma_wait3A_108] : memref<10000x128xf32, #tpu.memory_space<vmem_shared>> -> memref<128x128xf32, #tpu.memory_space<vmem_shared>>
      tpu.wait_dma2 semaphore(%arg25 : memref<!tpu.dma_semaphore, #tpu.memory_space<semaphore_mem>>) src(%arg18 : memref<128x128xf32, #tpu.memory_space<vmem>>) dst(%dma_wait3A_109 : memref<128x128xf32, #tpu.memory_space<vmem_shared>>)
      %add3A_110 = arith.constant 128 : i32
      %add3A_111 = arith.addi %add3A_68, %add3A_110 : i32
      %dma_wait3A_112 = arith.constant 0 : i32
      %dma_wait3A_113 = tpu.memref_slice %arg21[%add3A_111, %dma_wait3A_112] : memref<10000x128xf32, #tpu.memory_space<vmem_shared>> -> memref<128x128xf32, #tpu.memory_space<vmem_shared>>
      %dma_wait3A_114 = arith.constant 0 : i32
      %dma_wait3A_115 = tpu.memref_slice %arg21[%add3A_111, %dma_wait3A_114] : memref<10000x128xf32, #tpu.memory_space<vmem_shared>> -> memref<128x128xf32, #tpu.memory_space<vmem_shared>>
      tpu.wait_dma2 semaphore(%arg25 : memref<!tpu.dma_semaphore, #tpu.memory_space<semaphore_mem>>) src(%arg18 : memref<128x128xf32, #tpu.memory_space<vmem>>) dst(%dma_wait3A_115 : memref<128x128xf32, #tpu.memory_space<vmem_shared>>)
      %add3A_116 = arith.constant 256 : i32
      %add3A_117 = arith.addi %add3A_68, %add3A_116 : i32
      %dma_wait3A_118 = arith.constant 0 : i32
      %dma_wait3A_119 = tpu.memref_slice %arg21[%add3A_117, %dma_wait3A_118] : memref<10000x128xf32, #tpu.memory_space<vmem_shared>> -> memref<128x128xf32, #tpu.memory_space<vmem_shared>>
      %dma_wait3A_120 = arith.constant 0 : i32
      %dma_wait3A_121 = tpu.memref_slice %arg21[%add3A_117, %dma_wait3A_120] : memref<10000x128xf32, #tpu.memory_space<vmem_shared>> -> memref<128x128xf32, #tpu.memory_space<vmem_shared>>
      tpu.wait_dma2 semaphore(%arg25 : memref<!tpu.dma_semaphore, #tpu.memory_space<semaphore_mem>>) src(%arg18 : memref<128x128xf32, #tpu.memory_space<vmem>>) dst(%dma_wait3A_121 : memref<128x128xf32, #tpu.memory_space<vmem_shared>>)
      %add3A_122 = arith.constant 384 : i32
      %add3A_123 = arith.addi %add3A_68, %add3A_122 : i32
      %dma_wait3A_124 = arith.constant 0 : i32
      %dma_wait3A_125 = tpu.memref_slice %arg21[%add3A_123, %dma_wait3A_124] : memref<10000x128xf32, #tpu.memory_space<vmem_shared>> -> memref<128x128xf32, #tpu.memory_space<vmem_shared>>
      %dma_wait3A_126 = arith.constant 0 : i32
      %dma_wait3A_127 = tpu.memref_slice %arg21[%add3A_123, %dma_wait3A_126] : memref<10000x128xf32, #tpu.memory_space<vmem_shared>> -> memref<128x128xf32, #tpu.memory_space<vmem_shared>>
      tpu.wait_dma2 semaphore(%arg25 : memref<!tpu.dma_semaphore, #tpu.memory_space<semaphore_mem>>) src(%arg18 : memref<128x128xf32, #tpu.memory_space<vmem>>) dst(%dma_wait3A_127 : memref<128x128xf32, #tpu.memory_space<vmem_shared>>)
      %add3A_128 = arith.constant 512 : i32
      %add3A_129 = arith.addi %add3A_68, %add3A_128 : i32
      %dma_wait3A_130 = arith.constant 0 : i32
      %dma_wait3A_131 = arith.constant 0 : i32
      %dma_wait3A_132 = tpu.memref_slice %arg18[%dma_wait3A_130, %dma_wait3A_131] : memref<128x128xf32, #tpu.memory_space<vmem>> -> memref<120x128xf32, #tpu.memory_space<vmem>>
      %dma_wait3A_133 = arith.constant 0 : i32
      %dma_wait3A_134 = tpu.memref_slice %arg21[%add3A_129, %dma_wait3A_133] : memref<10000x128xf32, #tpu.memory_space<vmem_shared>> -> memref<120x128xf32, #tpu.memory_space<vmem_shared>>
      %dma_wait3A_135 = arith.constant 0 : i32
      %dma_wait3A_136 = tpu.memref_slice %arg21[%add3A_129, %dma_wait3A_135] : memref<10000x128xf32, #tpu.memory_space<vmem_shared>> -> memref<120x128xf32, #tpu.memory_space<vmem_shared>>
      %dma_wait3A_137 = arith.constant 0 : i32
      %dma_wait3A_138 = arith.constant 0 : i32
      %dma_wait3A_139 = tpu.memref_slice %arg18[%dma_wait3A_137, %dma_wait3A_138] : memref<128x128xf32, #tpu.memory_space<vmem>> -> memref<120x128xf32, #tpu.memory_space<vmem>>
      tpu.wait_dma2 semaphore(%arg25 : memref<!tpu.dma_semaphore, #tpu.memory_space<semaphore_mem>>) src(%dma_wait3A_139 : memref<120x128xf32, #tpu.memory_space<vmem>>) dst(%dma_wait3A_136 : memref<120x128xf32, #tpu.memory_space<vmem_shared>>)
    } else {
    }
    %barrier3A = arith.constant 0 : index
    tpu.barrier barrier_id(%barrier3A)
    %scan3A_47 = arith.constant 0 : i32
    %scan3A_48 = arith.constant 0 : i32
    %scan3A_49 = arith.constant 14 : i32
    %scan3A_50 = arith.addi %scan3A_48, %scan3A_49 : i32
    %scan3A_51 = arith.constant 1 : i32
    scf.for %scan3A_64 = %scan3A_48 to %scan3A_50 step %scan3A_51  : i32 {
      %mul3A_65 = arith.constant 6 : i32
      %mul3A_66 = arith.muli %mul3A_65, %scan3A_64 : i32
      %add3A_67 = arith.constant 0 : i32
      %add3A_68 = arith.addi %mul3A_66, %add3A_67 : i32
      %add3A_69 = arith.constant -3 : i32
      %add3A_70 = arith.addi %add3A_68, %add3A_69 : i32
      %mul3A_71 = arith.constant 32 : i32
      %mul3A_72 = arith.muli %mul3A_71, %add3A_70 : i32
      %add3A_73 = arith.addi %add3A, %mul3A_72 : i32
      %lt3A_74 = arith.constant 2500 : i32
      %lt3A_75 = arith.cmpi slt, %add3A_73, %lt3A_74 : i32
      %gt3A = arith.constant 0 : i32
      %gt3A_76 = arith.cmpi sgt, %scan3A_64, %gt3A : i32
      %and3A = arith.andi %gt3A_76, %lt3A_75 : i1
      %convert_element_type3A_77 = arith.extui %and3A : i1 to i32
      %cond3A_78 = arith.constant 0 : i32
      %cond3A_79 = arith.cmpi ne, %convert_element_type3A_77, %cond3A_78 : i32
      scf.if %cond3A_79 {
        %dma_wait3A = arith.constant 0 : i32
        %dma_wait3A_339 = arith.constant 0 : i32
        %dma_wait3A_340 = tpu.memref_slice %arg21[%dma_wait3A, %dma_wait3A_339] : memref<10000x128xf32, #tpu.memory_space<vmem_shared>> -> memref<10000x128xf32, #tpu.memory_space<vmem_shared>>
        tpu.wait_indirect_dma semaphore(%arg25 : memref<!tpu.dma_semaphore, #tpu.memory_space<semaphore_mem>>) src(%arg18 : memref<128x128xf32, #tpu.memory_space<vmem>>) dst(%dma_wait3A_340 : memref<10000x128xf32, #tpu.memory_space<vmem_shared>>)
      } else {
      }
      %add3A_80 = arith.constant 3 : i32
      %add3A_81 = arith.addi %add3A_68, %add3A_80 : i32
      %mul3A_82 = arith.constant 32 : i32
      %mul3A_83 = arith.muli %mul3A_82, %add3A_81 : i32
      %add3A_84 = arith.addi %add3A, %mul3A_83 : i32
      %lt3A_85 = arith.constant 2500 : i32
      %lt3A_86 = arith.cmpi slt, %add3A_84, %lt3A_85 : i32
      %convert_element_type3A_87 = arith.extui %lt3A_86 : i1 to i32
      %cond3A_88 = arith.constant 0 : i32
      %cond3A_89 = arith.cmpi ne, %convert_element_type3A_87, %cond3A_88 : i32
      scf.if %cond3A_89 {
        %add3A_339 = arith.constant 3 : i32
        %add3A_340 = arith.addi %add3A_68, %add3A_339 : i32
        %mul3A_341 = arith.constant 32 : i32
        %mul3A_342 = arith.muli %mul3A_341, %add3A_340 : i32
        %add3A_343 = arith.addi %add3A, %mul3A_342 : i32
        %mul3A_344 = arith.constant 128 : i32
        %mul3A_345 = arith.muli %add3A_343, %mul3A_344 : i32
        %dma_start3A_346 = tpu.memref_slice %arg3[%mul3A_345] : memref<320000xi32, #tpu.memory_space<hbm>> -> memref<128xi32, #tpu.memory_space<hbm>>
        %dma_start3A_347 = tpu.memref_slice %arg3[%mul3A_345] : memref<320000xi32, #tpu.memory_space<hbm>> -> memref<128xi32, #tpu.memory_space<hbm>>
        tpu.enqueue_dma source(%dma_start3A_347 : memref<128xi32, #tpu.memory_space<hbm>>) target(%arg9 : memref<128xi32, #tpu.memory_space<vmem>>) target_semaphore(%arg31 : memref<!tpu.dma_semaphore, #tpu.memory_space<semaphore_mem>>)
        %mul3A_348 = arith.constant 128 : i32
        %mul3A_349 = arith.muli %add3A_343, %mul3A_348 : i32
        %dma_start3A_350 = tpu.memref_slice %arg4[%mul3A_349] : memref<320000xi32, #tpu.memory_space<hbm>> -> memref<128xi32, #tpu.memory_space<hbm>>
        %dma_start3A_351 = tpu.memref_slice %arg4[%mul3A_349] : memref<320000xi32, #tpu.memory_space<hbm>> -> memref<128xi32, #tpu.memory_space<hbm>>
        tpu.enqueue_dma source(%dma_start3A_351 : memref<128xi32, #tpu.memory_space<hbm>>) target(%arg15 : memref<128xi32, #tpu.memory_space<vmem>>) target_semaphore(%arg31 : memref<!tpu.dma_semaphore, #tpu.memory_space<semaphore_mem>>)
      } else {
      }
      %add3A_90 = arith.constant 0 : i32
      %add3A_91 = arith.addi %add3A_68, %add3A_90 : i32
      %mul3A_92 = arith.constant 32 : i32
      %mul3A_93 = arith.muli %mul3A_92, %add3A_91 : i32
      %add3A_94 = arith.addi %add3A, %mul3A_93 : i32
      %lt3A_95 = arith.constant 2500 : i32
      %lt3A_96 = arith.cmpi slt, %add3A_94, %lt3A_95 : i32
      %convert_element_type3A_97 = arith.extui %lt3A_96 : i1 to i32
      %cond3A_98 = arith.constant 0 : i32
      %cond3A_99 = arith.cmpi ne, %convert_element_type3A_97, %cond3A_98 : i32
      scf.if %cond3A_99 {
        %mul3A_339 = arith.constant 32 : i32
        %mul3A_340 = arith.muli %mul3A_339, %add3A_68 : i32
        %add3A_341 = arith.addi %add3A, %mul3A_340 : i32
        %mul3A_342 = arith.constant 128 : i32
        %mul3A_343 = arith.muli %add3A_341, %mul3A_342 : i32
        %dma_wait3A = tpu.memref_slice %arg3[%mul3A_343] : memref<320000xi32, #tpu.memory_space<hbm>> -> memref<128xi32, #tpu.memory_space<hbm>>
        %dma_wait3A_344 = tpu.memref_slice %arg3[%mul3A_343] : memref<320000xi32, #tpu.memory_space<hbm>> -> memref<128xi32, #tpu.memory_space<hbm>>
        tpu.wait_dma2 semaphore(%arg28 : memref<!tpu.dma_semaphore, #tpu.memory_space<semaphore_mem>>) src(%dma_wait3A_344 : memref<128xi32, #tpu.memory_space<hbm>>) dst(%arg6 : memref<128xi32, #tpu.memory_space<vmem>>)
        %mul3A_345 = arith.constant 128 : i32
        %mul3A_346 = arith.muli %add3A_341, %mul3A_345 : i32
        %dma_wait3A_347 = tpu.memref_slice %arg4[%mul3A_346] : memref<320000xi32, #tpu.memory_space<hbm>> -> memref<128xi32, #tpu.memory_space<hbm>>
        %dma_wait3A_348 = tpu.memref_slice %arg4[%mul3A_346] : memref<320000xi32, #tpu.memory_space<hbm>> -> memref<128xi32, #tpu.memory_space<hbm>>
        tpu.wait_dma2 semaphore(%arg28 : memref<!tpu.dma_semaphore, #tpu.memory_space<semaphore_mem>>) src(%dma_wait3A_348 : memref<128xi32, #tpu.memory_space<hbm>>) dst(%arg12 : memref<128xi32, #tpu.memory_space<vmem>>)
        %dma_start3A_349 = arith.constant 0 : i32
        %dma_start3A_350 = arith.constant 0 : i32
        %dma_start3A_351 = tpu.memref_slice %arg2[%dma_start3A_349, %dma_start3A_350] : memref<90000x128xf32, #tpu.memory_space<hbm>> -> memref<90000x128xf32, #tpu.memory_space<hbm>>
        tpu.enqueue_indirect_dma source(%dma_start3A_351 : memref<90000x128xf32, #tpu.memory_space<hbm>>) target(%arg18 : memref<128x128xf32, #tpu.memory_space<vmem>>) offsets(%arg6 : memref<128xi32, #tpu.memory_space<vmem>>) semaphore(%arg22 : memref<!tpu.dma_semaphore, #tpu.memory_space<semaphore_mem>>)
      } else {
      }
      %add3A_100 = arith.constant -1 : i32
      %add3A_101 = arith.addi %add3A_68, %add3A_100 : i32
      %mul3A_102 = arith.constant 32 : i32
      %mul3A_103 = arith.muli %mul3A_102, %add3A_101 : i32
      %add3A_104 = arith.addi %add3A, %mul3A_103 : i32
      %lt3A_105 = arith.constant 2500 : i32
      %lt3A_106 = arith.cmpi slt, %add3A_104, %lt3A_105 : i32
      %gt3A_107 = arith.constant 0 : i32
      %gt3A_108 = arith.cmpi sgt, %scan3A_64, %gt3A_107 : i32
      %and3A_109 = arith.andi %gt3A_108, %lt3A_106 : i1
      %convert_element_type3A_110 = arith.extui %and3A_109 : i1 to i32
      %cond3A_111 = arith.constant 0 : i32
      %cond3A_112 = arith.cmpi ne, %convert_element_type3A_110, %cond3A_111 : i32
      scf.if %cond3A_112 {
        %dma_wait3A = arith.constant 0 : i32
        %dma_wait3A_339 = arith.constant 0 : i32
        %dma_wait3A_340 = tpu.memref_slice %arg2[%dma_wait3A, %dma_wait3A_339] : memref<90000x128xf32, #tpu.memory_space<hbm>> -> memref<90000x128xf32, #tpu.memory_space<hbm>>
        tpu.wait_indirect_dma semaphore(%arg24 : memref<!tpu.dma_semaphore, #tpu.memory_space<semaphore_mem>>) src(%dma_wait3A_340 : memref<90000x128xf32, #tpu.memory_space<hbm>>) dst(%arg20 : memref<128x128xf32, #tpu.memory_space<vmem>>)
        %dma_start3A_341 = arith.constant 0 : i32
        %dma_start3A_342 = arith.constant 0 : i32
        %dma_start3A_343 = tpu.memref_slice %arg21[%dma_start3A_341, %dma_start3A_342] : memref<10000x128xf32, #tpu.memory_space<vmem_shared>> -> memref<10000x128xf32, #tpu.memory_space<vmem_shared>>
        tpu.enqueue_indirect_dma source(%arg20 : memref<128x128xf32, #tpu.memory_space<vmem>>) target(%dma_start3A_343 : memref<10000x128xf32, #tpu.memory_space<vmem_shared>>) offsets(%arg17 : memref<128xi32, #tpu.memory_space<vmem>>) semaphore(%arg27 : memref<!tpu.dma_semaphore, #tpu.memory_space<semaphore_mem>>) {add = true}
      } else {
      }
      %mul3A_113 = arith.constant 6 : i32
      %mul3A_114 = arith.muli %mul3A_113, %scan3A_64 : i32
      %add3A_115 = arith.constant 1 : i32
      %add3A_116 = arith.addi %mul3A_114, %add3A_115 : i32
      %add3A_117 = arith.constant -3 : i32
      %add3A_118 = arith.addi %add3A_116, %add3A_117 : i32
      %mul3A_119 = arith.constant 32 : i32
      %mul3A_120 = arith.muli %mul3A_119, %add3A_118 : i32
      %add3A_121 = arith.addi %add3A, %mul3A_120 : i32
      %lt3A_122 = arith.constant 2500 : i32
      %lt3A_123 = arith.cmpi slt, %add3A_121, %lt3A_122 : i32
      %gt3A_124 = arith.constant 0 : i32
      %gt3A_125 = arith.cmpi sgt, %scan3A_64, %gt3A_124 : i32
      %and3A_126 = arith.andi %gt3A_125, %lt3A_123 : i1
      %convert_element_type3A_127 = arith.extui %and3A_126 : i1 to i32
      %cond3A_128 = arith.constant 0 : i32
      %cond3A_129 = arith.cmpi ne, %convert_element_type3A_127, %cond3A_128 : i32
      scf.if %cond3A_129 {
        %dma_wait3A = arith.constant 0 : i32
        %dma_wait3A_339 = arith.constant 0 : i32
        %dma_wait3A_340 = tpu.memref_slice %arg21[%dma_wait3A, %dma_wait3A_339] : memref<10000x128xf32, #tpu.memory_space<vmem_shared>> -> memref<10000x128xf32, #tpu.memory_space<vmem_shared>>
        tpu.wait_indirect_dma semaphore(%arg26 : memref<!tpu.dma_semaphore, #tpu.memory_space<semaphore_mem>>) src(%arg19 : memref<128x128xf32, #tpu.memory_space<vmem>>) dst(%dma_wait3A_340 : memref<10000x128xf32, #tpu.memory_space<vmem_shared>>)
      } else {
      }
      %add3A_130 = arith.constant 3 : i32
      %add3A_131 = arith.addi %add3A_116, %add3A_130 : i32
      %mul3A_132 = arith.constant 32 : i32
      %mul3A_133 = arith.muli %mul3A_132, %add3A_131 : i32
      %add3A_134 = arith.addi %add3A, %mul3A_133 : i32
      %lt3A_135 = arith.constant 2500 : i32
      %lt3A_136 = arith.cmpi slt, %add3A_134, %lt3A_135 : i32
      %convert_element_type3A_137 = arith.extui %lt3A_136 : i1 to i32
      %cond3A_138 = arith.constant 0 : i32
      %cond3A_139 = arith.cmpi ne, %convert_element_type3A_137, %cond3A_138 : i32
      scf.if %cond3A_139 {
        %add3A_339 = arith.constant 3 : i32
        %add3A_340 = arith.addi %add3A_116, %add3A_339 : i32
        %mul3A_341 = arith.constant 32 : i32
        %mul3A_342 = arith.muli %mul3A_341, %add3A_340 : i32
        %add3A_343 = arith.addi %add3A, %mul3A_342 : i32
        %mul3A_344 = arith.constant 128 : i32
        %mul3A_345 = arith.muli %add3A_343, %mul3A_344 : i32
        %dma_start3A_346 = tpu.memref_slice %arg3[%mul3A_345] : memref<320000xi32, #tpu.memory_space<hbm>> -> memref<128xi32, #tpu.memory_space<hbm>>
        %dma_start3A_347 = tpu.memref_slice %arg3[%mul3A_345] : memref<320000xi32, #tpu.memory_space<hbm>> -> memref<128xi32, #tpu.memory_space<hbm>>
        tpu.enqueue_dma source(%dma_start3A_347 : memref<128xi32, #tpu.memory_space<hbm>>) target(%arg10 : memref<128xi32, #tpu.memory_space<vmem>>) target_semaphore(%arg32 : memref<!tpu.dma_semaphore, #tpu.memory_space<semaphore_mem>>)
        %mul3A_348 = arith.constant 128 : i32
        %mul3A_349 = arith.muli %add3A_343, %mul3A_348 : i32
        %dma_start3A_350 = tpu.memref_slice %arg4[%mul3A_349] : memref<320000xi32, #tpu.memory_space<hbm>> -> memref<128xi32, #tpu.memory_space<hbm>>
        %dma_start3A_351 = tpu.memref_slice %arg4[%mul3A_349] : memref<320000xi32, #tpu.memory_space<hbm>> -> memref<128xi32, #tpu.memory_space<hbm>>
        tpu.enqueue_dma source(%dma_start3A_351 : memref<128xi32, #tpu.memory_space<hbm>>) target(%arg16 : memref<128xi32, #tpu.memory_space<vmem>>) target_semaphore(%arg32 : memref<!tpu.dma_semaphore, #tpu.memory_space<semaphore_mem>>)
      } else {
      }
      %add3A_140 = arith.constant 0 : i32
      %add3A_141 = arith.addi %add3A_116, %add3A_140 : i32
      %mul3A_142 = arith.constant 32 : i32
      %mul3A_143 = arith.muli %mul3A_142, %add3A_141 : i32
      %add3A_144 = arith.addi %add3A, %mul3A_143 : i32
      %lt3A_145 = arith.constant 2500 : i32
      %lt3A_146 = arith.cmpi slt, %add3A_144, %lt3A_145 : i32
      %convert_element_type3A_147 = arith.extui %lt3A_146 : i1 to i32
      %cond3A_148 = arith.constant 0 : i32
      %cond3A_149 = arith.cmpi ne, %convert_element_type3A_147, %cond3A_148 : i32
      scf.if %cond3A_149 {
        %mul3A_339 = arith.constant 32 : i32
        %mul3A_340 = arith.muli %mul3A_339, %add3A_116 : i32
        %add3A_341 = arith.addi %add3A, %mul3A_340 : i32
        %mul3A_342 = arith.constant 128 : i32
        %mul3A_343 = arith.muli %add3A_341, %mul3A_342 : i32
        %dma_wait3A = tpu.memref_slice %arg3[%mul3A_343] : memref<320000xi32, #tpu.memory_space<hbm>> -> memref<128xi32, #tpu.memory_space<hbm>>
        %dma_wait3A_344 = tpu.memref_slice %arg3[%mul3A_343] : memref<320000xi32, #tpu.memory_space<hbm>> -> memref<128xi32, #tpu.memory_space<hbm>>
        tpu.wait_dma2 semaphore(%arg29 : memref<!tpu.dma_semaphore, #tpu.memory_space<semaphore_mem>>) src(%dma_wait3A_344 : memref<128xi32, #tpu.memory_space<hbm>>) dst(%arg7 : memref<128xi32, #tpu.memory_space<vmem>>)
        %mul3A_345 = arith.constant 128 : i32
        %mul3A_346 = arith.muli %add3A_341, %mul3A_345 : i32
        %dma_wait3A_347 = tpu.memref_slice %arg4[%mul3A_346] : memref<320000xi32, #tpu.memory_space<hbm>> -> memref<128xi32, #tpu.memory_space<hbm>>
        %dma_wait3A_348 = tpu.memref_slice %arg4[%mul3A_346] : memref<320000xi32, #tpu.memory_space<hbm>> -> memref<128xi32, #tpu.memory_space<hbm>>
        tpu.wait_dma2 semaphore(%arg29 : memref<!tpu.dma_semaphore, #tpu.memory_space<semaphore_mem>>) src(%dma_wait3A_348 : memref<128xi32, #tpu.memory_space<hbm>>) dst(%arg13 : memref<128xi32, #tpu.memory_space<vmem>>)
        %dma_start3A_349 = arith.constant 0 : i32
        %dma_start3A_350 = arith.constant 0 : i32
        %dma_start3A_351 = tpu.memref_slice %arg2[%dma_start3A_349, %dma_start3A_350] : memref<90000x128xf32, #tpu.memory_space<hbm>> -> memref<90000x128xf32, #tpu.memory_space<hbm>>
        tpu.enqueue_indirect_dma source(%dma_start3A_351 : memref<90000x128xf32, #tpu.memory_space<hbm>>) target(%arg19 : memref<128x128xf32, #tpu.memory_space<vmem>>) offsets(%arg7 : memref<128xi32, #tpu.memory_space<vmem>>) semaphore(%arg23 : memref<!tpu.dma_semaphore, #tpu.memory_space<semaphore_mem>>)
      } else {
      }
      %add3A_150 = arith.constant -1 : i32
      %add3A_151 = arith.addi %add3A_116, %add3A_150 : i32
      %mul3A_152 = arith.constant 32 : i32
      %mul3A_153 = arith.muli %mul3A_152, %add3A_151 : i32
      %add3A_154 = arith.addi %add3A, %mul3A_153 : i32
      %lt3A_155 = arith.constant 2500 : i32
      %lt3A_156 = arith.cmpi slt, %add3A_154, %lt3A_155 : i32
      %convert_element_type3A_157 = arith.extui %lt3A_156 : i1 to i32
      %cond3A_158 = arith.constant 0 : i32
      %cond3A_159 = arith.cmpi ne, %convert_element_type3A_157, %cond3A_158 : i32
      scf.if %cond3A_159 {
        %dma_wait3A = arith.constant 0 : i32
        %dma_wait3A_339 = arith.constant 0 : i32
        %dma_wait3A_340 = tpu.memref_slice %arg2[%dma_wait3A, %dma_wait3A_339] : memref<90000x128xf32, #tpu.memory_space<hbm>> -> memref<90000x128xf32, #tpu.memory_space<hbm>>
        tpu.wait_indirect_dma semaphore(%arg22 : memref<!tpu.dma_semaphore, #tpu.memory_space<semaphore_mem>>) src(%dma_wait3A_340 : memref<90000x128xf32, #tpu.memory_space<hbm>>) dst(%arg18 : memref<128x128xf32, #tpu.memory_space<vmem>>)
        %dma_start3A_341 = arith.constant 0 : i32
        %dma_start3A_342 = arith.constant 0 : i32
        %dma_start3A_343 = tpu.memref_slice %arg21[%dma_start3A_341, %dma_start3A_342] : memref<10000x128xf32, #tpu.memory_space<vmem_shared>> -> memref<10000x128xf32, #tpu.memory_space<vmem_shared>>
        tpu.enqueue_indirect_dma source(%arg18 : memref<128x128xf32, #tpu.memory_space<vmem>>) target(%dma_start3A_343 : memref<10000x128xf32, #tpu.memory_space<vmem_shared>>) offsets(%arg12 : memref<128xi32, #tpu.memory_space<vmem>>) semaphore(%arg25 : memref<!tpu.dma_semaphore, #tpu.memory_space<semaphore_mem>>) {add = true}
      } else {
      }
      %mul3A_160 = arith.constant 6 : i32
      %mul3A_161 = arith.muli %mul3A_160, %scan3A_64 : i32
      %add3A_162 = arith.constant 2 : i32
      %add3A_163 = arith.addi %mul3A_161, %add3A_162 : i32
      %add3A_164 = arith.constant -3 : i32
      %add3A_165 = arith.addi %add3A_163, %add3A_164 : i32
      %mul3A_166 = arith.constant 32 : i32
      %mul3A_167 = arith.muli %mul3A_166, %add3A_165 : i32
      %add3A_168 = arith.addi %add3A, %mul3A_167 : i32
      %lt3A_169 = arith.constant 2500 : i32
      %lt3A_170 = arith.cmpi slt, %add3A_168, %lt3A_169 : i32
      %gt3A_171 = arith.constant 0 : i32
      %gt3A_172 = arith.cmpi sgt, %scan3A_64, %gt3A_171 : i32
      %and3A_173 = arith.andi %gt3A_172, %lt3A_170 : i1
      %convert_element_type3A_174 = arith.extui %and3A_173 : i1 to i32
      %cond3A_175 = arith.constant 0 : i32
      %cond3A_176 = arith.cmpi ne, %convert_element_type3A_174, %cond3A_175 : i32
      scf.if %cond3A_176 {
        %dma_wait3A = arith.constant 0 : i32
        %dma_wait3A_339 = arith.constant 0 : i32
        %dma_wait3A_340 = tpu.memref_slice %arg21[%dma_wait3A, %dma_wait3A_339] : memref<10000x128xf32, #tpu.memory_space<vmem_shared>> -> memref<10000x128xf32, #tpu.memory_space<vmem_shared>>
        tpu.wait_indirect_dma semaphore(%arg27 : memref<!tpu.dma_semaphore, #tpu.memory_space<semaphore_mem>>) src(%arg20 : memref<128x128xf32, #tpu.memory_space<vmem>>) dst(%dma_wait3A_340 : memref<10000x128xf32, #tpu.memory_space<vmem_shared>>)
      } else {
      }
      %add3A_177 = arith.constant 3 : i32
      %add3A_178 = arith.addi %add3A_163, %add3A_177 : i32
      %mul3A_179 = arith.constant 32 : i32
      %mul3A_180 = arith.muli %mul3A_179, %add3A_178 : i32
      %add3A_181 = arith.addi %add3A, %mul3A_180 : i32
      %lt3A_182 = arith.constant 2500 : i32
      %lt3A_183 = arith.cmpi slt, %add3A_181, %lt3A_182 : i32
      %convert_element_type3A_184 = arith.extui %lt3A_183 : i1 to i32
      %cond3A_185 = arith.constant 0 : i32
      %cond3A_186 = arith.cmpi ne, %convert_element_type3A_184, %cond3A_185 : i32
      scf.if %cond3A_186 {
        %add3A_339 = arith.constant 3 : i32
        %add3A_340 = arith.addi %add3A_163, %add3A_339 : i32
        %mul3A_341 = arith.constant 32 : i32
        %mul3A_342 = arith.muli %mul3A_341, %add3A_340 : i32
        %add3A_343 = arith.addi %add3A, %mul3A_342 : i32
        %mul3A_344 = arith.constant 128 : i32
        %mul3A_345 = arith.muli %add3A_343, %mul3A_344 : i32
        %dma_start3A_346 = tpu.memref_slice %arg3[%mul3A_345] : memref<320000xi32, #tpu.memory_space<hbm>> -> memref<128xi32, #tpu.memory_space<hbm>>
        %dma_start3A_347 = tpu.memref_slice %arg3[%mul3A_345] : memref<320000xi32, #tpu.memory_space<hbm>> -> memref<128xi32, #tpu.memory_space<hbm>>
        tpu.enqueue_dma source(%dma_start3A_347 : memref<128xi32, #tpu.memory_space<hbm>>) target(%arg11 : memref<128xi32, #tpu.memory_space<vmem>>) target_semaphore(%arg33 : memref<!tpu.dma_semaphore, #tpu.memory_space<semaphore_mem>>)
        %mul3A_348 = arith.constant 128 : i32
        %mul3A_349 = arith.muli %add3A_343, %mul3A_348 : i32
        %dma_start3A_350 = tpu.memref_slice %arg4[%mul3A_349] : memref<320000xi32, #tpu.memory_space<hbm>> -> memref<128xi32, #tpu.memory_space<hbm>>
        %dma_start3A_351 = tpu.memref_slice %arg4[%mul3A_349] : memref<320000xi32, #tpu.memory_space<hbm>> -> memref<128xi32, #tpu.memory_space<hbm>>
        tpu.enqueue_dma source(%dma_start3A_351 : memref<128xi32, #tpu.memory_space<hbm>>) target(%arg17 : memref<128xi32, #tpu.memory_space<vmem>>) target_semaphore(%arg33 : memref<!tpu.dma_semaphore, #tpu.memory_space<semaphore_mem>>)
      } else {
      }
      %add3A_187 = arith.constant 0 : i32
      %add3A_188 = arith.addi %add3A_163, %add3A_187 : i32
      %mul3A_189 = arith.constant 32 : i32
      %mul3A_190 = arith.muli %mul3A_189, %add3A_188 : i32
      %add3A_191 = arith.addi %add3A, %mul3A_190 : i32
      %lt3A_192 = arith.constant 2500 : i32
      %lt3A_193 = arith.cmpi slt, %add3A_191, %lt3A_192 : i32
      %convert_element_type3A_194 = arith.extui %lt3A_193 : i1 to i32
      %cond3A_195 = arith.constant 0 : i32
      %cond3A_196 = arith.cmpi ne, %convert_element_type3A_194, %cond3A_195 : i32
      scf.if %cond3A_196 {
        %mul3A_339 = arith.constant 32 : i32
        %mul3A_340 = arith.muli %mul3A_339, %add3A_163 : i32
        %add3A_341 = arith.addi %add3A, %mul3A_340 : i32
        %mul3A_342 = arith.constant 128 : i32
        %mul3A_343 = arith.muli %add3A_341, %mul3A_342 : i32
        %dma_wait3A = tpu.memref_slice %arg3[%mul3A_343] : memref<320000xi32, #tpu.memory_space<hbm>> -> memref<128xi32, #tpu.memory_space<hbm>>
        %dma_wait3A_344 = tpu.memref_slice %arg3[%mul3A_343] : memref<320000xi32, #tpu.memory_space<hbm>> -> memref<128xi32, #tpu.memory_space<hbm>>
        tpu.wait_dma2 semaphore(%arg30 : memref<!tpu.dma_semaphore, #tpu.memory_space<semaphore_mem>>) src(%dma_wait3A_344 : memref<128xi32, #tpu.memory_space<hbm>>) dst(%arg8 : memref<128xi32, #tpu.memory_space<vmem>>)
        %mul3A_345 = arith.constant 128 : i32
        %mul3A_346 = arith.muli %add3A_341, %mul3A_345 : i32
        %dma_wait3A_347 = tpu.memref_slice %arg4[%mul3A_346] : memref<320000xi32, #tpu.memory_space<hbm>> -> memref<128xi32, #tpu.memory_space<hbm>>
        %dma_wait3A_348 = tpu.memref_slice %arg4[%mul3A_346] : memref<320000xi32, #tpu.memory_space<hbm>> -> memref<128xi32, #tpu.memory_space<hbm>>
        tpu.wait_dma2 semaphore(%arg30 : memref<!tpu.dma_semaphore, #tpu.memory_space<semaphore_mem>>) src(%dma_wait3A_348 : memref<128xi32, #tpu.memory_space<hbm>>) dst(%arg14 : memref<128xi32, #tpu.memory_space<vmem>>)
        %dma_start3A_349 = arith.constant 0 : i32
        %dma_start3A_350 = arith.constant 0 : i32
        %dma_start3A_351 = tpu.memref_slice %arg2[%dma_start3A_349, %dma_start3A_350] : memref<90000x128xf32, #tpu.memory_space<hbm>> -> memref<90000x128xf32, #tpu.memory_space<hbm>>
        tpu.enqueue_indirect_dma source(%dma_start3A_351 : memref<90000x128xf32, #tpu.memory_space<hbm>>) target(%arg20 : memref<128x128xf32, #tpu.memory_space<vmem>>) offsets(%arg8 : memref<128xi32, #tpu.memory_space<vmem>>) semaphore(%arg24 : memref<!tpu.dma_semaphore, #tpu.memory_space<semaphore_mem>>)
      } else {
      }
      %add3A_197 = arith.constant -1 : i32
      %add3A_198 = arith.addi %add3A_163, %add3A_197 : i32
      %mul3A_199 = arith.constant 32 : i32
      %mul3A_200 = arith.muli %mul3A_199, %add3A_198 : i32
      %add3A_201 = arith.addi %add3A, %mul3A_200 : i32
      %lt3A_202 = arith.constant 2500 : i32
      %lt3A_203 = arith.cmpi slt, %add3A_201, %lt3A_202 : i32
      %convert_element_type3A_204 = arith.extui %lt3A_203 : i1 to i32
      %cond3A_205 = arith.constant 0 : i32
      %cond3A_206 = arith.cmpi ne, %convert_element_type3A_204, %cond3A_205 : i32
      scf.if %cond3A_206 {
        %dma_wait3A = arith.constant 0 : i32
        %dma_wait3A_339 = arith.constant 0 : i32
        %dma_wait3A_340 = tpu.memref_slice %arg2[%dma_wait3A, %dma_wait3A_339] : memref<90000x128xf32, #tpu.memory_space<hbm>> -> memref<90000x128xf32, #tpu.memory_space<hbm>>
        tpu.wait_indirect_dma semaphore(%arg23 : memref<!tpu.dma_semaphore, #tpu.memory_space<semaphore_mem>>) src(%dma_wait3A_340 : memref<90000x128xf32, #tpu.memory_space<hbm>>) dst(%arg19 : memref<128x128xf32, #tpu.memory_space<vmem>>)
        %dma_start3A_341 = arith.constant 0 : i32
        %dma_start3A_342 = arith.constant 0 : i32
        %dma_start3A_343 = tpu.memref_slice %arg21[%dma_start3A_341, %dma_start3A_342] : memref<10000x128xf32, #tpu.memory_space<vmem_shared>> -> memref<10000x128xf32, #tpu.memory_space<vmem_shared>>
        tpu.enqueue_indirect_dma source(%arg19 : memref<128x128xf32, #tpu.memory_space<vmem>>) target(%dma_start3A_343 : memref<10000x128xf32, #tpu.memory_space<vmem_shared>>) offsets(%arg13 : memref<128xi32, #tpu.memory_space<vmem>>) semaphore(%arg26 : memref<!tpu.dma_semaphore, #tpu.memory_space<semaphore_mem>>) {add = true}
      } else {
      }
      %mul3A_207 = arith.constant 6 : i32
      %mul3A_208 = arith.muli %mul3A_207, %scan3A_64 : i32
      %add3A_209 = arith.constant 3 : i32
      %add3A_210 = arith.addi %mul3A_208, %add3A_209 : i32
      %add3A_211 = arith.constant -3 : i32
      %add3A_212 = arith.addi %add3A_210, %add3A_211 : i32
      %mul3A_213 = arith.constant 32 : i32
      %mul3A_214 = arith.muli %mul3A_213, %add3A_212 : i32
      %add3A_215 = arith.addi %add3A, %mul3A_214 : i32
      %lt3A_216 = arith.constant 2500 : i32
      %lt3A_217 = arith.cmpi slt, %add3A_215, %lt3A_216 : i32
      %convert_element_type3A_218 = arith.extui %lt3A_217 : i1 to i32
      %cond3A_219 = arith.constant 0 : i32
      %cond3A_220 = arith.cmpi ne, %convert_element_type3A_218, %cond3A_219 : i32
      scf.if %cond3A_220 {
        %dma_wait3A = arith.constant 0 : i32
        %dma_wait3A_339 = arith.constant 0 : i32
        %dma_wait3A_340 = tpu.memref_slice %arg21[%dma_wait3A, %dma_wait3A_339] : memref<10000x128xf32, #tpu.memory_space<vmem_shared>> -> memref<10000x128xf32, #tpu.memory_space<vmem_shared>>
        tpu.wait_indirect_dma semaphore(%arg25 : memref<!tpu.dma_semaphore, #tpu.memory_space<semaphore_mem>>) src(%arg18 : memref<128x128xf32, #tpu.memory_space<vmem>>) dst(%dma_wait3A_340 : memref<10000x128xf32, #tpu.memory_space<vmem_shared>>)
      } else {
      }
      %add3A_221 = arith.constant 3 : i32
      %add3A_222 = arith.addi %add3A_210, %add3A_221 : i32
      %mul3A_223 = arith.constant 32 : i32
      %mul3A_224 = arith.muli %mul3A_223, %add3A_222 : i32
      %add3A_225 = arith.addi %add3A, %mul3A_224 : i32
      %lt3A_226 = arith.constant 2500 : i32
      %lt3A_227 = arith.cmpi slt, %add3A_225, %lt3A_226 : i32
      %convert_element_type3A_228 = arith.extui %lt3A_227 : i1 to i32
      %cond3A_229 = arith.constant 0 : i32
      %cond3A_230 = arith.cmpi ne, %convert_element_type3A_228, %cond3A_229 : i32
      scf.if %cond3A_230 {
        %add3A_339 = arith.constant 3 : i32
        %add3A_340 = arith.addi %add3A_210, %add3A_339 : i32
        %mul3A_341 = arith.constant 32 : i32
        %mul3A_342 = arith.muli %mul3A_341, %add3A_340 : i32
        %add3A_343 = arith.addi %add3A, %mul3A_342 : i32
        %mul3A_344 = arith.constant 128 : i32
        %mul3A_345 = arith.muli %add3A_343, %mul3A_344 : i32
        %dma_start3A_346 = tpu.memref_slice %arg3[%mul3A_345] : memref<320000xi32, #tpu.memory_space<hbm>> -> memref<128xi32, #tpu.memory_space<hbm>>
        %dma_start3A_347 = tpu.memref_slice %arg3[%mul3A_345] : memref<320000xi32, #tpu.memory_space<hbm>> -> memref<128xi32, #tpu.memory_space<hbm>>
        tpu.enqueue_dma source(%dma_start3A_347 : memref<128xi32, #tpu.memory_space<hbm>>) target(%arg6 : memref<128xi32, #tpu.memory_space<vmem>>) target_semaphore(%arg28 : memref<!tpu.dma_semaphore, #tpu.memory_space<semaphore_mem>>)
        %mul3A_348 = arith.constant 128 : i32
        %mul3A_349 = arith.muli %add3A_343, %mul3A_348 : i32
        %dma_start3A_350 = tpu.memref_slice %arg4[%mul3A_349] : memref<320000xi32, #tpu.memory_space<hbm>> -> memref<128xi32, #tpu.memory_space<hbm>>
        %dma_start3A_351 = tpu.memref_slice %arg4[%mul3A_349] : memref<320000xi32, #tpu.memory_space<hbm>> -> memref<128xi32, #tpu.memory_space<hbm>>
        tpu.enqueue_dma source(%dma_start3A_351 : memref<128xi32, #tpu.memory_space<hbm>>) target(%arg12 : memref<128xi32, #tpu.memory_space<vmem>>) target_semaphore(%arg28 : memref<!tpu.dma_semaphore, #tpu.memory_space<semaphore_mem>>)
      } else {
      }
      %add3A_231 = arith.constant 0 : i32
      %add3A_232 = arith.addi %add3A_210, %add3A_231 : i32
      %mul3A_233 = arith.constant 32 : i32
      %mul3A_234 = arith.muli %mul3A_233, %add3A_232 : i32
      %add3A_235 = arith.addi %add3A, %mul3A_234 : i32
      %lt3A_236 = arith.constant 2500 : i32
      %lt3A_237 = arith.cmpi slt, %add3A_235, %lt3A_236 : i32
      %convert_element_type3A_238 = arith.extui %lt3A_237 : i1 to i32
      %cond3A_239 = arith.constant 0 : i32
      %cond3A_240 = arith.cmpi ne, %convert_element_type3A_238, %cond3A_239 : i32
      scf.if %cond3A_240 {
        %mul3A_339 = arith.constant 32 : i32
        %mul3A_340 = arith.muli %mul3A_339, %add3A_210 : i32
        %add3A_341 = arith.addi %add3A, %mul3A_340 : i32
        %mul3A_342 = arith.constant 128 : i32
        %mul3A_343 = arith.muli %add3A_341, %mul3A_342 : i32
        %dma_wait3A = tpu.memref_slice %arg3[%mul3A_343] : memref<320000xi32, #tpu.memory_space<hbm>> -> memref<128xi32, #tpu.memory_space<hbm>>
        %dma_wait3A_344 = tpu.memref_slice %arg3[%mul3A_343] : memref<320000xi32, #tpu.memory_space<hbm>> -> memref<128xi32, #tpu.memory_space<hbm>>
        tpu.wait_dma2 semaphore(%arg31 : memref<!tpu.dma_semaphore, #tpu.memory_space<semaphore_mem>>) src(%dma_wait3A_344 : memref<128xi32, #tpu.memory_space<hbm>>) dst(%arg9 : memref<128xi32, #tpu.memory_space<vmem>>)
        %mul3A_345 = arith.constant 128 : i32
        %mul3A_346 = arith.muli %add3A_341, %mul3A_345 : i32
        %dma_wait3A_347 = tpu.memref_slice %arg4[%mul3A_346] : memref<320000xi32, #tpu.memory_space<hbm>> -> memref<128xi32, #tpu.memory_space<hbm>>
        %dma_wait3A_348 = tpu.memref_slice %arg4[%mul3A_346] : memref<320000xi32, #tpu.memory_space<hbm>> -> memref<128xi32, #tpu.memory_space<hbm>>
        tpu.wait_dma2 semaphore(%arg31 : memref<!tpu.dma_semaphore, #tpu.memory_space<semaphore_mem>>) src(%dma_wait3A_348 : memref<128xi32, #tpu.memory_space<hbm>>) dst(%arg15 : memref<128xi32, #tpu.memory_space<vmem>>)
        %dma_start3A_349 = arith.constant 0 : i32
        %dma_start3A_350 = arith.constant 0 : i32
        %dma_start3A_351 = tpu.memref_slice %arg2[%dma_start3A_349, %dma_start3A_350] : memref<90000x128xf32, #tpu.memory_space<hbm>> -> memref<90000x128xf32, #tpu.memory_space<hbm>>
        tpu.enqueue_indirect_dma source(%dma_start3A_351 : memref<90000x128xf32, #tpu.memory_space<hbm>>) target(%arg18 : memref<128x128xf32, #tpu.memory_space<vmem>>) offsets(%arg9 : memref<128xi32, #tpu.memory_space<vmem>>) semaphore(%arg22 : memref<!tpu.dma_semaphore, #tpu.memory_space<semaphore_mem>>)
      } else {
      }
      %add3A_241 = arith.constant -1 : i32
      %add3A_242 = arith.addi %add3A_210, %add3A_241 : i32
      %mul3A_243 = arith.constant 32 : i32
      %mul3A_244 = arith.muli %mul3A_243, %add3A_242 : i32
      %add3A_245 = arith.addi %add3A, %mul3A_244 : i32
      %lt3A_246 = arith.constant 2500 : i32
      %lt3A_247 = arith.cmpi slt, %add3A_245, %lt3A_246 : i32
      %convert_element_type3A_248 = arith.extui %lt3A_247 : i1 to i32
      %cond3A_249 = arith.constant 0 : i32
      %cond3A_250 = arith.cmpi ne, %convert_element_type3A_248, %cond3A_249 : i32
      scf.if %cond3A_250 {
        %dma_wait3A = arith.constant 0 : i32
        %dma_wait3A_339 = arith.constant 0 : i32
        %dma_wait3A_340 = tpu.memref_slice %arg2[%dma_wait3A, %dma_wait3A_339] : memref<90000x128xf32, #tpu.memory_space<hbm>> -> memref<90000x128xf32, #tpu.memory_space<hbm>>
        tpu.wait_indirect_dma semaphore(%arg24 : memref<!tpu.dma_semaphore, #tpu.memory_space<semaphore_mem>>) src(%dma_wait3A_340 : memref<90000x128xf32, #tpu.memory_space<hbm>>) dst(%arg20 : memref<128x128xf32, #tpu.memory_space<vmem>>)
        %dma_start3A_341 = arith.constant 0 : i32
        %dma_start3A_342 = arith.constant 0 : i32
        %dma_start3A_343 = tpu.memref_slice %arg21[%dma_start3A_341, %dma_start3A_342] : memref<10000x128xf32, #tpu.memory_space<vmem_shared>> -> memref<10000x128xf32, #tpu.memory_space<vmem_shared>>
        tpu.enqueue_indirect_dma source(%arg20 : memref<128x128xf32, #tpu.memory_space<vmem>>) target(%dma_start3A_343 : memref<10000x128xf32, #tpu.memory_space<vmem_shared>>) offsets(%arg14 : memref<128xi32, #tpu.memory_space<vmem>>) semaphore(%arg27 : memref<!tpu.dma_semaphore, #tpu.memory_space<semaphore_mem>>) {add = true}
      } else {
      }
      %mul3A_251 = arith.constant 6 : i32
      %mul3A_252 = arith.muli %mul3A_251, %scan3A_64 : i32
      %add3A_253 = arith.constant 4 : i32
      %add3A_254 = arith.addi %mul3A_252, %add3A_253 : i32
      %add3A_255 = arith.constant -3 : i32
      %add3A_256 = arith.addi %add3A_254, %add3A_255 : i32
      %mul3A_257 = arith.constant 32 : i32
      %mul3A_258 = arith.muli %mul3A_257, %add3A_256 : i32
      %add3A_259 = arith.addi %add3A, %mul3A_258 : i32
      %lt3A_260 = arith.constant 2500 : i32
      %lt3A_261 = arith.cmpi slt, %add3A_259, %lt3A_260 : i32
      %convert_element_type3A_262 = arith.extui %lt3A_261 : i1 to i32
      %cond3A_263 = arith.constant 0 : i32
      %cond3A_264 = arith.cmpi ne, %convert_element_type3A_262, %cond3A_263 : i32
      scf.if %cond3A_264 {
        %dma_wait3A = arith.constant 0 : i32
        %dma_wait3A_339 = arith.constant 0 : i32
        %dma_wait3A_340 = tpu.memref_slice %arg21[%dma_wait3A, %dma_wait3A_339] : memref<10000x128xf32, #tpu.memory_space<vmem_shared>> -> memref<10000x128xf32, #tpu.memory_space<vmem_shared>>
        tpu.wait_indirect_dma semaphore(%arg26 : memref<!tpu.dma_semaphore, #tpu.memory_space<semaphore_mem>>) src(%arg19 : memref<128x128xf32, #tpu.memory_space<vmem>>) dst(%dma_wait3A_340 : memref<10000x128xf32, #tpu.memory_space<vmem_shared>>)
      } else {
      }
      %add3A_265 = arith.constant 3 : i32
      %add3A_266 = arith.addi %add3A_254, %add3A_265 : i32
      %mul3A_267 = arith.constant 32 : i32
      %mul3A_268 = arith.muli %mul3A_267, %add3A_266 : i32
      %add3A_269 = arith.addi %add3A, %mul3A_268 : i32
      %lt3A_270 = arith.constant 2500 : i32
      %lt3A_271 = arith.cmpi slt, %add3A_269, %lt3A_270 : i32
      %convert_element_type3A_272 = arith.extui %lt3A_271 : i1 to i32
      %cond3A_273 = arith.constant 0 : i32
      %cond3A_274 = arith.cmpi ne, %convert_element_type3A_272, %cond3A_273 : i32
      scf.if %cond3A_274 {
        %add3A_339 = arith.constant 3 : i32
        %add3A_340 = arith.addi %add3A_254, %add3A_339 : i32
        %mul3A_341 = arith.constant 32 : i32
        %mul3A_342 = arith.muli %mul3A_341, %add3A_340 : i32
        %add3A_343 = arith.addi %add3A, %mul3A_342 : i32
        %mul3A_344 = arith.constant 128 : i32
        %mul3A_345 = arith.muli %add3A_343, %mul3A_344 : i32
        %dma_start3A_346 = tpu.memref_slice %arg3[%mul3A_345] : memref<320000xi32, #tpu.memory_space<hbm>> -> memref<128xi32, #tpu.memory_space<hbm>>
        %dma_start3A_347 = tpu.memref_slice %arg3[%mul3A_345] : memref<320000xi32, #tpu.memory_space<hbm>> -> memref<128xi32, #tpu.memory_space<hbm>>
        tpu.enqueue_dma source(%dma_start3A_347 : memref<128xi32, #tpu.memory_space<hbm>>) target(%arg7 : memref<128xi32, #tpu.memory_space<vmem>>) target_semaphore(%arg29 : memref<!tpu.dma_semaphore, #tpu.memory_space<semaphore_mem>>)
        %mul3A_348 = arith.constant 128 : i32
        %mul3A_349 = arith.muli %add3A_343, %mul3A_348 : i32
        %dma_start3A_350 = tpu.memref_slice %arg4[%mul3A_349] : memref<320000xi32, #tpu.memory_space<hbm>> -> memref<128xi32, #tpu.memory_space<hbm>>
        %dma_start3A_351 = tpu.memref_slice %arg4[%mul3A_349] : memref<320000xi32, #tpu.memory_space<hbm>> -> memref<128xi32, #tpu.memory_space<hbm>>
        tpu.enqueue_dma source(%dma_start3A_351 : memref<128xi32, #tpu.memory_space<hbm>>) target(%arg13 : memref<128xi32, #tpu.memory_space<vmem>>) target_semaphore(%arg29 : memref<!tpu.dma_semaphore, #tpu.memory_space<semaphore_mem>>)
      } else {
      }
      %add3A_275 = arith.constant 0 : i32
      %add3A_276 = arith.addi %add3A_254, %add3A_275 : i32
      %mul3A_277 = arith.constant 32 : i32
      %mul3A_278 = arith.muli %mul3A_277, %add3A_276 : i32
      %add3A_279 = arith.addi %add3A, %mul3A_278 : i32
      %lt3A_280 = arith.constant 2500 : i32
      %lt3A_281 = arith.cmpi slt, %add3A_279, %lt3A_280 : i32
      %convert_element_type3A_282 = arith.extui %lt3A_281 : i1 to i32
      %cond3A_283 = arith.constant 0 : i32
      %cond3A_284 = arith.cmpi ne, %convert_element_type3A_282, %cond3A_283 : i32
      scf.if %cond3A_284 {
        %mul3A_339 = arith.constant 32 : i32
        %mul3A_340 = arith.muli %mul3A_339, %add3A_254 : i32
        %add3A_341 = arith.addi %add3A, %mul3A_340 : i32
        %mul3A_342 = arith.constant 128 : i32
        %mul3A_343 = arith.muli %add3A_341, %mul3A_342 : i32
        %dma_wait3A = tpu.memref_slice %arg3[%mul3A_343] : memref<320000xi32, #tpu.memory_space<hbm>> -> memref<128xi32, #tpu.memory_space<hbm>>
        %dma_wait3A_344 = tpu.memref_slice %arg3[%mul3A_343] : memref<320000xi32, #tpu.memory_space<hbm>> -> memref<128xi32, #tpu.memory_space<hbm>>
        tpu.wait_dma2 semaphore(%arg32 : memref<!tpu.dma_semaphore, #tpu.memory_space<semaphore_mem>>) src(%dma_wait3A_344 : memref<128xi32, #tpu.memory_space<hbm>>) dst(%arg10 : memref<128xi32, #tpu.memory_space<vmem>>)
        %mul3A_345 = arith.constant 128 : i32
        %mul3A_346 = arith.muli %add3A_341, %mul3A_345 : i32
        %dma_wait3A_347 = tpu.memref_slice %arg4[%mul3A_346] : memref<320000xi32, #tpu.memory_space<hbm>> -> memref<128xi32, #tpu.memory_space<hbm>>
        %dma_wait3A_348 = tpu.memref_slice %arg4[%mul3A_346] : memref<320000xi32, #tpu.memory_space<hbm>> -> memref<128xi32, #tpu.memory_space<hbm>>
        tpu.wait_dma2 semaphore(%arg32 : memref<!tpu.dma_semaphore, #tpu.memory_space<semaphore_mem>>) src(%dma_wait3A_348 : memref<128xi32, #tpu.memory_space<hbm>>) dst(%arg16 : memref<128xi32, #tpu.memory_space<vmem>>)
        %dma_start3A_349 = arith.constant 0 : i32
        %dma_start3A_350 = arith.constant 0 : i32
        %dma_start3A_351 = tpu.memref_slice %arg2[%dma_start3A_349, %dma_start3A_350] : memref<90000x128xf32, #tpu.memory_space<hbm>> -> memref<90000x128xf32, #tpu.memory_space<hbm>>
        tpu.enqueue_indirect_dma source(%dma_start3A_351 : memref<90000x128xf32, #tpu.memory_space<hbm>>) target(%arg19 : memref<128x128xf32, #tpu.memory_space<vmem>>) offsets(%arg10 : memref<128xi32, #tpu.memory_space<vmem>>) semaphore(%arg23 : memref<!tpu.dma_semaphore, #tpu.memory_space<semaphore_mem>>)
      } else {
      }
      %add3A_285 = arith.constant -1 : i32
      %add3A_286 = arith.addi %add3A_254, %add3A_285 : i32
      %mul3A_287 = arith.constant 32 : i32
      %mul3A_288 = arith.muli %mul3A_287, %add3A_286 : i32
      %add3A_289 = arith.addi %add3A, %mul3A_288 : i32
      %lt3A_290 = arith.constant 2500 : i32
      %lt3A_291 = arith.cmpi slt, %add3A_289, %lt3A_290 : i32
      %convert_element_type3A_292 = arith.extui %lt3A_291 : i1 to i32
      %cond3A_293 = arith.constant 0 : i32
      %cond3A_294 = arith.cmpi ne, %convert_element_type3A_292, %cond3A_293 : i32
      scf.if %cond3A_294 {
        %dma_wait3A = arith.constant 0 : i32
        %dma_wait3A_339 = arith.constant 0 : i32
        %dma_wait3A_340 = tpu.memref_slice %arg2[%dma_wait3A, %dma_wait3A_339] : memref<90000x128xf32, #tpu.memory_space<hbm>> -> memref<90000x128xf32, #tpu.memory_space<hbm>>
        tpu.wait_indirect_dma semaphore(%arg22 : memref<!tpu.dma_semaphore, #tpu.memory_space<semaphore_mem>>) src(%dma_wait3A_340 : memref<90000x128xf32, #tpu.memory_space<hbm>>) dst(%arg18 : memref<128x128xf32, #tpu.memory_space<vmem>>)
        %dma_start3A_341 = arith.constant 0 : i32
        %dma_start3A_342 = arith.constant 0 : i32
        %dma_start3A_343 = tpu.memref_slice %arg21[%dma_start3A_341, %dma_start3A_342] : memref<10000x128xf32, #tpu.memory_space<vmem_shared>> -> memref<10000x128xf32, #tpu.memory_space<vmem_shared>>
        tpu.enqueue_indirect_dma source(%arg18 : memref<128x128xf32, #tpu.memory_space<vmem>>) target(%dma_start3A_343 : memref<10000x128xf32, #tpu.memory_space<vmem_shared>>) offsets(%arg15 : memref<128xi32, #tpu.memory_space<vmem>>) semaphore(%arg25 : memref<!tpu.dma_semaphore, #tpu.memory_space<semaphore_mem>>) {add = true}
      } else {
      }
      %mul3A_295 = arith.constant 6 : i32
      %mul3A_296 = arith.muli %mul3A_295, %scan3A_64 : i32
      %add3A_297 = arith.constant 5 : i32
      %add3A_298 = arith.addi %mul3A_296, %add3A_297 : i32
      %add3A_299 = arith.constant -3 : i32
      %add3A_300 = arith.addi %add3A_298, %add3A_299 : i32
      %mul3A_301 = arith.constant 32 : i32
      %mul3A_302 = arith.muli %mul3A_301, %add3A_300 : i32
      %add3A_303 = arith.addi %add3A, %mul3A_302 : i32
      %lt3A_304 = arith.constant 2500 : i32
      %lt3A_305 = arith.cmpi slt, %add3A_303, %lt3A_304 : i32
      %convert_element_type3A_306 = arith.extui %lt3A_305 : i1 to i32
      %cond3A_307 = arith.constant 0 : i32
      %cond3A_308 = arith.cmpi ne, %convert_element_type3A_306, %cond3A_307 : i32
      scf.if %cond3A_308 {
        %dma_wait3A = arith.constant 0 : i32
        %dma_wait3A_339 = arith.constant 0 : i32
        %dma_wait3A_340 = tpu.memref_slice %arg21[%dma_wait3A, %dma_wait3A_339] : memref<10000x128xf32, #tpu.memory_space<vmem_shared>> -> memref<10000x128xf32, #tpu.memory_space<vmem_shared>>
        tpu.wait_indirect_dma semaphore(%arg27 : memref<!tpu.dma_semaphore, #tpu.memory_space<semaphore_mem>>) src(%arg20 : memref<128x128xf32, #tpu.memory_space<vmem>>) dst(%dma_wait3A_340 : memref<10000x128xf32, #tpu.memory_space<vmem_shared>>)
      } else {
      }
      %add3A_309 = arith.constant 3 : i32
      %add3A_310 = arith.addi %add3A_298, %add3A_309 : i32
      %mul3A_311 = arith.constant 32 : i32
      %mul3A_312 = arith.muli %mul3A_311, %add3A_310 : i32
      %add3A_313 = arith.addi %add3A, %mul3A_312 : i32
      %lt3A_314 = arith.constant 2500 : i32
      %lt3A_315 = arith.cmpi slt, %add3A_313, %lt3A_314 : i32
      %convert_element_type3A_316 = arith.extui %lt3A_315 : i1 to i32
      %cond3A_317 = arith.constant 0 : i32
      %cond3A_318 = arith.cmpi ne, %convert_element_type3A_316, %cond3A_317 : i32
      scf.if %cond3A_318 {
        %add3A_339 = arith.constant 3 : i32
        %add3A_340 = arith.addi %add3A_298, %add3A_339 : i32
        %mul3A_341 = arith.constant 32 : i32
        %mul3A_342 = arith.muli %mul3A_341, %add3A_340 : i32
        %add3A_343 = arith.addi %add3A, %mul3A_342 : i32
        %mul3A_344 = arith.constant 128 : i32
        %mul3A_345 = arith.muli %add3A_343, %mul3A_344 : i32
        %dma_start3A_346 = tpu.memref_slice %arg3[%mul3A_345] : memref<320000xi32, #tpu.memory_space<hbm>> -> memref<128xi32, #tpu.memory_space<hbm>>
        %dma_start3A_347 = tpu.memref_slice %arg3[%mul3A_345] : memref<320000xi32, #tpu.memory_space<hbm>> -> memref<128xi32, #tpu.memory_space<hbm>>
        tpu.enqueue_dma source(%dma_start3A_347 : memref<128xi32, #tpu.memory_space<hbm>>) target(%arg8 : memref<128xi32, #tpu.memory_space<vmem>>) target_semaphore(%arg30 : memref<!tpu.dma_semaphore, #tpu.memory_space<semaphore_mem>>)
        %mul3A_348 = arith.constant 128 : i32
        %mul3A_349 = arith.muli %add3A_343, %mul3A_348 : i32
        %dma_start3A_350 = tpu.memref_slice %arg4[%mul3A_349] : memref<320000xi32, #tpu.memory_space<hbm>> -> memref<128xi32, #tpu.memory_space<hbm>>
        %dma_start3A_351 = tpu.memref_slice %arg4[%mul3A_349] : memref<320000xi32, #tpu.memory_space<hbm>> -> memref<128xi32, #tpu.memory_space<hbm>>
        tpu.enqueue_dma source(%dma_start3A_351 : memref<128xi32, #tpu.memory_space<hbm>>) target(%arg14 : memref<128xi32, #tpu.memory_space<vmem>>) target_semaphore(%arg30 : memref<!tpu.dma_semaphore, #tpu.memory_space<semaphore_mem>>)
      } else {
      }
      %add3A_319 = arith.constant 0 : i32
      %add3A_320 = arith.addi %add3A_298, %add3A_319 : i32
      %mul3A_321 = arith.constant 32 : i32
      %mul3A_322 = arith.muli %mul3A_321, %add3A_320 : i32
      %add3A_323 = arith.addi %add3A, %mul3A_322 : i32
      %lt3A_324 = arith.constant 2500 : i32
      %lt3A_325 = arith.cmpi slt, %add3A_323, %lt3A_324 : i32
      %convert_element_type3A_326 = arith.extui %lt3A_325 : i1 to i32
      %cond3A_327 = arith.constant 0 : i32
      %cond3A_328 = arith.cmpi ne, %convert_element_type3A_326, %cond3A_327 : i32
      scf.if %cond3A_328 {
        %mul3A_339 = arith.constant 32 : i32
        %mul3A_340 = arith.muli %mul3A_339, %add3A_298 : i32
        %add3A_341 = arith.addi %add3A, %mul3A_340 : i32
        %mul3A_342 = arith.constant 128 : i32
        %mul3A_343 = arith.muli %add3A_341, %mul3A_342 : i32
        %dma_wait3A = tpu.memref_slice %arg3[%mul3A_343] : memref<320000xi32, #tpu.memory_space<hbm>> -> memref<128xi32, #tpu.memory_space<hbm>>
        %dma_wait3A_344 = tpu.memref_slice %arg3[%mul3A_343] : memref<320000xi32, #tpu.memory_space<hbm>> -> memref<128xi32, #tpu.memory_space<hbm>>
        tpu.wait_dma2 semaphore(%arg33 : memref<!tpu.dma_semaphore, #tpu.memory_space<semaphore_mem>>) src(%dma_wait3A_344 : memref<128xi32, #tpu.memory_space<hbm>>) dst(%arg11 : memref<128xi32, #tpu.memory_space<vmem>>)
        %mul3A_345 = arith.constant 128 : i32
        %mul3A_346 = arith.muli %add3A_341, %mul3A_345 : i32
        %dma_wait3A_347 = tpu.memref_slice %arg4[%mul3A_346] : memref<320000xi32, #tpu.memory_space<hbm>> -> memref<128xi32, #tpu.memory_space<hbm>>
        %dma_wait3A_348 = tpu.memref_slice %arg4[%mul3A_346] : memref<320000xi32, #tpu.memory_space<hbm>> -> memref<128xi32, #tpu.memory_space<hbm>>
        tpu.wait_dma2 semaphore(%arg33 : memref<!tpu.dma_semaphore, #tpu.memory_space<semaphore_mem>>) src(%dma_wait3A_348 : memref<128xi32, #tpu.memory_space<hbm>>) dst(%arg17 : memref<128xi32, #tpu.memory_space<vmem>>)
        %dma_start3A_349 = arith.constant 0 : i32
        %dma_start3A_350 = arith.constant 0 : i32
        %dma_start3A_351 = tpu.memref_slice %arg2[%dma_start3A_349, %dma_start3A_350] : memref<90000x128xf32, #tpu.memory_space<hbm>> -> memref<90000x128xf32, #tpu.memory_space<hbm>>
        tpu.enqueue_indirect_dma source(%dma_start3A_351 : memref<90000x128xf32, #tpu.memory_space<hbm>>) target(%arg20 : memref<128x128xf32, #tpu.memory_space<vmem>>) offsets(%arg11 : memref<128xi32, #tpu.memory_space<vmem>>) semaphore(%arg24 : memref<!tpu.dma_semaphore, #tpu.memory_space<semaphore_mem>>)
      } else {
      }
      %add3A_329 = arith.constant -1 : i32
      %add3A_330 = arith.addi %add3A_298, %add3A_329 : i32
      %mul3A_331 = arith.constant 32 : i32
      %mul3A_332 = arith.muli %mul3A_331, %add3A_330 : i32
      %add3A_333 = arith.addi %add3A, %mul3A_332 : i32
      %lt3A_334 = arith.constant 2500 : i32
      %lt3A_335 = arith.cmpi slt, %add3A_333, %lt3A_334 : i32
      %convert_element_type3A_336 = arith.extui %lt3A_335 : i1 to i32
      %cond3A_337 = arith.constant 0 : i32
      %cond3A_338 = arith.cmpi ne, %convert_element_type3A_336, %cond3A_337 : i32
      scf.if %cond3A_338 {
        %dma_wait3A = arith.constant 0 : i32
        %dma_wait3A_339 = arith.constant 0 : i32
        %dma_wait3A_340 = tpu.memref_slice %arg2[%dma_wait3A, %dma_wait3A_339] : memref<90000x128xf32, #tpu.memory_space<hbm>> -> memref<90000x128xf32, #tpu.memory_space<hbm>>
        tpu.wait_indirect_dma semaphore(%arg23 : memref<!tpu.dma_semaphore, #tpu.memory_space<semaphore_mem>>) src(%dma_wait3A_340 : memref<90000x128xf32, #tpu.memory_space<hbm>>) dst(%arg19 : memref<128x128xf32, #tpu.memory_space<vmem>>)
        %dma_start3A_341 = arith.constant 0 : i32
        %dma_start3A_342 = arith.constant 0 : i32
        %dma_start3A_343 = tpu.memref_slice %arg21[%dma_start3A_341, %dma_start3A_342] : memref<10000x128xf32, #tpu.memory_space<vmem_shared>> -> memref<10000x128xf32, #tpu.memory_space<vmem_shared>>
        tpu.enqueue_indirect_dma source(%arg19 : memref<128x128xf32, #tpu.memory_space<vmem>>) target(%dma_start3A_343 : memref<10000x128xf32, #tpu.memory_space<vmem_shared>>) offsets(%arg16 : memref<128xi32, #tpu.memory_space<vmem>>) semaphore(%arg26 : memref<!tpu.dma_semaphore, #tpu.memory_space<semaphore_mem>>) {add = true}
      } else {
      }
    }
    %scan3A_52 = arith.constant 14 : i32
    %barrier3A_53 = arith.constant 0 : index
    tpu.barrier barrier_id(%barrier3A_53)
    %lt3A_54 = arith.constant 14 : i32
    %lt3A_55 = arith.cmpi slt, %arg1, %lt3A_54 : i32
    %convert_element_type3A_56 = arith.extui %lt3A_55 : i1 to i32
    %cond3A_57 = arith.constant 0 : i32
    %cond3A_58 = arith.cmpi ne, %convert_element_type3A_56, %cond3A_57 : i32
    scf.if %cond3A_58 {
      %mul3A_64 = arith.constant 624 : i32
      %mul3A_65 = arith.muli %arg1, %mul3A_64 : i32
      %mul3A_66 = arith.constant 624 : i32
      %mul3A_67 = arith.muli %arg1, %mul3A_66 : i32
      "tpu.region"() ({
        %run_scoped3A = tpu.sem_alloc : memref<!tpu.dma_semaphore, #tpu.memory_space<semaphore_mem>>
        %dma_start3A_68 = arith.constant 0 : i32
        %dma_start3A_69 = tpu.memref_slice %arg5[%arg0, %mul3A_67, %dma_start3A_68] : memref<2x10000x128xf32, #tpu.memory_space<hbm>> -> memref<1x624x128xf32, #tpu.memory_space<hbm>>
        %dma_start3A_70 = tpu.memref_squeeze %dma_start3A_69 : memref<1x624x128xf32, #tpu.memory_space<hbm>> -> memref<624x128xf32, #tpu.memory_space<hbm>>
        %dma_start3A_71 = arith.constant 0 : i32
        %dma_start3A_72 = tpu.memref_slice %arg21[%mul3A_65, %dma_start3A_71] : memref<10000x128xf32, #tpu.memory_space<vmem_shared>> -> memref<624x128xf32, #tpu.memory_space<vmem_shared>>
        tpu.enqueue_dma source(%dma_start3A_72 : memref<624x128xf32, #tpu.memory_space<vmem_shared>>) target(%dma_start3A_70 : memref<624x128xf32, #tpu.memory_space<hbm>>) target_semaphore(%run_scoped3A : memref<!tpu.dma_semaphore, #tpu.memory_space<semaphore_mem>>)
        %dma_wait3A = arith.constant 0 : i32
        %dma_wait3A_73 = tpu.memref_slice %arg5[%arg0, %mul3A_67, %dma_wait3A] : memref<2x10000x128xf32, #tpu.memory_space<hbm>> -> memref<1x624x128xf32, #tpu.memory_space<hbm>>
        %dma_wait3A_74 = tpu.memref_squeeze %dma_wait3A_73 : memref<1x624x128xf32, #tpu.memory_space<hbm>> -> memref<624x128xf32, #tpu.memory_space<hbm>>
        %dma_wait3A_75 = arith.constant 0 : i32
        %dma_wait3A_76 = tpu.memref_slice %arg21[%mul3A_65, %dma_wait3A_75] : memref<10000x128xf32, #tpu.memory_space<vmem_shared>> -> memref<624x128xf32, #tpu.memory_space<vmem_shared>>
        tpu.wait_dma2 semaphore(%run_scoped3A : memref<!tpu.dma_semaphore, #tpu.memory_space<semaphore_mem>>) src(%dma_wait3A_76 : memref<624x128xf32, #tpu.memory_space<vmem_shared>>) dst(%dma_wait3A_74 : memref<624x128xf32, #tpu.memory_space<hbm>>)
        tpu.yield
      }) : () -> ()
    } else {
    }
    %ge3A_59 = arith.constant 14 : i32
    %ge3A_60 = arith.cmpi sge, %arg1, %ge3A_59 : i32
    %convert_element_type3A_61 = arith.extui %ge3A_60 : i1 to i32
    %cond3A_62 = arith.constant 0 : i32
    %cond3A_63 = arith.cmpi ne, %convert_element_type3A_61, %cond3A_62 : i32
    scf.if %cond3A_63 {
      %sub3A = arith.constant 14 : i32
      %sub3A_64 = arith.subi %arg1, %sub3A : i32
      %mul3A_65 = arith.constant 632 : i32
      %mul3A_66 = arith.muli %sub3A_64, %mul3A_65 : i32
      %add3A_67 = arith.constant 8736 : i32
      %add3A_68 = arith.addi %add3A_67, %mul3A_66 : i32
      %sub3A_69 = arith.constant 14 : i32
      %sub3A_70 = arith.subi %arg1, %sub3A_69 : i32
      %mul3A_71 = arith.constant 632 : i32
      %mul3A_72 = arith.muli %sub3A_70, %mul3A_71 : i32
      %add3A_73 = arith.constant 8736 : i32
      %add3A_74 = arith.addi %add3A_73, %mul3A_72 : i32
      "tpu.region"() ({
        %run_scoped3A = tpu.sem_alloc : memref<!tpu.dma_semaphore, #tpu.memory_space<semaphore_mem>>
        %dma_start3A_75 = arith.constant 0 : i32
        %dma_start3A_76 = tpu.memref_slice %arg5[%arg0, %add3A_74, %dma_start3A_75] : memref<2x10000x128xf32, #tpu.memory_space<hbm>> -> memref<1x632x128xf32, #tpu.memory_space<hbm>>
        %dma_start3A_77 = tpu.memref_squeeze %dma_start3A_76 : memref<1x632x128xf32, #tpu.memory_space<hbm>> -> memref<632x128xf32, #tpu.memory_space<hbm>>
        %dma_start3A_78 = arith.constant 0 : i32
        %dma_start3A_79 = tpu.memref_slice %arg21[%add3A_68, %dma_start3A_78] : memref<10000x128xf32, #tpu.memory_space<vmem_shared>> -> memref<632x128xf32, #tpu.memory_space<vmem_shared>>
        tpu.enqueue_dma source(%dma_start3A_79 : memref<632x128xf32, #tpu.memory_space<vmem_shared>>) target(%dma_start3A_77 : memref<632x128xf32, #tpu.memory_space<hbm>>) target_semaphore(%run_scoped3A : memref<!tpu.dma_semaphore, #tpu.memory_space<semaphore_mem>>)
        %dma_wait3A = arith.constant 0 : i32
        %dma_wait3A_80 = tpu.memref_slice %arg5[%arg0, %add3A_74, %dma_wait3A] : memref<2x10000x128xf32, #tpu.memory_space<hbm>> -> memref<1x632x128xf32, #tpu.memory_space<hbm>>
        %dma_wait3A_81 = tpu.memref_squeeze %dma_wait3A_80 : memref<1x632x128xf32, #tpu.memory_space<hbm>> -> memref<632x128xf32, #tpu.memory_space<hbm>>
        %dma_wait3A_82 = arith.constant 0 : i32
        %dma_wait3A_83 = tpu.memref_slice %arg21[%add3A_68, %dma_wait3A_82] : memref<10000x128xf32, #tpu.memory_space<vmem_shared>> -> memref<632x128xf32, #tpu.memory_space<vmem_shared>>
        tpu.wait_dma2 semaphore(%run_scoped3A : memref<!tpu.dma_semaphore, #tpu.memory_space<semaphore_mem>>) src(%dma_wait3A_83 : memref<632x128xf32, #tpu.memory_space<vmem_shared>>) dst(%dma_wait3A_81 : memref<632x128xf32, #tpu.memory_space<hbm>>)
        tpu.yield
      }) : () -> ()
    } else {
    }
    return
  }
}

#map = affine_map<(d0, d1) -> (0, 0)>
#map1 = affine_map<(d0, d1) -> (0)>
#map2 = affine_map<(d0, d1) -> (0, 0, 0)>
module attributes {stable_mosaic.version = 14 : i64} {
  func.func @body(%arg0: i32, %arg1: i32, %arg2: memref<90000x128xf32, #tpu.memory_space<hbm>>, %arg3: memref<320000xi32, #tpu.memory_space<hbm>>, %arg4: memref<320000xi32, #tpu.memory_space<hbm>>, %arg5: memref<2x10000x128xf32, #tpu.memory_space<hbm>>, %arg6: memref<128xi32, #tpu.memory_space<vmem>>, %arg7: memref<128xi32, #tpu.memory_space<vmem>>, %arg8: memref<128xi32, #tpu.memory_space<vmem>>, %arg9: memref<128xi32, #tpu.memory_space<vmem>>, %arg10: memref<128xi32, #tpu.memory_space<vmem>>, %arg11: memref<128xi32, #tpu.memory_space<vmem>>, %arg12: memref<128xi32, #tpu.memory_space<vmem>>, %arg13: memref<128xi32, #tpu.memory_space<vmem>>, %arg14: memref<128xi32, #tpu.memory_space<vmem>>, %arg15: memref<128xi32, #tpu.memory_space<vmem>>, %arg16: memref<128xi32, #tpu.memory_space<vmem>>, %arg17: memref<128xi32, #tpu.memory_space<vmem>>, %arg18: memref<128x128xf32, #tpu.memory_space<vmem>>, %arg19: memref<128x128xf32, #tpu.memory_space<vmem>>, %arg20: memref<128x128xf32, #tpu.memory_space<vmem>>, %arg21: memref<10000x128xf32, #tpu.memory_space<vmem_shared>>, %arg22: memref<!tpu.dma_semaphore, #tpu.memory_space<semaphore_mem>>, %arg23: memref<!tpu.dma_semaphore, #tpu.memory_space<semaphore_mem>>, %arg24: memref<!tpu.dma_semaphore, #tpu.memory_space<semaphore_mem>>, %arg25: memref<!tpu.dma_semaphore, #tpu.memory_space<semaphore_mem>>, %arg26: memref<!tpu.dma_semaphore, #tpu.memory_space<semaphore_mem>>, %arg27: memref<!tpu.dma_semaphore, #tpu.memory_space<semaphore_mem>>, %arg28: memref<!tpu.dma_semaphore, #tpu.memory_space<semaphore_mem>>, %arg29: memref<!tpu.dma_semaphore, #tpu.memory_space<semaphore_mem>>, %arg30: memref<!tpu.dma_semaphore, #tpu.memory_space<semaphore_mem>>, %arg31: memref<!tpu.dma_semaphore, #tpu.memory_space<semaphore_mem>>, %arg32: memref<!tpu.dma_semaphore, #tpu.memory_space<semaphore_mem>>, %arg33: memref<!tpu.dma_semaphore, #tpu.memory_space<semaphore_mem>>) attributes {dimension_semantics = [#tpu.dimension_semantics<core_parallel>, #tpu.dimension_semantics<subcore_parallel>], iteration_bounds = array<i64: 2, 16>, scalar_prefetch = 0 : i64, scratch_operands = 28 : i64, tpu.core_type = #tpu.core_type<sc_vector_subcore>, window_params = [{transform_indices = #map}, {transform_indices = #map1}, {transform_indices = #map1}, {transform_indices = #map2}]} {
    %mul3A = arith.constant 2 : i32
    %mul3A_0 = arith.muli %arg1, %mul3A : i32
    %add3A = arith.addi %mul3A_0, %arg0 : i32
    %add3A_1 = arith.constant 0 : i32
    %add3A_2 = arith.addi %add3A, %add3A_1 : i32
    %mul3A_3 = arith.constant 128 : i32
    %mul3A_4 = arith.muli %add3A_2, %mul3A_3 : i32
    %dma_start3A = tpu.memref_slice %arg3[%mul3A_4] : memref<320000xi32, #tpu.memory_space<hbm>> -> memref<128xi32, #tpu.memory_space<hbm>>
    %dma_start3A_5 = tpu.memref_slice %arg3[%mul3A_4] : memref<320000xi32, #tpu.memory_space<hbm>> -> memref<128xi32, #tpu.memory_space<hbm>>
    tpu.enqueue_dma source(%dma_start3A_5 : memref<128xi32, #tpu.memory_space<hbm>>) target(%arg6 : memref<128xi32, #tpu.memory_space<vmem>>) target_semaphore(%arg28 : memref<!tpu.dma_semaphore, #tpu.memory_space<semaphore_mem>>)
    %add3A_6 = arith.constant 0 : i32
    %add3A_7 = arith.addi %add3A, %add3A_6 : i32
    %mul3A_8 = arith.constant 128 : i32
    %mul3A_9 = arith.muli %add3A_7, %mul3A_8 : i32
    %dma_start3A_10 = tpu.memref_slice %arg4[%mul3A_9] : memref<320000xi32, #tpu.memory_space<hbm>> -> memref<128xi32, #tpu.memory_space<hbm>>
    %dma_start3A_11 = tpu.memref_slice %arg4[%mul3A_9] : memref<320000xi32, #tpu.memory_space<hbm>> -> memref<128xi32, #tpu.memory_space<hbm>>
    tpu.enqueue_dma source(%dma_start3A_11 : memref<128xi32, #tpu.memory_space<hbm>>) target(%arg12 : memref<128xi32, #tpu.memory_space<vmem>>) target_semaphore(%arg28 : memref<!tpu.dma_semaphore, #tpu.memory_space<semaphore_mem>>)
    %add3A_12 = arith.constant 32 : i32
    %add3A_13 = arith.addi %add3A, %add3A_12 : i32
    %mul3A_14 = arith.constant 128 : i32
    %mul3A_15 = arith.muli %add3A_13, %mul3A_14 : i32
    %dma_start3A_16 = tpu.memref_slice %arg3[%mul3A_15] : memref<320000xi32, #tpu.memory_space<hbm>> -> memref<128xi32, #tpu.memory_space<hbm>>
    %dma_start3A_17 = tpu.memref_slice %arg3[%mul3A_15] : memref<320000xi32, #tpu.memory_space<hbm>> -> memref<128xi32, #tpu.memory_space<hbm>>
    tpu.enqueue_dma source(%dma_start3A_17 : memref<128xi32, #tpu.memory_space<hbm>>) target(%arg7 : memref<128xi32, #tpu.memory_space<vmem>>) target_semaphore(%arg29 : memref<!tpu.dma_semaphore, #tpu.memory_space<semaphore_mem>>)
    %add3A_18 = arith.constant 32 : i32
    %add3A_19 = arith.addi %add3A, %add3A_18 : i32
    %mul3A_20 = arith.constant 128 : i32
    %mul3A_21 = arith.muli %add3A_19, %mul3A_20 : i32
    %dma_start3A_22 = tpu.memref_slice %arg4[%mul3A_21] : memref<320000xi32, #tpu.memory_space<hbm>> -> memref<128xi32, #tpu.memory_space<hbm>>
    %dma_start3A_23 = tpu.memref_slice %arg4[%mul3A_21] : memref<320000xi32, #tpu.memory_space<hbm>> -> memref<128xi32, #tpu.memory_space<hbm>>
    tpu.enqueue_dma source(%dma_start3A_23 : memref<128xi32, #tpu.memory_space<hbm>>) target(%arg13 : memref<128xi32, #tpu.memory_space<vmem>>) target_semaphore(%arg29 : memref<!tpu.dma_semaphore, #tpu.memory_space<semaphore_mem>>)
    %add3A_24 = arith.constant 64 : i32
    %add3A_25 = arith.addi %add3A, %add3A_24 : i32
    %mul3A_26 = arith.constant 128 : i32
    %mul3A_27 = arith.muli %add3A_25, %mul3A_26 : i32
    %dma_start3A_28 = tpu.memref_slice %arg3[%mul3A_27] : memref<320000xi32, #tpu.memory_space<hbm>> -> memref<128xi32, #tpu.memory_space<hbm>>
    %dma_start3A_29 = tpu.memref_slice %arg3[%mul3A_27] : memref<320000xi32, #tpu.memory_space<hbm>> -> memref<128xi32, #tpu.memory_space<hbm>>
    tpu.enqueue_dma source(%dma_start3A_29 : memref<128xi32, #tpu.memory_space<hbm>>) target(%arg8 : memref<128xi32, #tpu.memory_space<vmem>>) target_semaphore(%arg30 : memref<!tpu.dma_semaphore, #tpu.memory_space<semaphore_mem>>)
    %add3A_30 = arith.constant 64 : i32
    %add3A_31 = arith.addi %add3A, %add3A_30 : i32
    %mul3A_32 = arith.constant 128 : i32
    %mul3A_33 = arith.muli %add3A_31, %mul3A_32 : i32
    %dma_start3A_34 = tpu.memref_slice %arg4[%mul3A_33] : memref<320000xi32, #tpu.memory_space<hbm>> -> memref<128xi32, #tpu.memory_space<hbm>>
    %dma_start3A_35 = tpu.memref_slice %arg4[%mul3A_33] : memref<320000xi32, #tpu.memory_space<hbm>> -> memref<128xi32, #tpu.memory_space<hbm>>
    tpu.enqueue_dma source(%dma_start3A_35 : memref<128xi32, #tpu.memory_space<hbm>>) target(%arg14 : memref<128xi32, #tpu.memory_space<vmem>>) target_semaphore(%arg30 : memref<!tpu.dma_semaphore, #tpu.memory_space<semaphore_mem>>)
    %scan3A = arith.constant 0 : i32
    %scan3A_36 = arith.constant 0 : i32
    %scan3A_37 = arith.constant 128 : i32
    %scan3A_38 = arith.addi %scan3A_36, %scan3A_37 : i32
    %scan3A_39 = arith.constant 1 : i32
    scf.for %scan3A_64 = %scan3A_36 to %scan3A_38 step %scan3A_39  : i32 {
      %broadcast_in_dim3A = arith.constant 0.000000e+00 : f32
      %broadcast_in_dim3A_65 = vector.broadcast %broadcast_in_dim3A : f32 to vector<16xf32>
      %swap3A = arith.index_cast %scan3A_64 : i32 to index
      %swap3A_66 = arith.constant 0 : index
      %swap3A_67 = tpu.vector_load %arg18[%swap3A, %swap3A_66] {strides = array<i32>} : memref<128x128xf32, #tpu.memory_space<vmem>>, vector<1x16xf32>,
      %swap3A_68 = vector.shape_cast %swap3A_67 : vector<1x16xf32> to vector<16xf32>
      %swap3A_69 = vector.shape_cast %broadcast_in_dim3A_65 : vector<16xf32> to vector<1x16xf32>
      tpu.vector_store %arg18[%swap3A, %swap3A_66], %swap3A_69 {strides = array<i32>} : memref<128x128xf32, #tpu.memory_space<vmem>>, vector<1x16xf32>,
      %broadcast_in_dim3A_70 = arith.constant 0.000000e+00 : f32
      %broadcast_in_dim3A_71 = vector.broadcast %broadcast_in_dim3A_70 : f32 to vector<16xf32>
      %swap3A_72 = arith.index_cast %scan3A_64 : i32 to index
      %swap3A_73 = arith.constant 16 : index
      %swap3A_74 = tpu.vector_load %arg18[%swap3A_72, %swap3A_73] {strides = array<i32>} : memref<128x128xf32, #tpu.memory_space<vmem>>, vector<1x16xf32>,
      %swap3A_75 = vector.shape_cast %swap3A_74 : vector<1x16xf32> to vector<16xf32>
      %swap3A_76 = vector.shape_cast %broadcast_in_dim3A_71 : vector<16xf32> to vector<1x16xf32>
      tpu.vector_store %arg18[%swap3A_72, %swap3A_73], %swap3A_76 {strides = array<i32>} : memref<128x128xf32, #tpu.memory_space<vmem>>, vector<1x16xf32>,
      %broadcast_in_dim3A_77 = arith.constant 0.000000e+00 : f32
      %broadcast_in_dim3A_78 = vector.broadcast %broadcast_in_dim3A_77 : f32 to vector<16xf32>
      %swap3A_79 = arith.index_cast %scan3A_64 : i32 to index
      %swap3A_80 = arith.constant 32 : index
      %swap3A_81 = tpu.vector_load %arg18[%swap3A_79, %swap3A_80] {strides = array<i32>} : memref<128x128xf32, #tpu.memory_space<vmem>>, vector<1x16xf32>,
      %swap3A_82 = vector.shape_cast %swap3A_81 : vector<1x16xf32> to vector<16xf32>
      %swap3A_83 = vector.shape_cast %broadcast_in_dim3A_78 : vector<16xf32> to vector<1x16xf32>
      tpu.vector_store %arg18[%swap3A_79, %swap3A_80], %swap3A_83 {strides = array<i32>} : memref<128x128xf32, #tpu.memory_space<vmem>>, vector<1x16xf32>,
      %broadcast_in_dim3A_84 = arith.constant 0.000000e+00 : f32
      %broadcast_in_dim3A_85 = vector.broadcast %broadcast_in_dim3A_84 : f32 to vector<16xf32>
      %swap3A_86 = arith.index_cast %scan3A_64 : i32 to index
      %swap3A_87 = arith.constant 48 : index
      %swap3A_88 = tpu.vector_load %arg18[%swap3A_86, %swap3A_87] {strides = array<i32>} : memref<128x128xf32, #tpu.memory_space<vmem>>, vector<1x16xf32>,
      %swap3A_89 = vector.shape_cast %swap3A_88 : vector<1x16xf32> to vector<16xf32>
      %swap3A_90 = vector.shape_cast %broadcast_in_dim3A_85 : vector<16xf32> to vector<1x16xf32>
      tpu.vector_store %arg18[%swap3A_86, %swap3A_87], %swap3A_90 {strides = array<i32>} : memref<128x128xf32, #tpu.memory_space<vmem>>, vector<1x16xf32>,
      %broadcast_in_dim3A_91 = arith.constant 0.000000e+00 : f32
      %broadcast_in_dim3A_92 = vector.broadcast %broadcast_in_dim3A_91 : f32 to vector<16xf32>
      %swap3A_93 = arith.index_cast %scan3A_64 : i32 to index
      %swap3A_94 = arith.constant 64 : index
      %swap3A_95 = tpu.vector_load %arg18[%swap3A_93, %swap3A_94] {strides = array<i32>} : memref<128x128xf32, #tpu.memory_space<vmem>>, vector<1x16xf32>,
      %swap3A_96 = vector.shape_cast %swap3A_95 : vector<1x16xf32> to vector<16xf32>
      %swap3A_97 = vector.shape_cast %broadcast_in_dim3A_92 : vector<16xf32> to vector<1x16xf32>
      tpu.vector_store %arg18[%swap3A_93, %swap3A_94], %swap3A_97 {strides = array<i32>} : memref<128x128xf32, #tpu.memory_space<vmem>>, vector<1x16xf32>,
      %broadcast_in_dim3A_98 = arith.constant 0.000000e+00 : f32
      %broadcast_in_dim3A_99 = vector.broadcast %broadcast_in_dim3A_98 : f32 to vector<16xf32>
      %swap3A_100 = arith.index_cast %scan3A_64 : i32 to index
      %swap3A_101 = arith.constant 80 : index
      %swap3A_102 = tpu.vector_load %arg18[%swap3A_100, %swap3A_101] {strides = array<i32>} : memref<128x128xf32, #tpu.memory_space<vmem>>, vector<1x16xf32>,
      %swap3A_103 = vector.shape_cast %swap3A_102 : vector<1x16xf32> to vector<16xf32>
      %swap3A_104 = vector.shape_cast %broadcast_in_dim3A_99 : vector<16xf32> to vector<1x16xf32>
      tpu.vector_store %arg18[%swap3A_100, %swap3A_101], %swap3A_104 {strides = array<i32>} : memref<128x128xf32, #tpu.memory_space<vmem>>, vector<1x16xf32>,
      %broadcast_in_dim3A_105 = arith.constant 0.000000e+00 : f32
      %broadcast_in_dim3A_106 = vector.broadcast %broadcast_in_dim3A_105 : f32 to vector<16xf32>
      %swap3A_107 = arith.index_cast %scan3A_64 : i32 to index
      %swap3A_108 = arith.constant 96 : index
      %swap3A_109 = tpu.vector_load %arg18[%swap3A_107, %swap3A_108] {strides = array<i32>} : memref<128x128xf32, #tpu.memory_space<vmem>>, vector<1x16xf32>,
      %swap3A_110 = vector.shape_cast %swap3A_109 : vector<1x16xf32> to vector<16xf32>
      %swap3A_111 = vector.shape_cast %broadcast_in_dim3A_106 : vector<16xf32> to vector<1x16xf32>
      tpu.vector_store %arg18[%swap3A_107, %swap3A_108], %swap3A_111 {strides = array<i32>} : memref<128x128xf32, #tpu.memory_space<vmem>>, vector<1x16xf32>,
      %broadcast_in_dim3A_112 = arith.constant 0.000000e+00 : f32
      %broadcast_in_dim3A_113 = vector.broadcast %broadcast_in_dim3A_112 : f32 to vector<16xf32>
      %swap3A_114 = arith.index_cast %scan3A_64 : i32 to index
      %swap3A_115 = arith.constant 112 : index
      %swap3A_116 = tpu.vector_load %arg18[%swap3A_114, %swap3A_115] {strides = array<i32>} : memref<128x128xf32, #tpu.memory_space<vmem>>, vector<1x16xf32>,
      %swap3A_117 = vector.shape_cast %swap3A_116 : vector<1x16xf32> to vector<16xf32>
      %swap3A_118 = vector.shape_cast %broadcast_in_dim3A_113 : vector<16xf32> to vector<1x16xf32>
      tpu.vector_store %arg18[%swap3A_114, %swap3A_115], %swap3A_118 {strides = array<i32>} : memref<128x128xf32, #tpu.memory_space<vmem>>, vector<1x16xf32>,
    }
    %scan3A_40 = arith.constant 128 : i32
    %lt3A = arith.constant 14 : i32
    %lt3A_41 = arith.cmpi slt, %arg1, %lt3A : i32
    %convert_element_type3A = arith.extui %lt3A_41 : i1 to i32
    %cond3A = arith.constant 0 : i32
    %cond3A_42 = arith.cmpi ne, %convert_element_type3A, %cond3A : i32
    scf.if %cond3A_42 {
      %mul3A_64 = arith.constant 624 : i32
      %mul3A_65 = arith.muli %arg1, %mul3A_64 : i32
      %add3A_66 = arith.constant 0 : i32
      %add3A_67 = arith.addi %mul3A_65, %add3A_66 : i32
      %dma_start3A_68 = arith.constant 0 : i32
      %dma_start3A_69 = tpu.memref_slice %arg21[%add3A_67, %dma_start3A_68] : memref<10000x128xf32, #tpu.memory_space<vmem_shared>> -> memref<128x128xf32, #tpu.memory_space<vmem_shared>>
      %dma_start3A_70 = arith.constant 0 : i32
      %dma_start3A_71 = tpu.memref_slice %arg21[%add3A_67, %dma_start3A_70] : memref<10000x128xf32, #tpu.memory_space<vmem_shared>> -> memref<128x128xf32, #tpu.memory_space<vmem_shared>>
      tpu.enqueue_dma source(%arg18 : memref<128x128xf32, #tpu.memory_space<vmem>>) target(%dma_start3A_71 : memref<128x128xf32, #tpu.memory_space<vmem_shared>>) target_semaphore(%arg25 : memref<!tpu.dma_semaphore, #tpu.memory_space<semaphore_mem>>)
      %mul3A_72 = arith.constant 624 : i32
      %mul3A_73 = arith.muli %arg1, %mul3A_72 : i32
      %add3A_74 = arith.constant 128 : i32
      %add3A_75 = arith.addi %mul3A_73, %add3A_74 : i32
      %dma_start3A_76 = arith.constant 0 : i32
      %dma_start3A_77 = tpu.memref_slice %arg21[%add3A_75, %dma_start3A_76] : memref<10000x128xf32, #tpu.memory_space<vmem_shared>> -> memref<128x128xf32, #tpu.memory_space<vmem_shared>>
      %dma_start3A_78 = arith.constant 0 : i32
      %dma_start3A_79 = tpu.memref_slice %arg21[%add3A_75, %dma_start3A_78] : memref<10000x128xf32, #tpu.memory_space<vmem_shared>> -> memref<128x128xf32, #tpu.memory_space<vmem_shared>>
      tpu.enqueue_dma source(%arg18 : memref<128x128xf32, #tpu.memory_space<vmem>>) target(%dma_start3A_79 : memref<128x128xf32, #tpu.memory_space<vmem_shared>>) target_semaphore(%arg25 : memref<!tpu.dma_semaphore, #tpu.memory_space<semaphore_mem>>)
      %mul3A_80 = arith.constant 624 : i32
      %mul3A_81 = arith.muli %arg1, %mul3A_80 : i32
      %add3A_82 = arith.constant 256 : i32
      %add3A_83 = arith.addi %mul3A_81, %add3A_82 : i32
      %dma_start3A_84 = arith.constant 0 : i32
      %dma_start3A_85 = tpu.memref_slice %arg21[%add3A_83, %dma_start3A_84] : memref<10000x128xf32, #tpu.memory_space<vmem_shared>> -> memref<128x128xf32, #tpu.memory_space<vmem_shared>>
      %dma_start3A_86 = arith.constant 0 : i32
      %dma_start3A_87 = tpu.memref_slice %arg21[%add3A_83, %dma_start3A_86] : memref<10000x128xf32, #tpu.memory_space<vmem_shared>> -> memref<128x128xf32, #tpu.memory_space<vmem_shared>>
      tpu.enqueue_dma source(%arg18 : memref<128x128xf32, #tpu.memory_space<vmem>>) target(%dma_start3A_87 : memref<128x128xf32, #tpu.memory_space<vmem_shared>>) target_semaphore(%arg25 : memref<!tpu.dma_semaphore, #tpu.memory_space<semaphore_mem>>)
      %mul3A_88 = arith.constant 624 : i32
      %mul3A_89 = arith.muli %arg1, %mul3A_88 : i32
      %add3A_90 = arith.constant 384 : i32
      %add3A_91 = arith.addi %mul3A_89, %add3A_90 : i32
      %dma_start3A_92 = arith.constant 0 : i32
      %dma_start3A_93 = tpu.memref_slice %arg21[%add3A_91, %dma_start3A_92] : memref<10000x128xf32, #tpu.memory_space<vmem_shared>> -> memref<128x128xf32, #tpu.memory_space<vmem_shared>>
      %dma_start3A_94 = arith.constant 0 : i32
      %dma_start3A_95 = tpu.memref_slice %arg21[%add3A_91, %dma_start3A_94] : memref<10000x128xf32, #tpu.memory_space<vmem_shared>> -> memref<128x128xf32, #tpu.memory_space<vmem_shared>>
      tpu.enqueue_dma source(%arg18 : memref<128x128xf32, #tpu.memory_space<vmem>>) target(%dma_start3A_95 : memref<128x128xf32, #tpu.memory_space<vmem_shared>>) target_semaphore(%arg25 : memref<!tpu.dma_semaphore, #tpu.memory_space<semaphore_mem>>)
      %mul3A_96 = arith.constant 624 : i32
      %mul3A_97 = arith.muli %arg1, %mul3A_96 : i32
      %add3A_98 = arith.constant 512 : i32
      %add3A_99 = arith.addi %mul3A_97, %add3A_98 : i32
      %dma_start3A_100 = arith.constant 0 : i32
      %dma_start3A_101 = arith.constant 0 : i32
      %dma_start3A_102 = tpu.memref_slice %arg18[%dma_start3A_100, %dma_start3A_101] : memref<128x128xf32, #tpu.memory_space<vmem>> -> memref<112x128xf32, #tpu.memory_space<vmem>>
      %dma_start3A_103 = arith.constant 0 : i32
      %dma_start3A_104 = tpu.memref_slice %arg21[%add3A_99, %dma_start3A_103] : memref<10000x128xf32, #tpu.memory_space<vmem_shared>> -> memref<112x128xf32, #tpu.memory_space<vmem_shared>>
      %dma_start3A_105 = arith.constant 0 : i32
      %dma_start3A_106 = tpu.memref_slice %arg21[%add3A_99, %dma_start3A_105] : memref<10000x128xf32, #tpu.memory_space<vmem_shared>> -> memref<112x128xf32, #tpu.memory_space<vmem_shared>>
      %dma_start3A_107 = arith.constant 0 : i32
      %dma_start3A_108 = arith.constant 0 : i32
      %dma_start3A_109 = tpu.memref_slice %arg18[%dma_start3A_107, %dma_start3A_108] : memref<128x128xf32, #tpu.memory_space<vmem>> -> memref<112x128xf32, #tpu.memory_space<vmem>>
      tpu.enqueue_dma source(%dma_start3A_109 : memref<112x128xf32, #tpu.memory_space<vmem>>) target(%dma_start3A_106 : memref<112x128xf32, #tpu.memory_space<vmem_shared>>) target_semaphore(%arg25 : memref<!tpu.dma_semaphore, #tpu.memory_space<semaphore_mem>>)
      %mul3A_110 = arith.constant 624 : i32
      %mul3A_111 = arith.muli %arg1, %mul3A_110 : i32
      %add3A_112 = arith.constant 0 : i32
      %add3A_113 = arith.addi %mul3A_111, %add3A_112 : i32
      %dma_wait3A = arith.constant 0 : i32
      %dma_wait3A_114 = tpu.memref_slice %arg21[%add3A_113, %dma_wait3A] : memref<10000x128xf32, #tpu.memory_space<vmem_shared>> -> memref<128x128xf32, #tpu.memory_space<vmem_shared>>
      %dma_wait3A_115 = arith.constant 0 : i32
      %dma_wait3A_116 = tpu.memref_slice %arg21[%add3A_113, %dma_wait3A_115] : memref<10000x128xf32, #tpu.memory_space<vmem_shared>> -> memref<128x128xf32, #tpu.memory_space<vmem_shared>>
      tpu.wait_dma2 semaphore(%arg25 : memref<!tpu.dma_semaphore, #tpu.memory_space<semaphore_mem>>) src(%arg18 : memref<128x128xf32, #tpu.memory_space<vmem>>) dst(%dma_wait3A_116 : memref<128x128xf32, #tpu.memory_space<vmem_shared>>)
      %mul3A_117 = arith.constant 624 : i32
      %mul3A_118 = arith.muli %arg1, %mul3A_117 : i32
      %add3A_119 = arith.constant 128 : i32
      %add3A_120 = arith.addi %mul3A_118, %add3A_119 : i32
      %dma_wait3A_121 = arith.constant 0 : i32
      %dma_wait3A_122 = tpu.memref_slice %arg21[%add3A_120, %dma_wait3A_121] : memref<10000x128xf32, #tpu.memory_space<vmem_shared>> -> memref<128x128xf32, #tpu.memory_space<vmem_shared>>
      %dma_wait3A_123 = arith.constant 0 : i32
      %dma_wait3A_124 = tpu.memref_slice %arg21[%add3A_120, %dma_wait3A_123] : memref<10000x128xf32, #tpu.memory_space<vmem_shared>> -> memref<128x128xf32, #tpu.memory_space<vmem_shared>>
      tpu.wait_dma2 semaphore(%arg25 : memref<!tpu.dma_semaphore, #tpu.memory_space<semaphore_mem>>) src(%arg18 : memref<128x128xf32, #tpu.memory_space<vmem>>) dst(%dma_wait3A_124 : memref<128x128xf32, #tpu.memory_space<vmem_shared>>)
      %mul3A_125 = arith.constant 624 : i32
      %mul3A_126 = arith.muli %arg1, %mul3A_125 : i32
      %add3A_127 = arith.constant 256 : i32
      %add3A_128 = arith.addi %mul3A_126, %add3A_127 : i32
      %dma_wait3A_129 = arith.constant 0 : i32
      %dma_wait3A_130 = tpu.memref_slice %arg21[%add3A_128, %dma_wait3A_129] : memref<10000x128xf32, #tpu.memory_space<vmem_shared>> -> memref<128x128xf32, #tpu.memory_space<vmem_shared>>
      %dma_wait3A_131 = arith.constant 0 : i32
      %dma_wait3A_132 = tpu.memref_slice %arg21[%add3A_128, %dma_wait3A_131] : memref<10000x128xf32, #tpu.memory_space<vmem_shared>> -> memref<128x128xf32, #tpu.memory_space<vmem_shared>>
      tpu.wait_dma2 semaphore(%arg25 : memref<!tpu.dma_semaphore, #tpu.memory_space<semaphore_mem>>) src(%arg18 : memref<128x128xf32, #tpu.memory_space<vmem>>) dst(%dma_wait3A_132 : memref<128x128xf32, #tpu.memory_space<vmem_shared>>)
      %mul3A_133 = arith.constant 624 : i32
      %mul3A_134 = arith.muli %arg1, %mul3A_133 : i32
      %add3A_135 = arith.constant 384 : i32
      %add3A_136 = arith.addi %mul3A_134, %add3A_135 : i32
      %dma_wait3A_137 = arith.constant 0 : i32
      %dma_wait3A_138 = tpu.memref_slice %arg21[%add3A_136, %dma_wait3A_137] : memref<10000x128xf32, #tpu.memory_space<vmem_shared>> -> memref<128x128xf32, #tpu.memory_space<vmem_shared>>
      %dma_wait3A_139 = arith.constant 0 : i32
      %dma_wait3A_140 = tpu.memref_slice %arg21[%add3A_136, %dma_wait3A_139] : memref<10000x128xf32, #tpu.memory_space<vmem_shared>> -> memref<128x128xf32, #tpu.memory_space<vmem_shared>>
      tpu.wait_dma2 semaphore(%arg25 : memref<!tpu.dma_semaphore, #tpu.memory_space<semaphore_mem>>) src(%arg18 : memref<128x128xf32, #tpu.memory_space<vmem>>) dst(%dma_wait3A_140 : memref<128x128xf32, #tpu.memory_space<vmem_shared>>)
      %mul3A_141 = arith.constant 624 : i32
      %mul3A_142 = arith.muli %arg1, %mul3A_141 : i32
      %add3A_143 = arith.constant 512 : i32
      %add3A_144 = arith.addi %mul3A_142, %add3A_143 : i32
      %dma_wait3A_145 = arith.constant 0 : i32
      %dma_wait3A_146 = arith.constant 0 : i32
      %dma_wait3A_147 = tpu.memref_slice %arg18[%dma_wait3A_145, %dma_wait3A_146] : memref<128x128xf32, #tpu.memory_space<vmem>> -> memref<112x128xf32, #tpu.memory_space<vmem>>
      %dma_wait3A_148 = arith.constant 0 : i32
      %dma_wait3A_149 = tpu.memref_slice %arg21[%add3A_144, %dma_wait3A_148] : memref<10000x128xf32, #tpu.memory_space<vmem_shared>> -> memref<112x128xf32, #tpu.memory_space<vmem_shared>>
      %dma_wait3A_150 = arith.constant 0 : i32
      %dma_wait3A_151 = tpu.memref_slice %arg21[%add3A_144, %dma_wait3A_150] : memref<10000x128xf32, #tpu.memory_space<vmem_shared>> -> memref<112x128xf32, #tpu.memory_space<vmem_shared>>
      %dma_wait3A_152 = arith.constant 0 : i32
      %dma_wait3A_153 = arith.constant 0 : i32
      %dma_wait3A_154 = tpu.memref_slice %arg18[%dma_wait3A_152, %dma_wait3A_153] : memref<128x128xf32, #tpu.memory_space<vmem>> -> memref<112x128xf32, #tpu.memory_space<vmem>>
      tpu.wait_dma2 semaphore(%arg25 : memref<!tpu.dma_semaphore, #tpu.memory_space<semaphore_mem>>) src(%dma_wait3A_154 : memref<112x128xf32, #tpu.memory_space<vmem>>) dst(%dma_wait3A_151 : memref<112x128xf32, #tpu.memory_space<vmem_shared>>)
    } else {
    }
    %ge3A = arith.constant 14 : i32
    %ge3A_43 = arith.cmpi sge, %arg1, %ge3A : i32
    %convert_element_type3A_44 = arith.extui %ge3A_43 : i1 to i32
    %cond3A_45 = arith.constant 0 : i32
    %cond3A_46 = arith.cmpi ne, %convert_element_type3A_44, %cond3A_45 : i32
    scf.if %cond3A_46 {
      %sub3A = arith.constant 14 : i32
      %sub3A_64 = arith.subi %arg1, %sub3A : i32
      %mul3A_65 = arith.constant 632 : i32
      %mul3A_66 = arith.muli %sub3A_64, %mul3A_65 : i32
      %add3A_67 = arith.constant 8736 : i32
      %add3A_68 = arith.addi %add3A_67, %mul3A_66 : i32
      %add3A_69 = arith.constant 0 : i32
      %add3A_70 = arith.addi %add3A_68, %add3A_69 : i32
      %dma_start3A_71 = arith.constant 0 : i32
      %dma_start3A_72 = tpu.memref_slice %arg21[%add3A_70, %dma_start3A_71] : memref<10000x128xf32, #tpu.memory_space<vmem_shared>> -> memref<128x128xf32, #tpu.memory_space<vmem_shared>>
      %dma_start3A_73 = arith.constant 0 : i32
      %dma_start3A_74 = tpu.memref_slice %arg21[%add3A_70, %dma_start3A_73] : memref<10000x128xf32, #tpu.memory_space<vmem_shared>> -> memref<128x128xf32, #tpu.memory_space<vmem_shared>>
      tpu.enqueue_dma source(%arg18 : memref<128x128xf32, #tpu.memory_space<vmem>>) target(%dma_start3A_74 : memref<128x128xf32, #tpu.memory_space<vmem_shared>>) target_semaphore(%arg25 : memref<!tpu.dma_semaphore, #tpu.memory_space<semaphore_mem>>)
      %add3A_75 = arith.constant 128 : i32
      %add3A_76 = arith.addi %add3A_68, %add3A_75 : i32
      %dma_start3A_77 = arith.constant 0 : i32
      %dma_start3A_78 = tpu.memref_slice %arg21[%add3A_76, %dma_start3A_77] : memref<10000x128xf32, #tpu.memory_space<vmem_shared>> -> memref<128x128xf32, #tpu.memory_space<vmem_shared>>
      %dma_start3A_79 = arith.constant 0 : i32
      %dma_start3A_80 = tpu.memref_slice %arg21[%add3A_76, %dma_start3A_79] : memref<10000x128xf32, #tpu.memory_space<vmem_shared>> -> memref<128x128xf32, #tpu.memory_space<vmem_shared>>
      tpu.enqueue_dma source(%arg18 : memref<128x128xf32, #tpu.memory_space<vmem>>) target(%dma_start3A_80 : memref<128x128xf32, #tpu.memory_space<vmem_shared>>) target_semaphore(%arg25 : memref<!tpu.dma_semaphore, #tpu.memory_space<semaphore_mem>>)
      %add3A_81 = arith.constant 256 : i32
      %add3A_82 = arith.addi %add3A_68, %add3A_81 : i32
      %dma_start3A_83 = arith.constant 0 : i32
      %dma_start3A_84 = tpu.memref_slice %arg21[%add3A_82, %dma_start3A_83] : memref<10000x128xf32, #tpu.memory_space<vmem_shared>> -> memref<128x128xf32, #tpu.memory_space<vmem_shared>>
      %dma_start3A_85 = arith.constant 0 : i32
      %dma_start3A_86 = tpu.memref_slice %arg21[%add3A_82, %dma_start3A_85] : memref<10000x128xf32, #tpu.memory_space<vmem_shared>> -> memref<128x128xf32, #tpu.memory_space<vmem_shared>>
      tpu.enqueue_dma source(%arg18 : memref<128x128xf32, #tpu.memory_space<vmem>>) target(%dma_start3A_86 : memref<128x128xf32, #tpu.memory_space<vmem_shared>>) target_semaphore(%arg25 : memref<!tpu.dma_semaphore, #tpu.memory_space<semaphore_mem>>)
      %add3A_87 = arith.constant 384 : i32
      %add3A_88 = arith.addi %add3A_68, %add3A_87 : i32
      %dma_start3A_89 = arith.constant 0 : i32
      %dma_start3A_90 = tpu.memref_slice %arg21[%add3A_88, %dma_start3A_89] : memref<10000x128xf32, #tpu.memory_space<vmem_shared>> -> memref<128x128xf32, #tpu.memory_space<vmem_shared>>
      %dma_start3A_91 = arith.constant 0 : i32
      %dma_start3A_92 = tpu.memref_slice %arg21[%add3A_88, %dma_start3A_91] : memref<10000x128xf32, #tpu.memory_space<vmem_shared>> -> memref<128x128xf32, #tpu.memory_space<vmem_shared>>
      tpu.enqueue_dma source(%arg18 : memref<128x128xf32, #tpu.memory_space<vmem>>) target(%dma_start3A_92 : memref<128x128xf32, #tpu.memory_space<vmem_shared>>) target_semaphore(%arg25 : memref<!tpu.dma_semaphore, #tpu.memory_space<semaphore_mem>>)
      %add3A_93 = arith.constant 512 : i32
      %add3A_94 = arith.addi %add3A_68, %add3A_93 : i32
      %dma_start3A_95 = arith.constant 0 : i32
      %dma_start3A_96 = arith.constant 0 : i32
      %dma_start3A_97 = tpu.memref_slice %arg18[%dma_start3A_95, %dma_start3A_96] : memref<128x128xf32, #tpu.memory_space<vmem>> -> memref<120x128xf32, #tpu.memory_space<vmem>>
      %dma_start3A_98 = arith.constant 0 : i32
      %dma_start3A_99 = tpu.memref_slice %arg21[%add3A_94, %dma_start3A_98] : memref<10000x128xf32, #tpu.memory_space<vmem_shared>> -> memref<120x128xf32, #tpu.memory_space<vmem_shared>>
      %dma_start3A_100 = arith.constant 0 : i32
      %dma_start3A_101 = tpu.memref_slice %arg21[%add3A_94, %dma_start3A_100] : memref<10000x128xf32, #tpu.memory_space<vmem_shared>> -> memref<120x128xf32, #tpu.memory_space<vmem_shared>>
      %dma_start3A_102 = arith.constant 0 : i32
      %dma_start3A_103 = arith.constant 0 : i32
      %dma_start3A_104 = tpu.memref_slice %arg18[%dma_start3A_102, %dma_start3A_103] : memref<128x128xf32, #tpu.memory_space<vmem>> -> memref<120x128xf32, #tpu.memory_space<vmem>>
      tpu.enqueue_dma source(%dma_start3A_104 : memref<120x128xf32, #tpu.memory_space<vmem>>) target(%dma_start3A_101 : memref<120x128xf32, #tpu.memory_space<vmem_shared>>) target_semaphore(%arg25 : memref<!tpu.dma_semaphore, #tpu.memory_space<semaphore_mem>>)
      %add3A_105 = arith.constant 0 : i32
      %add3A_106 = arith.addi %add3A_68, %add3A_105 : i32
      %dma_wait3A = arith.constant 0 : i32
      %dma_wait3A_107 = tpu.memref_slice %arg21[%add3A_106, %dma_wait3A] : memref<10000x128xf32, #tpu.memory_space<vmem_shared>> -> memref<128x128xf32, #tpu.memory_space<vmem_shared>>
      %dma_wait3A_108 = arith.constant 0 : i32
      %dma_wait3A_109 = tpu.memref_slice %arg21[%add3A_106, %dma_wait3A_108] : memref<10000x128xf32, #tpu.memory_space<vmem_shared>> -> memref<128x128xf32, #tpu.memory_space<vmem_shared>>
      tpu.wait_dma2 semaphore(%arg25 : memref<!tpu.dma_semaphore, #tpu.memory_space<semaphore_mem>>) src(%arg18 : memref<128x128xf32, #tpu.memory_space<vmem>>) dst(%dma_wait3A_109 : memref<128x128xf32, #tpu.memory_space<vmem_shared>>)
      %add3A_110 = arith.constant 128 : i32
      %add3A_111 = arith.addi %add3A_68, %add3A_110 : i32
      %dma_wait3A_112 = arith.constant 0 : i32
      %dma_wait3A_113 = tpu.memref_slice %arg21[%add3A_111, %dma_wait3A_112] : memref<10000x128xf32, #tpu.memory_space<vmem_shared>> -> memref<128x128xf32, #tpu.memory_space<vmem_shared>>
      %dma_wait3A_114 = arith.constant 0 : i32
      %dma_wait3A_115 = tpu.memref_slice %arg21[%add3A_111, %dma_wait3A_114] : memref<10000x128xf32, #tpu.memory_space<vmem_shared>> -> memref<128x128xf32, #tpu.memory_space<vmem_shared>>
      tpu.wait_dma2 semaphore(%arg25 : memref<!tpu.dma_semaphore, #tpu.memory_space<semaphore_mem>>) src(%arg18 : memref<128x128xf32, #tpu.memory_space<vmem>>) dst(%dma_wait3A_115 : memref<128x128xf32, #tpu.memory_space<vmem_shared>>)
      %add3A_116 = arith.constant 256 : i32
      %add3A_117 = arith.addi %add3A_68, %add3A_116 : i32
      %dma_wait3A_118 = arith.constant 0 : i32
      %dma_wait3A_119 = tpu.memref_slice %arg21[%add3A_117, %dma_wait3A_118] : memref<10000x128xf32, #tpu.memory_space<vmem_shared>> -> memref<128x128xf32, #tpu.memory_space<vmem_shared>>
      %dma_wait3A_120 = arith.constant 0 : i32
      %dma_wait3A_121 = tpu.memref_slice %arg21[%add3A_117, %dma_wait3A_120] : memref<10000x128xf32, #tpu.memory_space<vmem_shared>> -> memref<128x128xf32, #tpu.memory_space<vmem_shared>>
      tpu.wait_dma2 semaphore(%arg25 : memref<!tpu.dma_semaphore, #tpu.memory_space<semaphore_mem>>) src(%arg18 : memref<128x128xf32, #tpu.memory_space<vmem>>) dst(%dma_wait3A_121 : memref<128x128xf32, #tpu.memory_space<vmem_shared>>)
      %add3A_122 = arith.constant 384 : i32
      %add3A_123 = arith.addi %add3A_68, %add3A_122 : i32
      %dma_wait3A_124 = arith.constant 0 : i32
      %dma_wait3A_125 = tpu.memref_slice %arg21[%add3A_123, %dma_wait3A_124] : memref<10000x128xf32, #tpu.memory_space<vmem_shared>> -> memref<128x128xf32, #tpu.memory_space<vmem_shared>>
      %dma_wait3A_126 = arith.constant 0 : i32
      %dma_wait3A_127 = tpu.memref_slice %arg21[%add3A_123, %dma_wait3A_126] : memref<10000x128xf32, #tpu.memory_space<vmem_shared>> -> memref<128x128xf32, #tpu.memory_space<vmem_shared>>
      tpu.wait_dma2 semaphore(%arg25 : memref<!tpu.dma_semaphore, #tpu.memory_space<semaphore_mem>>) src(%arg18 : memref<128x128xf32, #tpu.memory_space<vmem>>) dst(%dma_wait3A_127 : memref<128x128xf32, #tpu.memory_space<vmem_shared>>)
      %add3A_128 = arith.constant 512 : i32
      %add3A_129 = arith.addi %add3A_68, %add3A_128 : i32
      %dma_wait3A_130 = arith.constant 0 : i32
      %dma_wait3A_131 = arith.constant 0 : i32
      %dma_wait3A_132 = tpu.memref_slice %arg18[%dma_wait3A_130, %dma_wait3A_131] : memref<128x128xf32, #tpu.memory_space<vmem>> -> memref<120x128xf32, #tpu.memory_space<vmem>>
      %dma_wait3A_133 = arith.constant 0 : i32
      %dma_wait3A_134 = tpu.memref_slice %arg21[%add3A_129, %dma_wait3A_133] : memref<10000x128xf32, #tpu.memory_space<vmem_shared>> -> memref<120x128xf32, #tpu.memory_space<vmem_shared>>
      %dma_wait3A_135 = arith.constant 0 : i32
      %dma_wait3A_136 = tpu.memref_slice %arg21[%add3A_129, %dma_wait3A_135] : memref<10000x128xf32, #tpu.memory_space<vmem_shared>> -> memref<120x128xf32, #tpu.memory_space<vmem_shared>>
      %dma_wait3A_137 = arith.constant 0 : i32
      %dma_wait3A_138 = arith.constant 0 : i32
      %dma_wait3A_139 = tpu.memref_slice %arg18[%dma_wait3A_137, %dma_wait3A_138] : memref<128x128xf32, #tpu.memory_space<vmem>> -> memref<120x128xf32, #tpu.memory_space<vmem>>
      tpu.wait_dma2 semaphore(%arg25 : memref<!tpu.dma_semaphore, #tpu.memory_space<semaphore_mem>>) src(%dma_wait3A_139 : memref<120x128xf32, #tpu.memory_space<vmem>>) dst(%dma_wait3A_136 : memref<120x128xf32, #tpu.memory_space<vmem_shared>>)
    } else {
    }
    %barrier3A = arith.constant 0 : index
    tpu.barrier barrier_id(%barrier3A)
    %scan3A_47 = arith.constant 0 : i32
    %scan3A_48 = arith.constant 0 : i32
    %scan3A_49 = arith.constant 14 : i32
    %scan3A_50 = arith.addi %scan3A_48, %scan3A_49 : i32
    %scan3A_51 = arith.constant 1 : i32
    scf.for %scan3A_64 = %scan3A_48 to %scan3A_50 step %scan3A_51  : i32 {
      %mul3A_65 = arith.constant 6 : i32
      %mul3A_66 = arith.muli %mul3A_65, %scan3A_64 : i32
      %add3A_67 = arith.constant 0 : i32
      %add3A_68 = arith.addi %mul3A_66, %add3A_67 : i32
      %add3A_69 = arith.constant -3 : i32
      %add3A_70 = arith.addi %add3A_68, %add3A_69 : i32
      %mul3A_71 = arith.constant 32 : i32
      %mul3A_72 = arith.muli %mul3A_71, %add3A_70 : i32
      %add3A_73 = arith.addi %add3A, %mul3A_72 : i32
      %lt3A_74 = arith.constant 2500 : i32
      %lt3A_75 = arith.cmpi slt, %add3A_73, %lt3A_74 : i32
      %gt3A = arith.constant 0 : i32
      %gt3A_76 = arith.cmpi sgt, %scan3A_64, %gt3A : i32
      %and3A = arith.andi %gt3A_76, %lt3A_75 : i1
      %convert_element_type3A_77 = arith.extui %and3A : i1 to i32
      %cond3A_78 = arith.constant 0 : i32
      %cond3A_79 = arith.cmpi ne, %convert_element_type3A_77, %cond3A_78 : i32
      scf.if %cond3A_79 {
        %dma_wait3A = arith.constant 0 : i32
        %dma_wait3A_339 = arith.constant 0 : i32
        %dma_wait3A_340 = tpu.memref_slice %arg21[%dma_wait3A, %dma_wait3A_339] : memref<10000x128xf32, #tpu.memory_space<vmem_shared>> -> memref<10000x128xf32, #tpu.memory_space<vmem_shared>>
        tpu.wait_indirect_dma semaphore(%arg25 : memref<!tpu.dma_semaphore, #tpu.memory_space<semaphore_mem>>) src(%arg18 : memref<128x128xf32, #tpu.memory_space<vmem>>) dst(%dma_wait3A_340 : memref<10000x128xf32, #tpu.memory_space<vmem_shared>>)
      } else {
      }
      %add3A_80 = arith.constant 3 : i32
      %add3A_81 = arith.addi %add3A_68, %add3A_80 : i32
      %mul3A_82 = arith.constant 32 : i32
      %mul3A_83 = arith.muli %mul3A_82, %add3A_81 : i32
      %add3A_84 = arith.addi %add3A, %mul3A_83 : i32
      %lt3A_85 = arith.constant 2500 : i32
      %lt3A_86 = arith.cmpi slt, %add3A_84, %lt3A_85 : i32
      %convert_element_type3A_87 = arith.extui %lt3A_86 : i1 to i32
      %cond3A_88 = arith.constant 0 : i32
      %cond3A_89 = arith.cmpi ne, %convert_element_type3A_87, %cond3A_88 : i32
      scf.if %cond3A_89 {
        %add3A_339 = arith.constant 3 : i32
        %add3A_340 = arith.addi %add3A_68, %add3A_339 : i32
        %mul3A_341 = arith.constant 32 : i32
        %mul3A_342 = arith.muli %mul3A_341, %add3A_340 : i32
        %add3A_343 = arith.addi %add3A, %mul3A_342 : i32
        %mul3A_344 = arith.constant 128 : i32
        %mul3A_345 = arith.muli %add3A_343, %mul3A_344 : i32
        %dma_start3A_346 = tpu.memref_slice %arg3[%mul3A_345] : memref<320000xi32, #tpu.memory_space<hbm>> -> memref<128xi32, #tpu.memory_space<hbm>>
        %dma_start3A_347 = tpu.memref_slice %arg3[%mul3A_345] : memref<320000xi32, #tpu.memory_space<hbm>> -> memref<128xi32, #tpu.memory_space<hbm>>
        tpu.enqueue_dma source(%dma_start3A_347 : memref<128xi32, #tpu.memory_space<hbm>>) target(%arg9 : memref<128xi32, #tpu.memory_space<vmem>>) target_semaphore(%arg31 : memref<!tpu.dma_semaphore, #tpu.memory_space<semaphore_mem>>)
        %mul3A_348 = arith.constant 128 : i32
        %mul3A_349 = arith.muli %add3A_343, %mul3A_348 : i32
        %dma_start3A_350 = tpu.memref_slice %arg4[%mul3A_349] : memref<320000xi32, #tpu.memory_space<hbm>> -> memref<128xi32, #tpu.memory_space<hbm>>
        %dma_start3A_351 = tpu.memref_slice %arg4[%mul3A_349] : memref<320000xi32, #tpu.memory_space<hbm>> -> memref<128xi32, #tpu.memory_space<hbm>>
        tpu.enqueue_dma source(%dma_start3A_351 : memref<128xi32, #tpu.memory_space<hbm>>) target(%arg15 : memref<128xi32, #tpu.memory_space<vmem>>) target_semaphore(%arg31 : memref<!tpu.dma_semaphore, #tpu.memory_space<semaphore_mem>>)
      } else {
      }
      %add3A_90 = arith.constant 0 : i32
      %add3A_91 = arith.addi %add3A_68, %add3A_90 : i32
      %mul3A_92 = arith.constant 32 : i32
      %mul3A_93 = arith.muli %mul3A_92, %add3A_91 : i32
      %add3A_94 = arith.addi %add3A, %mul3A_93 : i32
      %lt3A_95 = arith.constant 2500 : i32
      %lt3A_96 = arith.cmpi slt, %add3A_94, %lt3A_95 : i32
      %convert_element_type3A_97 = arith.extui %lt3A_96 : i1 to i32
      %cond3A_98 = arith.constant 0 : i32
      %cond3A_99 = arith.cmpi ne, %convert_element_type3A_97, %cond3A_98 : i32
      scf.if %cond3A_99 {
        %mul3A_339 = arith.constant 32 : i32
        %mul3A_340 = arith.muli %mul3A_339, %add3A_68 : i32
        %add3A_341 = arith.addi %add3A, %mul3A_340 : i32
        %mul3A_342 = arith.constant 128 : i32
        %mul3A_343 = arith.muli %add3A_341, %mul3A_342 : i32
        %dma_wait3A = tpu.memref_slice %arg3[%mul3A_343] : memref<320000xi32, #tpu.memory_space<hbm>> -> memref<128xi32, #tpu.memory_space<hbm>>
        %dma_wait3A_344 = tpu.memref_slice %arg3[%mul3A_343] : memref<320000xi32, #tpu.memory_space<hbm>> -> memref<128xi32, #tpu.memory_space<hbm>>
        tpu.wait_dma2 semaphore(%arg28 : memref<!tpu.dma_semaphore, #tpu.memory_space<semaphore_mem>>) src(%dma_wait3A_344 : memref<128xi32, #tpu.memory_space<hbm>>) dst(%arg6 : memref<128xi32, #tpu.memory_space<vmem>>)
        %mul3A_345 = arith.constant 128 : i32
        %mul3A_346 = arith.muli %add3A_341, %mul3A_345 : i32
        %dma_wait3A_347 = tpu.memref_slice %arg4[%mul3A_346] : memref<320000xi32, #tpu.memory_space<hbm>> -> memref<128xi32, #tpu.memory_space<hbm>>
        %dma_wait3A_348 = tpu.memref_slice %arg4[%mul3A_346] : memref<320000xi32, #tpu.memory_space<hbm>> -> memref<128xi32, #tpu.memory_space<hbm>>
        tpu.wait_dma2 semaphore(%arg28 : memref<!tpu.dma_semaphore, #tpu.memory_space<semaphore_mem>>) src(%dma_wait3A_348 : memref<128xi32, #tpu.memory_space<hbm>>) dst(%arg12 : memref<128xi32, #tpu.memory_space<vmem>>)
        %dma_start3A_349 = arith.constant 0 : i32
        %dma_start3A_350 = arith.constant 0 : i32
        %dma_start3A_351 = tpu.memref_slice %arg2[%dma_start3A_349, %dma_start3A_350] : memref<90000x128xf32, #tpu.memory_space<hbm>> -> memref<90000x128xf32, #tpu.memory_space<hbm>>
        tpu.enqueue_indirect_dma source(%dma_start3A_351 : memref<90000x128xf32, #tpu.memory_space<hbm>>) target(%arg18 : memref<128x128xf32, #tpu.memory_space<vmem>>) offsets(%arg6 : memref<128xi32, #tpu.memory_space<vmem>>) semaphore(%arg22 : memref<!tpu.dma_semaphore, #tpu.memory_space<semaphore_mem>>)
      } else {
      }
      %add3A_100 = arith.constant -1 : i32
      %add3A_101 = arith.addi %add3A_68, %add3A_100 : i32
      %mul3A_102 = arith.constant 32 : i32
      %mul3A_103 = arith.muli %mul3A_102, %add3A_101 : i32
      %add3A_104 = arith.addi %add3A, %mul3A_103 : i32
      %lt3A_105 = arith.constant 2500 : i32
      %lt3A_106 = arith.cmpi slt, %add3A_104, %lt3A_105 : i32
      %gt3A_107 = arith.constant 0 : i32
      %gt3A_108 = arith.cmpi sgt, %scan3A_64, %gt3A_107 : i32
      %and3A_109 = arith.andi %gt3A_108, %lt3A_106 : i1
      %convert_element_type3A_110 = arith.extui %and3A_109 : i1 to i32
      %cond3A_111 = arith.constant 0 : i32
      %cond3A_112 = arith.cmpi ne, %convert_element_type3A_110, %cond3A_111 : i32
      scf.if %cond3A_112 {
        %dma_wait3A = arith.constant 0 : i32
        %dma_wait3A_339 = arith.constant 0 : i32
        %dma_wait3A_340 = tpu.memref_slice %arg2[%dma_wait3A, %dma_wait3A_339] : memref<90000x128xf32, #tpu.memory_space<hbm>> -> memref<90000x128xf32, #tpu.memory_space<hbm>>
        tpu.wait_indirect_dma semaphore(%arg24 : memref<!tpu.dma_semaphore, #tpu.memory_space<semaphore_mem>>) src(%dma_wait3A_340 : memref<90000x128xf32, #tpu.memory_space<hbm>>) dst(%arg20 : memref<128x128xf32, #tpu.memory_space<vmem>>)
        %dma_start3A_341 = arith.constant 0 : i32
        %dma_start3A_342 = arith.constant 0 : i32
        %dma_start3A_343 = tpu.memref_slice %arg21[%dma_start3A_341, %dma_start3A_342] : memref<10000x128xf32, #tpu.memory_space<vmem_shared>> -> memref<10000x128xf32, #tpu.memory_space<vmem_shared>>
        tpu.enqueue_indirect_dma source(%arg20 : memref<128x128xf32, #tpu.memory_space<vmem>>) target(%dma_start3A_343 : memref<10000x128xf32, #tpu.memory_space<vmem_shared>>) offsets(%arg17 : memref<128xi32, #tpu.memory_space<vmem>>) semaphore(%arg27 : memref<!tpu.dma_semaphore, #tpu.memory_space<semaphore_mem>>) {add = true}
      } else {
      }
      %mul3A_113 = arith.constant 6 : i32
      %mul3A_114 = arith.muli %mul3A_113, %scan3A_64 : i32
      %add3A_115 = arith.constant 1 : i32
      %add3A_116 = arith.addi %mul3A_114, %add3A_115 : i32
      %add3A_117 = arith.constant -3 : i32
      %add3A_118 = arith.addi %add3A_116, %add3A_117 : i32
      %mul3A_119 = arith.constant 32 : i32
      %mul3A_120 = arith.muli %mul3A_119, %add3A_118 : i32
      %add3A_121 = arith.addi %add3A, %mul3A_120 : i32
      %lt3A_122 = arith.constant 2500 : i32
      %lt3A_123 = arith.cmpi slt, %add3A_121, %lt3A_122 : i32
      %gt3A_124 = arith.constant 0 : i32
      %gt3A_125 = arith.cmpi sgt, %scan3A_64, %gt3A_124 : i32
      %and3A_126 = arith.andi %gt3A_125, %lt3A_123 : i1
      %convert_element_type3A_127 = arith.extui %and3A_126 : i1 to i32
      %cond3A_128 = arith.constant 0 : i32
      %cond3A_129 = arith.cmpi ne, %convert_element_type3A_127, %cond3A_128 : i32
      scf.if %cond3A_129 {
        %dma_wait3A = arith.constant 0 : i32
        %dma_wait3A_339 = arith.constant 0 : i32
        %dma_wait3A_340 = tpu.memref_slice %arg21[%dma_wait3A, %dma_wait3A_339] : memref<10000x128xf32, #tpu.memory_space<vmem_shared>> -> memref<10000x128xf32, #tpu.memory_space<vmem_shared>>
        tpu.wait_indirect_dma semaphore(%arg26 : memref<!tpu.dma_semaphore, #tpu.memory_space<semaphore_mem>>) src(%arg19 : memref<128x128xf32, #tpu.memory_space<vmem>>) dst(%dma_wait3A_340 : memref<10000x128xf32, #tpu.memory_space<vmem_shared>>)
      } else {
      }
      %add3A_130 = arith.constant 3 : i32
      %add3A_131 = arith.addi %add3A_116, %add3A_130 : i32
      %mul3A_132 = arith.constant 32 : i32
      %mul3A_133 = arith.muli %mul3A_132, %add3A_131 : i32
      %add3A_134 = arith.addi %add3A, %mul3A_133 : i32
      %lt3A_135 = arith.constant 2500 : i32
      %lt3A_136 = arith.cmpi slt, %add3A_134, %lt3A_135 : i32
      %convert_element_type3A_137 = arith.extui %lt3A_136 : i1 to i32
      %cond3A_138 = arith.constant 0 : i32
      %cond3A_139 = arith.cmpi ne, %convert_element_type3A_137, %cond3A_138 : i32
      scf.if %cond3A_139 {
        %add3A_339 = arith.constant 3 : i32
        %add3A_340 = arith.addi %add3A_116, %add3A_339 : i32
        %mul3A_341 = arith.constant 32 : i32
        %mul3A_342 = arith.muli %mul3A_341, %add3A_340 : i32
        %add3A_343 = arith.addi %add3A, %mul3A_342 : i32
        %mul3A_344 = arith.constant 128 : i32
        %mul3A_345 = arith.muli %add3A_343, %mul3A_344 : i32
        %dma_start3A_346 = tpu.memref_slice %arg3[%mul3A_345] : memref<320000xi32, #tpu.memory_space<hbm>> -> memref<128xi32, #tpu.memory_space<hbm>>
        %dma_start3A_347 = tpu.memref_slice %arg3[%mul3A_345] : memref<320000xi32, #tpu.memory_space<hbm>> -> memref<128xi32, #tpu.memory_space<hbm>>
        tpu.enqueue_dma source(%dma_start3A_347 : memref<128xi32, #tpu.memory_space<hbm>>) target(%arg10 : memref<128xi32, #tpu.memory_space<vmem>>) target_semaphore(%arg32 : memref<!tpu.dma_semaphore, #tpu.memory_space<semaphore_mem>>)
        %mul3A_348 = arith.constant 128 : i32
        %mul3A_349 = arith.muli %add3A_343, %mul3A_348 : i32
        %dma_start3A_350 = tpu.memref_slice %arg4[%mul3A_349] : memref<320000xi32, #tpu.memory_space<hbm>> -> memref<128xi32, #tpu.memory_space<hbm>>
        %dma_start3A_351 = tpu.memref_slice %arg4[%mul3A_349] : memref<320000xi32, #tpu.memory_space<hbm>> -> memref<128xi32, #tpu.memory_space<hbm>>
        tpu.enqueue_dma source(%dma_start3A_351 : memref<128xi32, #tpu.memory_space<hbm>>) target(%arg16 : memref<128xi32, #tpu.memory_space<vmem>>) target_semaphore(%arg32 : memref<!tpu.dma_semaphore, #tpu.memory_space<semaphore_mem>>)
      } else {
      }
      %add3A_140 = arith.constant 0 : i32
      %add3A_141 = arith.addi %add3A_116, %add3A_140 : i32
      %mul3A_142 = arith.constant 32 : i32
      %mul3A_143 = arith.muli %mul3A_142, %add3A_141 : i32
      %add3A_144 = arith.addi %add3A, %mul3A_143 : i32
      %lt3A_145 = arith.constant 2500 : i32
      %lt3A_146 = arith.cmpi slt, %add3A_144, %lt3A_145 : i32
      %convert_element_type3A_147 = arith.extui %lt3A_146 : i1 to i32
      %cond3A_148 = arith.constant 0 : i32
      %cond3A_149 = arith.cmpi ne, %convert_element_type3A_147, %cond3A_148 : i32
      scf.if %cond3A_149 {
        %mul3A_339 = arith.constant 32 : i32
        %mul3A_340 = arith.muli %mul3A_339, %add3A_116 : i32
        %add3A_341 = arith.addi %add3A, %mul3A_340 : i32
        %mul3A_342 = arith.constant 128 : i32
        %mul3A_343 = arith.muli %add3A_341, %mul3A_342 : i32
        %dma_wait3A = tpu.memref_slice %arg3[%mul3A_343] : memref<320000xi32, #tpu.memory_space<hbm>> -> memref<128xi32, #tpu.memory_space<hbm>>
        %dma_wait3A_344 = tpu.memref_slice %arg3[%mul3A_343] : memref<320000xi32, #tpu.memory_space<hbm>> -> memref<128xi32, #tpu.memory_space<hbm>>
        tpu.wait_dma2 semaphore(%arg29 : memref<!tpu.dma_semaphore, #tpu.memory_space<semaphore_mem>>) src(%dma_wait3A_344 : memref<128xi32, #tpu.memory_space<hbm>>) dst(%arg7 : memref<128xi32, #tpu.memory_space<vmem>>)
        %mul3A_345 = arith.constant 128 : i32
        %mul3A_346 = arith.muli %add3A_341, %mul3A_345 : i32
        %dma_wait3A_347 = tpu.memref_slice %arg4[%mul3A_346] : memref<320000xi32, #tpu.memory_space<hbm>> -> memref<128xi32, #tpu.memory_space<hbm>>
        %dma_wait3A_348 = tpu.memref_slice %arg4[%mul3A_346] : memref<320000xi32, #tpu.memory_space<hbm>> -> memref<128xi32, #tpu.memory_space<hbm>>
        tpu.wait_dma2 semaphore(%arg29 : memref<!tpu.dma_semaphore, #tpu.memory_space<semaphore_mem>>) src(%dma_wait3A_348 : memref<128xi32, #tpu.memory_space<hbm>>) dst(%arg13 : memref<128xi32, #tpu.memory_space<vmem>>)
        %dma_start3A_349 = arith.constant 0 : i32
        %dma_start3A_350 = arith.constant 0 : i32
        %dma_start3A_351 = tpu.memref_slice %arg2[%dma_start3A_349, %dma_start3A_350] : memref<90000x128xf32, #tpu.memory_space<hbm>> -> memref<90000x128xf32, #tpu.memory_space<hbm>>
        tpu.enqueue_indirect_dma source(%dma_start3A_351 : memref<90000x128xf32, #tpu.memory_space<hbm>>) target(%arg19 : memref<128x128xf32, #tpu.memory_space<vmem>>) offsets(%arg7 : memref<128xi32, #tpu.memory_space<vmem>>) semaphore(%arg23 : memref<!tpu.dma_semaphore, #tpu.memory_space<semaphore_mem>>)
      } else {
      }
      %add3A_150 = arith.constant -1 : i32
      %add3A_151 = arith.addi %add3A_116, %add3A_150 : i32
      %mul3A_152 = arith.constant 32 : i32
      %mul3A_153 = arith.muli %mul3A_152, %add3A_151 : i32
      %add3A_154 = arith.addi %add3A, %mul3A_153 : i32
      %lt3A_155 = arith.constant 2500 : i32
      %lt3A_156 = arith.cmpi slt, %add3A_154, %lt3A_155 : i32
      %convert_element_type3A_157 = arith.extui %lt3A_156 : i1 to i32
      %cond3A_158 = arith.constant 0 : i32
      %cond3A_159 = arith.cmpi ne, %convert_element_type3A_157, %cond3A_158 : i32
      scf.if %cond3A_159 {
        %dma_wait3A = arith.constant 0 : i32
        %dma_wait3A_339 = arith.constant 0 : i32
        %dma_wait3A_340 = tpu.memref_slice %arg2[%dma_wait3A, %dma_wait3A_339] : memref<90000x128xf32, #tpu.memory_space<hbm>> -> memref<90000x128xf32, #tpu.memory_space<hbm>>
        tpu.wait_indirect_dma semaphore(%arg22 : memref<!tpu.dma_semaphore, #tpu.memory_space<semaphore_mem>>) src(%dma_wait3A_340 : memref<90000x128xf32, #tpu.memory_space<hbm>>) dst(%arg18 : memref<128x128xf32, #tpu.memory_space<vmem>>)
        %dma_start3A_341 = arith.constant 0 : i32
        %dma_start3A_342 = arith.constant 0 : i32
        %dma_start3A_343 = tpu.memref_slice %arg21[%dma_start3A_341, %dma_start3A_342] : memref<10000x128xf32, #tpu.memory_space<vmem_shared>> -> memref<10000x128xf32, #tpu.memory_space<vmem_shared>>
        tpu.enqueue_indirect_dma source(%arg18 : memref<128x128xf32, #tpu.memory_space<vmem>>) target(%dma_start3A_343 : memref<10000x128xf32, #tpu.memory_space<vmem_shared>>) offsets(%arg12 : memref<128xi32, #tpu.memory_space<vmem>>) semaphore(%arg25 : memref<!tpu.dma_semaphore, #tpu.memory_space<semaphore_mem>>) {add = true}
      } else {
      }
      %mul3A_160 = arith.constant 6 : i32
      %mul3A_161 = arith.muli %mul3A_160, %scan3A_64 : i32
      %add3A_162 = arith.constant 2 : i32
      %add3A_163 = arith.addi %mul3A_161, %add3A_162 : i32
      %add3A_164 = arith.constant -3 : i32
      %add3A_165 = arith.addi %add3A_163, %add3A_164 : i32
      %mul3A_166 = arith.constant 32 : i32
      %mul3A_167 = arith.muli %mul3A_166, %add3A_165 : i32
      %add3A_168 = arith.addi %add3A, %mul3A_167 : i32
      %lt3A_169 = arith.constant 2500 : i32
      %lt3A_170 = arith.cmpi slt, %add3A_168, %lt3A_169 : i32
      %gt3A_171 = arith.constant 0 : i32
      %gt3A_172 = arith.cmpi sgt, %scan3A_64, %gt3A_171 : i32
      %and3A_173 = arith.andi %gt3A_172, %lt3A_170 : i1
      %convert_element_type3A_174 = arith.extui %and3A_173 : i1 to i32
      %cond3A_175 = arith.constant 0 : i32
      %cond3A_176 = arith.cmpi ne, %convert_element_type3A_174, %cond3A_175 : i32
      scf.if %cond3A_176 {
        %dma_wait3A = arith.constant 0 : i32
        %dma_wait3A_339 = arith.constant 0 : i32
        %dma_wait3A_340 = tpu.memref_slice %arg21[%dma_wait3A, %dma_wait3A_339] : memref<10000x128xf32, #tpu.memory_space<vmem_shared>> -> memref<10000x128xf32, #tpu.memory_space<vmem_shared>>
        tpu.wait_indirect_dma semaphore(%arg27 : memref<!tpu.dma_semaphore, #tpu.memory_space<semaphore_mem>>) src(%arg20 : memref<128x128xf32, #tpu.memory_space<vmem>>) dst(%dma_wait3A_340 : memref<10000x128xf32, #tpu.memory_space<vmem_shared>>)
      } else {
      }
      %add3A_177 = arith.constant 3 : i32
      %add3A_178 = arith.addi %add3A_163, %add3A_177 : i32
      %mul3A_179 = arith.constant 32 : i32
      %mul3A_180 = arith.muli %mul3A_179, %add3A_178 : i32
      %add3A_181 = arith.addi %add3A, %mul3A_180 : i32
      %lt3A_182 = arith.constant 2500 : i32
      %lt3A_183 = arith.cmpi slt, %add3A_181, %lt3A_182 : i32
      %convert_element_type3A_184 = arith.extui %lt3A_183 : i1 to i32
      %cond3A_185 = arith.constant 0 : i32
      %cond3A_186 = arith.cmpi ne, %convert_element_type3A_184, %cond3A_185 : i32
      scf.if %cond3A_186 {
        %add3A_339 = arith.constant 3 : i32
        %add3A_340 = arith.addi %add3A_163, %add3A_339 : i32
        %mul3A_341 = arith.constant 32 : i32
        %mul3A_342 = arith.muli %mul3A_341, %add3A_340 : i32
        %add3A_343 = arith.addi %add3A, %mul3A_342 : i32
        %mul3A_344 = arith.constant 128 : i32
        %mul3A_345 = arith.muli %add3A_343, %mul3A_344 : i32
        %dma_start3A_346 = tpu.memref_slice %arg3[%mul3A_345] : memref<320000xi32, #tpu.memory_space<hbm>> -> memref<128xi32, #tpu.memory_space<hbm>>
        %dma_start3A_347 = tpu.memref_slice %arg3[%mul3A_345] : memref<320000xi32, #tpu.memory_space<hbm>> -> memref<128xi32, #tpu.memory_space<hbm>>
        tpu.enqueue_dma source(%dma_start3A_347 : memref<128xi32, #tpu.memory_space<hbm>>) target(%arg11 : memref<128xi32, #tpu.memory_space<vmem>>) target_semaphore(%arg33 : memref<!tpu.dma_semaphore, #tpu.memory_space<semaphore_mem>>)
        %mul3A_348 = arith.constant 128 : i32
        %mul3A_349 = arith.muli %add3A_343, %mul3A_348 : i32
        %dma_start3A_350 = tpu.memref_slice %arg4[%mul3A_349] : memref<320000xi32, #tpu.memory_space<hbm>> -> memref<128xi32, #tpu.memory_space<hbm>>
        %dma_start3A_351 = tpu.memref_slice %arg4[%mul3A_349] : memref<320000xi32, #tpu.memory_space<hbm>> -> memref<128xi32, #tpu.memory_space<hbm>>
        tpu.enqueue_dma source(%dma_start3A_351 : memref<128xi32, #tpu.memory_space<hbm>>) target(%arg17 : memref<128xi32, #tpu.memory_space<vmem>>) target_semaphore(%arg33 : memref<!tpu.dma_semaphore, #tpu.memory_space<semaphore_mem>>)
      } else {
      }
      %add3A_187 = arith.constant 0 : i32
      %add3A_188 = arith.addi %add3A_163, %add3A_187 : i32
      %mul3A_189 = arith.constant 32 : i32
      %mul3A_190 = arith.muli %mul3A_189, %add3A_188 : i32
      %add3A_191 = arith.addi %add3A, %mul3A_190 : i32
      %lt3A_192 = arith.constant 2500 : i32
      %lt3A_193 = arith.cmpi slt, %add3A_191, %lt3A_192 : i32
      %convert_element_type3A_194 = arith.extui %lt3A_193 : i1 to i32
      %cond3A_195 = arith.constant 0 : i32
      %cond3A_196 = arith.cmpi ne, %convert_element_type3A_194, %cond3A_195 : i32
      scf.if %cond3A_196 {
        %mul3A_339 = arith.constant 32 : i32
        %mul3A_340 = arith.muli %mul3A_339, %add3A_163 : i32
        %add3A_341 = arith.addi %add3A, %mul3A_340 : i32
        %mul3A_342 = arith.constant 128 : i32
        %mul3A_343 = arith.muli %add3A_341, %mul3A_342 : i32
        %dma_wait3A = tpu.memref_slice %arg3[%mul3A_343] : memref<320000xi32, #tpu.memory_space<hbm>> -> memref<128xi32, #tpu.memory_space<hbm>>
        %dma_wait3A_344 = tpu.memref_slice %arg3[%mul3A_343] : memref<320000xi32, #tpu.memory_space<hbm>> -> memref<128xi32, #tpu.memory_space<hbm>>
        tpu.wait_dma2 semaphore(%arg30 : memref<!tpu.dma_semaphore, #tpu.memory_space<semaphore_mem>>) src(%dma_wait3A_344 : memref<128xi32, #tpu.memory_space<hbm>>) dst(%arg8 : memref<128xi32, #tpu.memory_space<vmem>>)
        %mul3A_345 = arith.constant 128 : i32
        %mul3A_346 = arith.muli %add3A_341, %mul3A_345 : i32
        %dma_wait3A_347 = tpu.memref_slice %arg4[%mul3A_346] : memref<320000xi32, #tpu.memory_space<hbm>> -> memref<128xi32, #tpu.memory_space<hbm>>
        %dma_wait3A_348 = tpu.memref_slice %arg4[%mul3A_346] : memref<320000xi32, #tpu.memory_space<hbm>> -> memref<128xi32, #tpu.memory_space<hbm>>
        tpu.wait_dma2 semaphore(%arg30 : memref<!tpu.dma_semaphore, #tpu.memory_space<semaphore_mem>>) src(%dma_wait3A_348 : memref<128xi32, #tpu.memory_space<hbm>>) dst(%arg14 : memref<128xi32, #tpu.memory_space<vmem>>)
        %dma_start3A_349 = arith.constant 0 : i32
        %dma_start3A_350 = arith.constant 0 : i32
        %dma_start3A_351 = tpu.memref_slice %arg2[%dma_start3A_349, %dma_start3A_350] : memref<90000x128xf32, #tpu.memory_space<hbm>> -> memref<90000x128xf32, #tpu.memory_space<hbm>>
        tpu.enqueue_indirect_dma source(%dma_start3A_351 : memref<90000x128xf32, #tpu.memory_space<hbm>>) target(%arg20 : memref<128x128xf32, #tpu.memory_space<vmem>>) offsets(%arg8 : memref<128xi32, #tpu.memory_space<vmem>>) semaphore(%arg24 : memref<!tpu.dma_semaphore, #tpu.memory_space<semaphore_mem>>)
      } else {
      }
      %add3A_197 = arith.constant -1 : i32
      %add3A_198 = arith.addi %add3A_163, %add3A_197 : i32
      %mul3A_199 = arith.constant 32 : i32
      %mul3A_200 = arith.muli %mul3A_199, %add3A_198 : i32
      %add3A_201 = arith.addi %add3A, %mul3A_200 : i32
      %lt3A_202 = arith.constant 2500 : i32
      %lt3A_203 = arith.cmpi slt, %add3A_201, %lt3A_202 : i32
      %convert_element_type3A_204 = arith.extui %lt3A_203 : i1 to i32
      %cond3A_205 = arith.constant 0 : i32
      %cond3A_206 = arith.cmpi ne, %convert_element_type3A_204, %cond3A_205 : i32
      scf.if %cond3A_206 {
        %dma_wait3A = arith.constant 0 : i32
        %dma_wait3A_339 = arith.constant 0 : i32
        %dma_wait3A_340 = tpu.memref_slice %arg2[%dma_wait3A, %dma_wait3A_339] : memref<90000x128xf32, #tpu.memory_space<hbm>> -> memref<90000x128xf32, #tpu.memory_space<hbm>>
        tpu.wait_indirect_dma semaphore(%arg23 : memref<!tpu.dma_semaphore, #tpu.memory_space<semaphore_mem>>) src(%dma_wait3A_340 : memref<90000x128xf32, #tpu.memory_space<hbm>>) dst(%arg19 : memref<128x128xf32, #tpu.memory_space<vmem>>)
        %dma_start3A_341 = arith.constant 0 : i32
        %dma_start3A_342 = arith.constant 0 : i32
        %dma_start3A_343 = tpu.memref_slice %arg21[%dma_start3A_341, %dma_start3A_342] : memref<10000x128xf32, #tpu.memory_space<vmem_shared>> -> memref<10000x128xf32, #tpu.memory_space<vmem_shared>>
        tpu.enqueue_indirect_dma source(%arg19 : memref<128x128xf32, #tpu.memory_space<vmem>>) target(%dma_start3A_343 : memref<10000x128xf32, #tpu.memory_space<vmem_shared>>) offsets(%arg13 : memref<128xi32, #tpu.memory_space<vmem>>) semaphore(%arg26 : memref<!tpu.dma_semaphore, #tpu.memory_space<semaphore_mem>>) {add = true}
      } else {
      }
      %mul3A_207 = arith.constant 6 : i32
      %mul3A_208 = arith.muli %mul3A_207, %scan3A_64 : i32
      %add3A_209 = arith.constant 3 : i32
      %add3A_210 = arith.addi %mul3A_208, %add3A_209 : i32
      %add3A_211 = arith.constant -3 : i32
      %add3A_212 = arith.addi %add3A_210, %add3A_211 : i32
      %mul3A_213 = arith.constant 32 : i32
      %mul3A_214 = arith.muli %mul3A_213, %add3A_212 : i32
      %add3A_215 = arith.addi %add3A, %mul3A_214 : i32
      %lt3A_216 = arith.constant 2500 : i32
      %lt3A_217 = arith.cmpi slt, %add3A_215, %lt3A_216 : i32
      %convert_element_type3A_218 = arith.extui %lt3A_217 : i1 to i32
      %cond3A_219 = arith.constant 0 : i32
      %cond3A_220 = arith.cmpi ne, %convert_element_type3A_218, %cond3A_219 : i32
      scf.if %cond3A_220 {
        %dma_wait3A = arith.constant 0 : i32
        %dma_wait3A_339 = arith.constant 0 : i32
        %dma_wait3A_340 = tpu.memref_slice %arg21[%dma_wait3A, %dma_wait3A_339] : memref<10000x128xf32, #tpu.memory_space<vmem_shared>> -> memref<10000x128xf32, #tpu.memory_space<vmem_shared>>
        tpu.wait_indirect_dma semaphore(%arg25 : memref<!tpu.dma_semaphore, #tpu.memory_space<semaphore_mem>>) src(%arg18 : memref<128x128xf32, #tpu.memory_space<vmem>>) dst(%dma_wait3A_340 : memref<10000x128xf32, #tpu.memory_space<vmem_shared>>)
      } else {
      }
      %add3A_221 = arith.constant 3 : i32
      %add3A_222 = arith.addi %add3A_210, %add3A_221 : i32
      %mul3A_223 = arith.constant 32 : i32
      %mul3A_224 = arith.muli %mul3A_223, %add3A_222 : i32
      %add3A_225 = arith.addi %add3A, %mul3A_224 : i32
      %lt3A_226 = arith.constant 2500 : i32
      %lt3A_227 = arith.cmpi slt, %add3A_225, %lt3A_226 : i32
      %convert_element_type3A_228 = arith.extui %lt3A_227 : i1 to i32
      %cond3A_229 = arith.constant 0 : i32
      %cond3A_230 = arith.cmpi ne, %convert_element_type3A_228, %cond3A_229 : i32
      scf.if %cond3A_230 {
        %add3A_339 = arith.constant 3 : i32
        %add3A_340 = arith.addi %add3A_210, %add3A_339 : i32
        %mul3A_341 = arith.constant 32 : i32
        %mul3A_342 = arith.muli %mul3A_341, %add3A_340 : i32
        %add3A_343 = arith.addi %add3A, %mul3A_342 : i32
        %mul3A_344 = arith.constant 128 : i32
        %mul3A_345 = arith.muli %add3A_343, %mul3A_344 : i32
        %dma_start3A_346 = tpu.memref_slice %arg3[%mul3A_345] : memref<320000xi32, #tpu.memory_space<hbm>> -> memref<128xi32, #tpu.memory_space<hbm>>
        %dma_start3A_347 = tpu.memref_slice %arg3[%mul3A_345] : memref<320000xi32, #tpu.memory_space<hbm>> -> memref<128xi32, #tpu.memory_space<hbm>>
        tpu.enqueue_dma source(%dma_start3A_347 : memref<128xi32, #tpu.memory_space<hbm>>) target(%arg6 : memref<128xi32, #tpu.memory_space<vmem>>) target_semaphore(%arg28 : memref<!tpu.dma_semaphore, #tpu.memory_space<semaphore_mem>>)
        %mul3A_348 = arith.constant 128 : i32
        %mul3A_349 = arith.muli %add3A_343, %mul3A_348 : i32
        %dma_start3A_350 = tpu.memref_slice %arg4[%mul3A_349] : memref<320000xi32, #tpu.memory_space<hbm>> -> memref<128xi32, #tpu.memory_space<hbm>>
        %dma_start3A_351 = tpu.memref_slice %arg4[%mul3A_349] : memref<320000xi32, #tpu.memory_space<hbm>> -> memref<128xi32, #tpu.memory_space<hbm>>
        tpu.enqueue_dma source(%dma_start3A_351 : memref<128xi32, #tpu.memory_space<hbm>>) target(%arg12 : memref<128xi32, #tpu.memory_space<vmem>>) target_semaphore(%arg28 : memref<!tpu.dma_semaphore, #tpu.memory_space<semaphore_mem>>)
      } else {
      }
      %add3A_231 = arith.constant 0 : i32
      %add3A_232 = arith.addi %add3A_210, %add3A_231 : i32
      %mul3A_233 = arith.constant 32 : i32
      %mul3A_234 = arith.muli %mul3A_233, %add3A_232 : i32
      %add3A_235 = arith.addi %add3A, %mul3A_234 : i32
      %lt3A_236 = arith.constant 2500 : i32
      %lt3A_237 = arith.cmpi slt, %add3A_235, %lt3A_236 : i32
      %convert_element_type3A_238 = arith.extui %lt3A_237 : i1 to i32
      %cond3A_239 = arith.constant 0 : i32
      %cond3A_240 = arith.cmpi ne, %convert_element_type3A_238, %cond3A_239 : i32
      scf.if %cond3A_240 {
        %mul3A_339 = arith.constant 32 : i32
        %mul3A_340 = arith.muli %mul3A_339, %add3A_210 : i32
        %add3A_341 = arith.addi %add3A, %mul3A_340 : i32
        %mul3A_342 = arith.constant 128 : i32
        %mul3A_343 = arith.muli %add3A_341, %mul3A_342 : i32
        %dma_wait3A = tpu.memref_slice %arg3[%mul3A_343] : memref<320000xi32, #tpu.memory_space<hbm>> -> memref<128xi32, #tpu.memory_space<hbm>>
        %dma_wait3A_344 = tpu.memref_slice %arg3[%mul3A_343] : memref<320000xi32, #tpu.memory_space<hbm>> -> memref<128xi32, #tpu.memory_space<hbm>>
        tpu.wait_dma2 semaphore(%arg31 : memref<!tpu.dma_semaphore, #tpu.memory_space<semaphore_mem>>) src(%dma_wait3A_344 : memref<128xi32, #tpu.memory_space<hbm>>) dst(%arg9 : memref<128xi32, #tpu.memory_space<vmem>>)
        %mul3A_345 = arith.constant 128 : i32
        %mul3A_346 = arith.muli %add3A_341, %mul3A_345 : i32
        %dma_wait3A_347 = tpu.memref_slice %arg4[%mul3A_346] : memref<320000xi32, #tpu.memory_space<hbm>> -> memref<128xi32, #tpu.memory_space<hbm>>
        %dma_wait3A_348 = tpu.memref_slice %arg4[%mul3A_346] : memref<320000xi32, #tpu.memory_space<hbm>> -> memref<128xi32, #tpu.memory_space<hbm>>
        tpu.wait_dma2 semaphore(%arg31 : memref<!tpu.dma_semaphore, #tpu.memory_space<semaphore_mem>>) src(%dma_wait3A_348 : memref<128xi32, #tpu.memory_space<hbm>>) dst(%arg15 : memref<128xi32, #tpu.memory_space<vmem>>)
        %dma_start3A_349 = arith.constant 0 : i32
        %dma_start3A_350 = arith.constant 0 : i32
        %dma_start3A_351 = tpu.memref_slice %arg2[%dma_start3A_349, %dma_start3A_350] : memref<90000x128xf32, #tpu.memory_space<hbm>> -> memref<90000x128xf32, #tpu.memory_space<hbm>>
        tpu.enqueue_indirect_dma source(%dma_start3A_351 : memref<90000x128xf32, #tpu.memory_space<hbm>>) target(%arg18 : memref<128x128xf32, #tpu.memory_space<vmem>>) offsets(%arg9 : memref<128xi32, #tpu.memory_space<vmem>>) semaphore(%arg22 : memref<!tpu.dma_semaphore, #tpu.memory_space<semaphore_mem>>)
      } else {
      }
      %add3A_241 = arith.constant -1 : i32
      %add3A_242 = arith.addi %add3A_210, %add3A_241 : i32
      %mul3A_243 = arith.constant 32 : i32
      %mul3A_244 = arith.muli %mul3A_243, %add3A_242 : i32
      %add3A_245 = arith.addi %add3A, %mul3A_244 : i32
      %lt3A_246 = arith.constant 2500 : i32
      %lt3A_247 = arith.cmpi slt, %add3A_245, %lt3A_246 : i32
      %convert_element_type3A_248 = arith.extui %lt3A_247 : i1 to i32
      %cond3A_249 = arith.constant 0 : i32
      %cond3A_250 = arith.cmpi ne, %convert_element_type3A_248, %cond3A_249 : i32
      scf.if %cond3A_250 {
        %dma_wait3A = arith.constant 0 : i32
        %dma_wait3A_339 = arith.constant 0 : i32
        %dma_wait3A_340 = tpu.memref_slice %arg2[%dma_wait3A, %dma_wait3A_339] : memref<90000x128xf32, #tpu.memory_space<hbm>> -> memref<90000x128xf32, #tpu.memory_space<hbm>>
        tpu.wait_indirect_dma semaphore(%arg24 : memref<!tpu.dma_semaphore, #tpu.memory_space<semaphore_mem>>) src(%dma_wait3A_340 : memref<90000x128xf32, #tpu.memory_space<hbm>>) dst(%arg20 : memref<128x128xf32, #tpu.memory_space<vmem>>)
        %dma_start3A_341 = arith.constant 0 : i32
        %dma_start3A_342 = arith.constant 0 : i32
        %dma_start3A_343 = tpu.memref_slice %arg21[%dma_start3A_341, %dma_start3A_342] : memref<10000x128xf32, #tpu.memory_space<vmem_shared>> -> memref<10000x128xf32, #tpu.memory_space<vmem_shared>>
        tpu.enqueue_indirect_dma source(%arg20 : memref<128x128xf32, #tpu.memory_space<vmem>>) target(%dma_start3A_343 : memref<10000x128xf32, #tpu.memory_space<vmem_shared>>) offsets(%arg14 : memref<128xi32, #tpu.memory_space<vmem>>) semaphore(%arg27 : memref<!tpu.dma_semaphore, #tpu.memory_space<semaphore_mem>>) {add = true}
      } else {
      }
      %mul3A_251 = arith.constant 6 : i32
      %mul3A_252 = arith.muli %mul3A_251, %scan3A_64 : i32
      %add3A_253 = arith.constant 4 : i32
      %add3A_254 = arith.addi %mul3A_252, %add3A_253 : i32
      %add3A_255 = arith.constant -3 : i32
      %add3A_256 = arith.addi %add3A_254, %add3A_255 : i32
      %mul3A_257 = arith.constant 32 : i32
      %mul3A_258 = arith.muli %mul3A_257, %add3A_256 : i32
      %add3A_259 = arith.addi %add3A, %mul3A_258 : i32
      %lt3A_260 = arith.constant 2500 : i32
      %lt3A_261 = arith.cmpi slt, %add3A_259, %lt3A_260 : i32
      %convert_element_type3A_262 = arith.extui %lt3A_261 : i1 to i32
      %cond3A_263 = arith.constant 0 : i32
      %cond3A_264 = arith.cmpi ne, %convert_element_type3A_262, %cond3A_263 : i32
      scf.if %cond3A_264 {
        %dma_wait3A = arith.constant 0 : i32
        %dma_wait3A_339 = arith.constant 0 : i32
        %dma_wait3A_340 = tpu.memref_slice %arg21[%dma_wait3A, %dma_wait3A_339] : memref<10000x128xf32, #tpu.memory_space<vmem_shared>> -> memref<10000x128xf32, #tpu.memory_space<vmem_shared>>
        tpu.wait_indirect_dma semaphore(%arg26 : memref<!tpu.dma_semaphore, #tpu.memory_space<semaphore_mem>>) src(%arg19 : memref<128x128xf32, #tpu.memory_space<vmem>>) dst(%dma_wait3A_340 : memref<10000x128xf32, #tpu.memory_space<vmem_shared>>)
      } else {
      }
      %add3A_265 = arith.constant 3 : i32
      %add3A_266 = arith.addi %add3A_254, %add3A_265 : i32
      %mul3A_267 = arith.constant 32 : i32
      %mul3A_268 = arith.muli %mul3A_267, %add3A_266 : i32
      %add3A_269 = arith.addi %add3A, %mul3A_268 : i32
      %lt3A_270 = arith.constant 2500 : i32
      %lt3A_271 = arith.cmpi slt, %add3A_269, %lt3A_270 : i32
      %convert_element_type3A_272 = arith.extui %lt3A_271 : i1 to i32
      %cond3A_273 = arith.constant 0 : i32
      %cond3A_274 = arith.cmpi ne, %convert_element_type3A_272, %cond3A_273 : i32
      scf.if %cond3A_274 {
        %add3A_339 = arith.constant 3 : i32
        %add3A_340 = arith.addi %add3A_254, %add3A_339 : i32
        %mul3A_341 = arith.constant 32 : i32
        %mul3A_342 = arith.muli %mul3A_341, %add3A_340 : i32
        %add3A_343 = arith.addi %add3A, %mul3A_342 : i32
        %mul3A_344 = arith.constant 128 : i32
        %mul3A_345 = arith.muli %add3A_343, %mul3A_344 : i32
        %dma_start3A_346 = tpu.memref_slice %arg3[%mul3A_345] : memref<320000xi32, #tpu.memory_space<hbm>> -> memref<128xi32, #tpu.memory_space<hbm>>
        %dma_start3A_347 = tpu.memref_slice %arg3[%mul3A_345] : memref<320000xi32, #tpu.memory_space<hbm>> -> memref<128xi32, #tpu.memory_space<hbm>>
        tpu.enqueue_dma source(%dma_start3A_347 : memref<128xi32, #tpu.memory_space<hbm>>) target(%arg7 : memref<128xi32, #tpu.memory_space<vmem>>) target_semaphore(%arg29 : memref<!tpu.dma_semaphore, #tpu.memory_space<semaphore_mem>>)
        %mul3A_348 = arith.constant 128 : i32
        %mul3A_349 = arith.muli %add3A_343, %mul3A_348 : i32
        %dma_start3A_350 = tpu.memref_slice %arg4[%mul3A_349] : memref<320000xi32, #tpu.memory_space<hbm>> -> memref<128xi32, #tpu.memory_space<hbm>>
        %dma_start3A_351 = tpu.memref_slice %arg4[%mul3A_349] : memref<320000xi32, #tpu.memory_space<hbm>> -> memref<128xi32, #tpu.memory_space<hbm>>
        tpu.enqueue_dma source(%dma_start3A_351 : memref<128xi32, #tpu.memory_space<hbm>>) target(%arg13 : memref<128xi32, #tpu.memory_space<vmem>>) target_semaphore(%arg29 : memref<!tpu.dma_semaphore, #tpu.memory_space<semaphore_mem>>)
      } else {
      }
      %add3A_275 = arith.constant 0 : i32
      %add3A_276 = arith.addi %add3A_254, %add3A_275 : i32
      %mul3A_277 = arith.constant 32 : i32
      %mul3A_278 = arith.muli %mul3A_277, %add3A_276 : i32
      %add3A_279 = arith.addi %add3A, %mul3A_278 : i32
      %lt3A_280 = arith.constant 2500 : i32
      %lt3A_281 = arith.cmpi slt, %add3A_279, %lt3A_280 : i32
      %convert_element_type3A_282 = arith.extui %lt3A_281 : i1 to i32
      %cond3A_283 = arith.constant 0 : i32
      %cond3A_284 = arith.cmpi ne, %convert_element_type3A_282, %cond3A_283 : i32
      scf.if %cond3A_284 {
        %mul3A_339 = arith.constant 32 : i32
        %mul3A_340 = arith.muli %mul3A_339, %add3A_254 : i32
        %add3A_341 = arith.addi %add3A, %mul3A_340 : i32
        %mul3A_342 = arith.constant 128 : i32
        %mul3A_343 = arith.muli %add3A_341, %mul3A_342 : i32
        %dma_wait3A = tpu.memref_slice %arg3[%mul3A_343] : memref<320000xi32, #tpu.memory_space<hbm>> -> memref<128xi32, #tpu.memory_space<hbm>>
        %dma_wait3A_344 = tpu.memref_slice %arg3[%mul3A_343] : memref<320000xi32, #tpu.memory_space<hbm>> -> memref<128xi32, #tpu.memory_space<hbm>>
        tpu.wait_dma2 semaphore(%arg32 : memref<!tpu.dma_semaphore, #tpu.memory_space<semaphore_mem>>) src(%dma_wait3A_344 : memref<128xi32, #tpu.memory_space<hbm>>) dst(%arg10 : memref<128xi32, #tpu.memory_space<vmem>>)
        %mul3A_345 = arith.constant 128 : i32
        %mul3A_346 = arith.muli %add3A_341, %mul3A_345 : i32
        %dma_wait3A_347 = tpu.memref_slice %arg4[%mul3A_346] : memref<320000xi32, #tpu.memory_space<hbm>> -> memref<128xi32, #tpu.memory_space<hbm>>
        %dma_wait3A_348 = tpu.memref_slice %arg4[%mul3A_346] : memref<320000xi32, #tpu.memory_space<hbm>> -> memref<128xi32, #tpu.memory_space<hbm>>
        tpu.wait_dma2 semaphore(%arg32 : memref<!tpu.dma_semaphore, #tpu.memory_space<semaphore_mem>>) src(%dma_wait3A_348 : memref<128xi32, #tpu.memory_space<hbm>>) dst(%arg16 : memref<128xi32, #tpu.memory_space<vmem>>)
        %dma_start3A_349 = arith.constant 0 : i32
        %dma_start3A_350 = arith.constant 0 : i32
        %dma_start3A_351 = tpu.memref_slice %arg2[%dma_start3A_349, %dma_start3A_350] : memref<90000x128xf32, #tpu.memory_space<hbm>> -> memref<90000x128xf32, #tpu.memory_space<hbm>>
        tpu.enqueue_indirect_dma source(%dma_start3A_351 : memref<90000x128xf32, #tpu.memory_space<hbm>>) target(%arg19 : memref<128x128xf32, #tpu.memory_space<vmem>>) offsets(%arg10 : memref<128xi32, #tpu.memory_space<vmem>>) semaphore(%arg23 : memref<!tpu.dma_semaphore, #tpu.memory_space<semaphore_mem>>)
      } else {
      }
      %add3A_285 = arith.constant -1 : i32
      %add3A_286 = arith.addi %add3A_254, %add3A_285 : i32
      %mul3A_287 = arith.constant 32 : i32
      %mul3A_288 = arith.muli %mul3A_287, %add3A_286 : i32
      %add3A_289 = arith.addi %add3A, %mul3A_288 : i32
      %lt3A_290 = arith.constant 2500 : i32
      %lt3A_291 = arith.cmpi slt, %add3A_289, %lt3A_290 : i32
      %convert_element_type3A_292 = arith.extui %lt3A_291 : i1 to i32
      %cond3A_293 = arith.constant 0 : i32
      %cond3A_294 = arith.cmpi ne, %convert_element_type3A_292, %cond3A_293 : i32
      scf.if %cond3A_294 {
        %dma_wait3A = arith.constant 0 : i32
        %dma_wait3A_339 = arith.constant 0 : i32
        %dma_wait3A_340 = tpu.memref_slice %arg2[%dma_wait3A, %dma_wait3A_339] : memref<90000x128xf32, #tpu.memory_space<hbm>> -> memref<90000x128xf32, #tpu.memory_space<hbm>>
        tpu.wait_indirect_dma semaphore(%arg22 : memref<!tpu.dma_semaphore, #tpu.memory_space<semaphore_mem>>) src(%dma_wait3A_340 : memref<90000x128xf32, #tpu.memory_space<hbm>>) dst(%arg18 : memref<128x128xf32, #tpu.memory_space<vmem>>)
        %dma_start3A_341 = arith.constant 0 : i32
        %dma_start3A_342 = arith.constant 0 : i32
        %dma_start3A_343 = tpu.memref_slice %arg21[%dma_start3A_341, %dma_start3A_342] : memref<10000x128xf32, #tpu.memory_space<vmem_shared>> -> memref<10000x128xf32, #tpu.memory_space<vmem_shared>>
        tpu.enqueue_indirect_dma source(%arg18 : memref<128x128xf32, #tpu.memory_space<vmem>>) target(%dma_start3A_343 : memref<10000x128xf32, #tpu.memory_space<vmem_shared>>) offsets(%arg15 : memref<128xi32, #tpu.memory_space<vmem>>) semaphore(%arg25 : memref<!tpu.dma_semaphore, #tpu.memory_space<semaphore_mem>>) {add = true}
      } else {
      }
      %mul3A_295 = arith.constant 6 : i32
      %mul3A_296 = arith.muli %mul3A_295, %scan3A_64 : i32
      %add3A_297 = arith.constant 5 : i32
      %add3A_298 = arith.addi %mul3A_296, %add3A_297 : i32
      %add3A_299 = arith.constant -3 : i32
      %add3A_300 = arith.addi %add3A_298, %add3A_299 : i32
      %mul3A_301 = arith.constant 32 : i32
      %mul3A_302 = arith.muli %mul3A_301, %add3A_300 : i32
      %add3A_303 = arith.addi %add3A, %mul3A_302 : i32
      %lt3A_304 = arith.constant 2500 : i32
      %lt3A_305 = arith.cmpi slt, %add3A_303, %lt3A_304 : i32
      %convert_element_type3A_306 = arith.extui %lt3A_305 : i1 to i32
      %cond3A_307 = arith.constant 0 : i32
      %cond3A_308 = arith.cmpi ne, %convert_element_type3A_306, %cond3A_307 : i32
      scf.if %cond3A_308 {
        %dma_wait3A = arith.constant 0 : i32
        %dma_wait3A_339 = arith.constant 0 : i32
        %dma_wait3A_340 = tpu.memref_slice %arg21[%dma_wait3A, %dma_wait3A_339] : memref<10000x128xf32, #tpu.memory_space<vmem_shared>> -> memref<10000x128xf32, #tpu.memory_space<vmem_shared>>
        tpu.wait_indirect_dma semaphore(%arg27 : memref<!tpu.dma_semaphore, #tpu.memory_space<semaphore_mem>>) src(%arg20 : memref<128x128xf32, #tpu.memory_space<vmem>>) dst(%dma_wait3A_340 : memref<10000x128xf32, #tpu.memory_space<vmem_shared>>)
      } else {
      }
      %add3A_309 = arith.constant 3 : i32
      %add3A_310 = arith.addi %add3A_298, %add3A_309 : i32
      %mul3A_311 = arith.constant 32 : i32
      %mul3A_312 = arith.muli %mul3A_311, %add3A_310 : i32
      %add3A_313 = arith.addi %add3A, %mul3A_312 : i32
      %lt3A_314 = arith.constant 2500 : i32
      %lt3A_315 = arith.cmpi slt, %add3A_313, %lt3A_314 : i32
      %convert_element_type3A_316 = arith.extui %lt3A_315 : i1 to i32
      %cond3A_317 = arith.constant 0 : i32
      %cond3A_318 = arith.cmpi ne, %convert_element_type3A_316, %cond3A_317 : i32
      scf.if %cond3A_318 {
        %add3A_339 = arith.constant 3 : i32
        %add3A_340 = arith.addi %add3A_298, %add3A_339 : i32
        %mul3A_341 = arith.constant 32 : i32
        %mul3A_342 = arith.muli %mul3A_341, %add3A_340 : i32
        %add3A_343 = arith.addi %add3A, %mul3A_342 : i32
        %mul3A_344 = arith.constant 128 : i32
        %mul3A_345 = arith.muli %add3A_343, %mul3A_344 : i32
        %dma_start3A_346 = tpu.memref_slice %arg3[%mul3A_345] : memref<320000xi32, #tpu.memory_space<hbm>> -> memref<128xi32, #tpu.memory_space<hbm>>
        %dma_start3A_347 = tpu.memref_slice %arg3[%mul3A_345] : memref<320000xi32, #tpu.memory_space<hbm>> -> memref<128xi32, #tpu.memory_space<hbm>>
        tpu.enqueue_dma source(%dma_start3A_347 : memref<128xi32, #tpu.memory_space<hbm>>) target(%arg8 : memref<128xi32, #tpu.memory_space<vmem>>) target_semaphore(%arg30 : memref<!tpu.dma_semaphore, #tpu.memory_space<semaphore_mem>>)
        %mul3A_348 = arith.constant 128 : i32
        %mul3A_349 = arith.muli %add3A_343, %mul3A_348 : i32
        %dma_start3A_350 = tpu.memref_slice %arg4[%mul3A_349] : memref<320000xi32, #tpu.memory_space<hbm>> -> memref<128xi32, #tpu.memory_space<hbm>>
        %dma_start3A_351 = tpu.memref_slice %arg4[%mul3A_349] : memref<320000xi32, #tpu.memory_space<hbm>> -> memref<128xi32, #tpu.memory_space<hbm>>
        tpu.enqueue_dma source(%dma_start3A_351 : memref<128xi32, #tpu.memory_space<hbm>>) target(%arg14 : memref<128xi32, #tpu.memory_space<vmem>>) target_semaphore(%arg30 : memref<!tpu.dma_semaphore, #tpu.memory_space<semaphore_mem>>)
      } else {
      }
      %add3A_319 = arith.constant 0 : i32
      %add3A_320 = arith.addi %add3A_298, %add3A_319 : i32
      %mul3A_321 = arith.constant 32 : i32
      %mul3A_322 = arith.muli %mul3A_321, %add3A_320 : i32
      %add3A_323 = arith.addi %add3A, %mul3A_322 : i32
      %lt3A_324 = arith.constant 2500 : i32
      %lt3A_325 = arith.cmpi slt, %add3A_323, %lt3A_324 : i32
      %convert_element_type3A_326 = arith.extui %lt3A_325 : i1 to i32
      %cond3A_327 = arith.constant 0 : i32
      %cond3A_328 = arith.cmpi ne, %convert_element_type3A_326, %cond3A_327 : i32
      scf.if %cond3A_328 {
        %mul3A_339 = arith.constant 32 : i32
        %mul3A_340 = arith.muli %mul3A_339, %add3A_298 : i32
        %add3A_341 = arith.addi %add3A, %mul3A_340 : i32
        %mul3A_342 = arith.constant 128 : i32
        %mul3A_343 = arith.muli %add3A_341, %mul3A_342 : i32
        %dma_wait3A = tpu.memref_slice %arg3[%mul3A_343] : memref<320000xi32, #tpu.memory_space<hbm>> -> memref<128xi32, #tpu.memory_space<hbm>>
        %dma_wait3A_344 = tpu.memref_slice %arg3[%mul3A_343] : memref<320000xi32, #tpu.memory_space<hbm>> -> memref<128xi32, #tpu.memory_space<hbm>>
        tpu.wait_dma2 semaphore(%arg33 : memref<!tpu.dma_semaphore, #tpu.memory_space<semaphore_mem>>) src(%dma_wait3A_344 : memref<128xi32, #tpu.memory_space<hbm>>) dst(%arg11 : memref<128xi32, #tpu.memory_space<vmem>>)
        %mul3A_345 = arith.constant 128 : i32
        %mul3A_346 = arith.muli %add3A_341, %mul3A_345 : i32
        %dma_wait3A_347 = tpu.memref_slice %arg4[%mul3A_346] : memref<320000xi32, #tpu.memory_space<hbm>> -> memref<128xi32, #tpu.memory_space<hbm>>
        %dma_wait3A_348 = tpu.memref_slice %arg4[%mul3A_346] : memref<320000xi32, #tpu.memory_space<hbm>> -> memref<128xi32, #tpu.memory_space<hbm>>
        tpu.wait_dma2 semaphore(%arg33 : memref<!tpu.dma_semaphore, #tpu.memory_space<semaphore_mem>>) src(%dma_wait3A_348 : memref<128xi32, #tpu.memory_space<hbm>>) dst(%arg17 : memref<128xi32, #tpu.memory_space<vmem>>)
        %dma_start3A_349 = arith.constant 0 : i32
        %dma_start3A_350 = arith.constant 0 : i32
        %dma_start3A_351 = tpu.memref_slice %arg2[%dma_start3A_349, %dma_start3A_350] : memref<90000x128xf32, #tpu.memory_space<hbm>> -> memref<90000x128xf32, #tpu.memory_space<hbm>>
        tpu.enqueue_indirect_dma source(%dma_start3A_351 : memref<90000x128xf32, #tpu.memory_space<hbm>>) target(%arg20 : memref<128x128xf32, #tpu.memory_space<vmem>>) offsets(%arg11 : memref<128xi32, #tpu.memory_space<vmem>>) semaphore(%arg24 : memref<!tpu.dma_semaphore, #tpu.memory_space<semaphore_mem>>)
      } else {
      }
      %add3A_329 = arith.constant -1 : i32
      %add3A_330 = arith.addi %add3A_298, %add3A_329 : i32
      %mul3A_331 = arith.constant 32 : i32
      %mul3A_332 = arith.muli %mul3A_331, %add3A_330 : i32
      %add3A_333 = arith.addi %add3A, %mul3A_332 : i32
      %lt3A_334 = arith.constant 2500 : i32
      %lt3A_335 = arith.cmpi slt, %add3A_333, %lt3A_334 : i32
      %convert_element_type3A_336 = arith.extui %lt3A_335 : i1 to i32
      %cond3A_337 = arith.constant 0 : i32
      %cond3A_338 = arith.cmpi ne, %convert_element_type3A_336, %cond3A_337 : i32
      scf.if %cond3A_338 {
        %dma_wait3A = arith.constant 0 : i32
        %dma_wait3A_339 = arith.constant 0 : i32
        %dma_wait3A_340 = tpu.memref_slice %arg2[%dma_wait3A, %dma_wait3A_339] : memref<90000x128xf32, #tpu.memory_space<hbm>> -> memref<90000x128xf32, #tpu.memory_space<hbm>>
        tpu.wait_indirect_dma semaphore(%arg23 : memref<!tpu.dma_semaphore, #tpu.memory_space<semaphore_mem>>) src(%dma_wait3A_340 : memref<90000x128xf32, #tpu.memory_space<hbm>>) dst(%arg19 : memref<128x128xf32, #tpu.memory_space<vmem>>)
        %dma_start3A_341 = arith.constant 0 : i32
        %dma_start3A_342 = arith.constant 0 : i32
        %dma_start3A_343 = tpu.memref_slice %arg21[%dma_start3A_341, %dma_start3A_342] : memref<10000x128xf32, #tpu.memory_space<vmem_shared>> -> memref<10000x128xf32, #tpu.memory_space<vmem_shared>>
        tpu.enqueue_indirect_dma source(%arg19 : memref<128x128xf32, #tpu.memory_space<vmem>>) target(%dma_start3A_343 : memref<10000x128xf32, #tpu.memory_space<vmem_shared>>) offsets(%arg16 : memref<128xi32, #tpu.memory_space<vmem>>) semaphore(%arg26 : memref<!tpu.dma_semaphore, #tpu.memory_space<semaphore_mem>>) {add = true}
      } else {
      }
    }
    %scan3A_52 = arith.constant 14 : i32
    %barrier3A_53 = arith.constant 0 : index
    tpu.barrier barrier_id(%barrier3A_53)
    %lt3A_54 = arith.constant 14 : i32
    %lt3A_55 = arith.cmpi slt, %arg1, %lt3A_54 : i32
    %convert_element_type3A_56 = arith.extui %lt3A_55 : i1 to i32
    %cond3A_57 = arith.constant 0 : i32
    %cond3A_58 = arith.cmpi ne, %convert_element_type3A_56, %cond3A_57 : i32
    scf.if %cond3A_58 {
      %mul3A_64 = arith.constant 624 : i32
      %mul3A_65 = arith.muli %arg1, %mul3A_64 : i32
      %mul3A_66 = arith.constant 624 : i32
      %mul3A_67 = arith.muli %arg1, %mul3A_66 : i32
      "tpu.region"() ({
        %run_scoped3A = tpu.sem_alloc : memref<!tpu.dma_semaphore, #tpu.memory_space<semaphore_mem>>
        %dma_start3A_68 = arith.constant 0 : i32
        %dma_start3A_69 = tpu.memref_slice %arg5[%arg0, %mul3A_67, %dma_start3A_68] : memref<2x10000x128xf32, #tpu.memory_space<hbm>> -> memref<1x624x128xf32, #tpu.memory_space<hbm>>
        %dma_start3A_70 = tpu.memref_squeeze %dma_start3A_69 : memref<1x624x128xf32, #tpu.memory_space<hbm>> -> memref<624x128xf32, #tpu.memory_space<hbm>>
        %dma_start3A_71 = arith.constant 0 : i32
        %dma_start3A_72 = tpu.memref_slice %arg21[%mul3A_65, %dma_start3A_71] : memref<10000x128xf32, #tpu.memory_space<vmem_shared>> -> memref<624x128xf32, #tpu.memory_space<vmem_shared>>
        tpu.enqueue_dma source(%dma_start3A_72 : memref<624x128xf32, #tpu.memory_space<vmem_shared>>) target(%dma_start3A_70 : memref<624x128xf32, #tpu.memory_space<hbm>>) target_semaphore(%run_scoped3A : memref<!tpu.dma_semaphore, #tpu.memory_space<semaphore_mem>>)
        %dma_wait3A = arith.constant 0 : i32
        %dma_wait3A_73 = tpu.memref_slice %arg5[%arg0, %mul3A_67, %dma_wait3A] : memref<2x10000x128xf32, #tpu.memory_space<hbm>> -> memref<1x624x128xf32, #tpu.memory_space<hbm>>
        %dma_wait3A_74 = tpu.memref_squeeze %dma_wait3A_73 : memref<1x624x128xf32, #tpu.memory_space<hbm>> -> memref<624x128xf32, #tpu.memory_space<hbm>>
        %dma_wait3A_75 = arith.constant 0 : i32
        %dma_wait3A_76 = tpu.memref_slice %arg21[%mul3A_65, %dma_wait3A_75] : memref<10000x128xf32, #tpu.memory_space<vmem_shared>> -> memref<624x128xf32, #tpu.memory_space<vmem_shared>>
        tpu.wait_dma2 semaphore(%run_scoped3A : memref<!tpu.dma_semaphore, #tpu.memory_space<semaphore_mem>>) src(%dma_wait3A_76 : memref<624x128xf32, #tpu.memory_space<vmem_shared>>) dst(%dma_wait3A_74 : memref<624x128xf32, #tpu.memory_space<hbm>>)
        tpu.yield
      }) : () -> ()
    } else {
    }
    %ge3A_59 = arith.constant 14 : i32
    %ge3A_60 = arith.cmpi sge, %arg1, %ge3A_59 : i32
    %convert_element_type3A_61 = arith.extui %ge3A_60 : i1 to i32
    %cond3A_62 = arith.constant 0 : i32
    %cond3A_63 = arith.cmpi ne, %convert_element_type3A_61, %cond3A_62 : i32
    scf.if %cond3A_63 {
      %sub3A = arith.constant 14 : i32
      %sub3A_64 = arith.subi %arg1, %sub3A : i32
      %mul3A_65 = arith.constant 632 : i32
      %mul3A_66 = arith.muli %sub3A_64, %mul3A_65 : i32
      %add3A_67 = arith.constant 8736 : i32
      %add3A_68 = arith.addi %add3A_67, %mul3A_66 : i32
      %sub3A_69 = arith.constant 14 : i32
      %sub3A_70 = arith.subi %arg1, %sub3A_69 : i32
      %mul3A_71 = arith.constant 632 : i32
      %mul3A_72 = arith.muli %sub3A_70, %mul3A_71 : i32
      %add3A_73 = arith.constant 8736 : i32
      %add3A_74 = arith.addi %add3A_73, %mul3A_72 : i32
      "tpu.region"() ({
        %run_scoped3A = tpu.sem_alloc : memref<!tpu.dma_semaphore, #tpu.memory_space<semaphore_mem>>
        %dma_start3A_75 = arith.constant 0 : i32
        %dma_start3A_76 = tpu.memref_slice %arg5[%arg0, %add3A_74, %dma_start3A_75] : memref<2x10000x128xf32, #tpu.memory_space<hbm>> -> memref<1x632x128xf32, #tpu.memory_space<hbm>>
        %dma_start3A_77 = tpu.memref_squeeze %dma_start3A_76 : memref<1x632x128xf32, #tpu.memory_space<hbm>> -> memref<632x128xf32, #tpu.memory_space<hbm>>
        %dma_start3A_78 = arith.constant 0 : i32
        %dma_start3A_79 = tpu.memref_slice %arg21[%add3A_68, %dma_start3A_78] : memref<10000x128xf32, #tpu.memory_space<vmem_shared>> -> memref<632x128xf32, #tpu.memory_space<vmem_shared>>
        tpu.enqueue_dma source(%dma_start3A_79 : memref<632x128xf32, #tpu.memory_space<vmem_shared>>) target(%dma_start3A_77 : memref<632x128xf32, #tpu.memory_space<hbm>>) target_semaphore(%run_scoped3A : memref<!tpu.dma_semaphore, #tpu.memory_space<semaphore_mem>>)
        %dma_wait3A = arith.constant 0 : i32
        %dma_wait3A_80 = tpu.memref_slice %arg5[%arg0, %add3A_74, %dma_wait3A] : memref<2x10000x128xf32, #tpu.memory_space<hbm>> -> memref<1x632x128xf32, #tpu.memory_space<hbm>>
        %dma_wait3A_81 = tpu.memref_squeeze %dma_wait3A_80 : memref<1x632x128xf32, #tpu.memory_space<hbm>> -> memref<632x128xf32, #tpu.memory_space<hbm>>
        %dma_wait3A_82 = arith.constant 0 : i32
        %dma_wait3A_83 = tpu.memref_slice %arg21[%add3A_68, %dma_wait3A_82] : memref<10000x128xf32, #tpu.memory_space<vmem_shared>> -> memref<632x128xf32, #tpu.memory_space<vmem_shared>>
        tpu.wait_dma2 semaphore(%run_scoped3A : memref<!tpu.dma_semaphore, #tpu.memory_space<semaphore_mem>>) src(%dma_wait3A_83 : memref<632x128xf32, #tpu.memory_space<vmem_shared>>) dst(%dma_wait3A_81 : memref<632x128xf32, #tpu.memory_space<hbm>>)
        tpu.yield
      }) : () -> ()
    } else {
    }
    return
  }
}

module attributes {stable_mosaic.version = 14 : i64} {
  func.func @_mm_body(%arg0: i32, %arg1: i32, %arg2: memref<5000x128xf32, #tpu.memory_space<vmem>>, %arg3: memref<1x128x128xf32, #tpu.memory_space<vmem>>, %arg4: memref<5000x128xf32, #tpu.memory_space<vmem>>) attributes {dimension_semantics = [#tpu.dimension_semantics<arbitrary>, #tpu.dimension_semantics<arbitrary>], iteration_bounds = array<i64: 2, 9>, scalar_prefetch = 0 : i64, scratch_operands = 0 : i64, tpu.core_type = #tpu.core_type<tc>, window_params = [{transform_indices = @transform_0, window_bounds = array<i64: 5000, 128>}, {transform_indices = @transform_1, window_bounds = array<i64: 1, 128, 128>}, {transform_indices = @transform_2, window_bounds = array<i64: 5000, 128>}]} {
    %get3A = arith.constant 0 : index
    %get3A_0 = arith.constant 0 : index
    %get3A_1 = vector.load %arg2[%get3A, %get3A_0] : memref<5000x128xf32, #tpu.memory_space<vmem>>, vector<5000x128xf32>
    %get3A_2 = arith.constant 0 : index
    %get3A_3 = arith.constant 0 : index
    %get3A_4 = arith.constant 0 : index
    %get3A_5 = vector.load %arg3[%get3A_2, %get3A_3, %get3A_4] : memref<1x128x128xf32, #tpu.memory_space<vmem>>, vector<1x128x128xf32>
    %get3A_6 = vector.shape_cast %get3A_5 : vector<1x128x128xf32> to vector<128x128xf32>
    %dot_general3A = arith.constant dense<0.000000e+00> : vector<5000x128xf32>
    %dot_general3A_7 = tpu.matmul %get3A_1, %get3A_6, %dot_general3A {dimension_numbers = #tpu.dot_dimension_numbers<[1], [0], [0], [1], [0, 0, 1, 1], [], []>, transpose_lhs_hint = false} : vector<5000x128xf32>, vector<128x128xf32>, vector<5000x128xf32> -> vector<5000x128xf32>
    %swap3A = arith.constant 0 : index
    %swap3A_8 = arith.constant 0 : index
    %swap3A_9 = vector.load %arg4[%swap3A, %swap3A_8] : memref<5000x128xf32, #tpu.memory_space<vmem>>, vector<5000x128xf32>
    tpu.vector_store %arg4[%swap3A, %swap3A_8], %dot_general3A_7 {strides = array<i32>} : memref<5000x128xf32, #tpu.memory_space<vmem>>, vector<5000x128xf32>,
    return
  }
  func.func @transform_0(%arg0: i32, %arg1: i32) -> (i32, i32) {
    %c0_i32 = arith.constant 0 : i32
    %c0_i32_0 = arith.constant 0 : i32
    return %arg0, %c0_i32 : i32, i32
  }
  func.func @transform_1(%arg0: i32, %arg1: i32) -> (i32, i32, i32) {
    %c0_i32 = arith.constant 0 : i32
    %c0_i32_0 = arith.constant 0 : i32
    %c0_i32_1 = arith.constant 0 : i32
    return %arg1, %c0_i32, %c0_i32_0 : i32, i32, i32
  }
  func.func @transform_2(%arg0: i32, %arg1: i32) -> (i32, i32) {
    %mul3A = arith.constant 2 : i32
    %mul3A_0 = arith.muli %arg1, %mul3A : i32
    %add3A = arith.addi %mul3A_0, %arg0 : i32
    %c0_i32 = arith.constant 0 : i32
    %c0_i32_1 = arith.constant 0 : i32
    return %add3A, %c0_i32 : i32, i32
  }
}

module attributes {stable_mosaic.version = 14 : i64} {
  func.func @_prep_body(%arg0: i32, %arg1: memref<2x320000xi32, #tpu.memory_space<vmem>>, %arg2: memref<320000xi32, #tpu.memory_space<vmem>>, %arg3: memref<320000xi32, #tpu.memory_space<vmem>>, %arg4: memref<320000xi32, #tpu.memory_space<vmem>>) attributes {dimension_semantics = [#tpu.dimension_semantics<arbitrary>], iteration_bounds = array<i64: 1>, scalar_prefetch = 0 : i64, scratch_operands = 0 : i64, tpu.core_type = #tpu.core_type<tc>, window_params = [{transform_indices = @transform_0, window_bounds = array<i64: 2, 320000>}, {transform_indices = @transform_1, window_bounds = array<i64: 320000>}, {transform_indices = @transform_2, window_bounds = array<i64: 320000>}, {transform_indices = @transform_3, window_bounds = array<i64: 320000>}]} {
    %get3A = arith.constant 0 : index
    %get3A_0 = vector.load %arg2[%get3A] : memref<320000xi32, #tpu.memory_space<vmem>>, vector<320000xi32>
    %mul3A = arith.constant 10000 : i32
    %mul3A_1 = vector.broadcast %mul3A : i32 to vector<320000xi32>
    %mul3A_2 = arith.muli %get3A_0, %mul3A_1 : vector<320000xi32>
    %get3A_3 = arith.constant 0 : index
    %get3A_4 = arith.constant 0 : index
    %get3A_5 = vector.load %arg1[%get3A_3, %get3A_4] : memref<2x320000xi32, #tpu.memory_space<vmem>>, vector<1x320000xi32>
    %get3A_6 = vector.shape_cast %get3A_5 : vector<1x320000xi32> to vector<320000xi32>
    %add3A = arith.addi %mul3A_2, %get3A_6 : vector<320000xi32>
    %swap3A = arith.constant 0 : index
    %swap3A_7 = vector.load %arg3[%swap3A] : memref<320000xi32, #tpu.memory_space<vmem>>, vector<320000xi32>
    tpu.vector_store %arg3[%swap3A], %add3A {strides = array<i32>} : memref<320000xi32, #tpu.memory_space<vmem>>, vector<320000xi32>,
    %get3A_8 = arith.constant 1 : index
    %get3A_9 = arith.constant 0 : index
    %get3A_10 = vector.load %arg1[%get3A_8, %get3A_9] : memref<2x320000xi32, #tpu.memory_space<vmem>>, vector<1x320000xi32>
    %get3A_11 = vector.shape_cast %get3A_10 : vector<1x320000xi32> to vector<320000xi32>
    %swap3A_12 = arith.constant 0 : index
    %swap3A_13 = vector.load %arg4[%swap3A_12] : memref<320000xi32, #tpu.memory_space<vmem>>, vector<320000xi32>
    tpu.vector_store %arg4[%swap3A_12], %get3A_11 {strides = array<i32>} : memref<320000xi32, #tpu.memory_space<vmem>>, vector<320000xi32>,
    return
  }
  func.func @transform_0(%arg0: i32) -> (i32, i32) {
    %c0_i32 = arith.constant 0 : i32
    %c0_i32_0 = arith.constant 0 : i32
    return %c0_i32, %arg0 : i32, i32
  }
  func.func @transform_1(%arg0: i32) -> i32 {
    %c0_i32 = arith.constant 0 : i32
    return %arg0 : i32
  }
  func.func @transform_2(%arg0: i32) -> i32 {
    %c0_i32 = arith.constant 0 : i32
    return %arg0 : i32
  }
  func.func @transform_3(%arg0: i32) -> i32 {
    %c0_i32 = arith.constant 0 : i32
    return %arg0 : i32
  }
}

module attributes {stable_mosaic.version = 14 : i64} {
  func.func @_combine_mm_body(%arg0: i32, %arg1: i32, %arg2: memref<2x5000x128xf32, #tpu.memory_space<vmem>>, %arg3: memref<5000x128xf32, #tpu.memory_space<vmem>>, %arg4: memref<1x128xf32, #tpu.memory_space<vmem>>, %arg5: memref<1x128x128xf32, #tpu.memory_space<vmem>>, %arg6: memref<5000x128xf32, #tpu.memory_space<vmem>>) attributes {dimension_semantics = [#tpu.dimension_semantics<arbitrary>, #tpu.dimension_semantics<arbitrary>], iteration_bounds = array<i64: 2, 9>, scalar_prefetch = 0 : i64, scratch_operands = 0 : i64, tpu.core_type = #tpu.core_type<tc>, window_params = [{transform_indices = @transform_0, window_bounds = array<i64: 2, 5000, 128>}, {transform_indices = @transform_1, window_bounds = array<i64: 5000, 128>}, {pipeline_mode = #tpu.pipeline_mode<synchronous>, transform_indices = @transform_2, window_bounds = array<i64: 1, 128>}, {transform_indices = @transform_3, window_bounds = array<i64: 1, 128, 128>}, {transform_indices = @transform_4, window_bounds = array<i64: 5000, 128>}]} {
    %get3A = arith.constant 0 : index
    %get3A_0 = arith.constant 0 : index
    %get3A_1 = arith.constant 0 : index
    %get3A_2 = vector.load %arg2[%get3A, %get3A_0, %get3A_1] : memref<2x5000x128xf32, #tpu.memory_space<vmem>>, vector<1x5000x128xf32>
    %get3A_3 = vector.shape_cast %get3A_2 : vector<1x5000x128xf32> to vector<5000x128xf32>
    %get3A_4 = arith.constant 1 : index
    %get3A_5 = arith.constant 0 : index
    %get3A_6 = arith.constant 0 : index
    %get3A_7 = vector.load %arg2[%get3A_4, %get3A_5, %get3A_6] : memref<2x5000x128xf32, #tpu.memory_space<vmem>>, vector<1x5000x128xf32>
    %get3A_8 = vector.shape_cast %get3A_7 : vector<1x5000x128xf32> to vector<5000x128xf32>
    %add3A = arith.addf %get3A_3, %get3A_8 : vector<5000x128xf32>
    %get3A_9 = arith.constant 0 : index
    %get3A_10 = arith.constant 0 : index
    %get3A_11 = vector.load %arg3[%get3A_9, %get3A_10] : memref<5000x128xf32, #tpu.memory_space<vmem>>, vector<5000x128xf32>
    %add3A_12 = arith.addf %add3A, %get3A_11 : vector<5000x128xf32>
    %get3A_13 = arith.constant 0 : index
    %get3A_14 = arith.constant 0 : index
    %get3A_15 = vector.load %arg4[%get3A_13, %get3A_14] : memref<1x128xf32, #tpu.memory_space<vmem>>, vector<1x128xf32>
    %add3A_16 = vector.broadcast %get3A_15 : vector<1x128xf32> to vector<5000x128xf32>
    %add3A_17 = arith.addf %add3A_12, %add3A_16 : vector<5000x128xf32>
    %max3A = arith.constant 0.000000e+00 : f32
    %max3A_18 = vector.broadcast %max3A : f32 to vector<5000x128xf32>
    %max3A_19 = arith.maximumf %add3A_17, %max3A_18 : vector<5000x128xf32>
    %get3A_20 = arith.constant 0 : index
    %get3A_21 = arith.constant 0 : index
    %get3A_22 = arith.constant 0 : index
    %get3A_23 = vector.load %arg5[%get3A_20, %get3A_21, %get3A_22] : memref<1x128x128xf32, #tpu.memory_space<vmem>>, vector<1x128x128xf32>
    %get3A_24 = vector.shape_cast %get3A_23 : vector<1x128x128xf32> to vector<128x128xf32>
    %dot_general3A = arith.constant dense<0.000000e+00> : vector<5000x128xf32>
    %dot_general3A_25 = tpu.matmul %max3A_19, %get3A_24, %dot_general3A {dimension_numbers = #tpu.dot_dimension_numbers<[1], [0], [0], [1], [0, 0, 1, 1], [], []>, transpose_lhs_hint = false} : vector<5000x128xf32>, vector<128x128xf32>, vector<5000x128xf32> -> vector<5000x128xf32>
    %swap3A = arith.constant 0 : index
    %swap3A_26 = arith.constant 0 : index
    %swap3A_27 = vector.load %arg6[%swap3A, %swap3A_26] : memref<5000x128xf32, #tpu.memory_space<vmem>>, vector<5000x128xf32>
    tpu.vector_store %arg6[%swap3A, %swap3A_26], %dot_general3A_25 {strides = array<i32>} : memref<5000x128xf32, #tpu.memory_space<vmem>>, vector<5000x128xf32>,
    return
  }
  func.func @transform_0(%arg0: i32, %arg1: i32) -> (i32, i32, i32) {
    %c0_i32 = arith.constant 0 : i32
    %c0_i32_0 = arith.constant 0 : i32
    %c0_i32_1 = arith.constant 0 : i32
    return %c0_i32, %arg0, %c0_i32_0 : i32, i32, i32
  }
  func.func @transform_1(%arg0: i32, %arg1: i32) -> (i32, i32) {
    %add3A = arith.constant 16 : i32
    %add3A_0 = arith.addi %add3A, %arg0 : i32
    %c0_i32 = arith.constant 0 : i32
    %c0_i32_1 = arith.constant 0 : i32
    return %add3A_0, %c0_i32 : i32, i32
  }
  func.func @transform_2(%arg0: i32, %arg1: i32) -> (i32, i32) {
    %c0_i32 = arith.constant 0 : i32
    %c0_i32_0 = arith.constant 0 : i32
    %c0_i32_1 = arith.constant 0 : i32
    return %c0_i32, %c0_i32_0 : i32, i32
  }
  func.func @transform_3(%arg0: i32, %arg1: i32) -> (i32, i32, i32) {
    %c0_i32 = arith.constant 0 : i32
    %c0_i32_0 = arith.constant 0 : i32
    %c0_i32_1 = arith.constant 0 : i32
    return %arg1, %c0_i32, %c0_i32_0 : i32, i32, i32
  }
  func.func @transform_4(%arg0: i32, %arg1: i32) -> (i32, i32) {
    %mul3A = arith.constant 2 : i32
    %mul3A_0 = arith.muli %arg1, %mul3A : i32
    %add3A = arith.addi %mul3A_0, %arg0 : i32
    %c0_i32 = arith.constant 0 : i32
    %c0_i32_1 = arith.constant 0 : i32
    return %add3A, %c0_i32 : i32, i32
  }
}

module attributes {stable_mosaic.version = 14 : i64} {
  func.func @_final_body(%arg0: i32, %arg1: memref<2x5000x128xf32, #tpu.memory_space<vmem>>, %arg2: memref<5000x128xf32, #tpu.memory_space<vmem>>, %arg3: memref<1x128xf32, #tpu.memory_space<vmem>>, %arg4: memref<5000x128xf32, #tpu.memory_space<vmem>>) attributes {dimension_semantics = [#tpu.dimension_semantics<arbitrary>], iteration_bounds = array<i64: 2>, scalar_prefetch = 0 : i64, scratch_operands = 0 : i64, tpu.core_type = #tpu.core_type<tc>, window_params = [{transform_indices = @transform_0, window_bounds = array<i64: 2, 5000, 128>}, {transform_indices = @transform_1, window_bounds = array<i64: 5000, 128>}, {pipeline_mode = #tpu.pipeline_mode<synchronous>, transform_indices = @transform_2, window_bounds = array<i64: 1, 128>}, {transform_indices = @transform_3, window_bounds = array<i64: 5000, 128>}]} {
    %get3A = arith.constant 0 : index
    %get3A_0 = arith.constant 0 : index
    %get3A_1 = arith.constant 0 : index
    %get3A_2 = vector.load %arg1[%get3A, %get3A_0, %get3A_1] : memref<2x5000x128xf32, #tpu.memory_space<vmem>>, vector<1x5000x128xf32>
    %get3A_3 = vector.shape_cast %get3A_2 : vector<1x5000x128xf32> to vector<5000x128xf32>
    %get3A_4 = arith.constant 1 : index
    %get3A_5 = arith.constant 0 : index
    %get3A_6 = arith.constant 0 : index
    %get3A_7 = vector.load %arg1[%get3A_4, %get3A_5, %get3A_6] : memref<2x5000x128xf32, #tpu.memory_space<vmem>>, vector<1x5000x128xf32>
    %get3A_8 = vector.shape_cast %get3A_7 : vector<1x5000x128xf32> to vector<5000x128xf32>
    %add3A = arith.addf %get3A_3, %get3A_8 : vector<5000x128xf32>
    %get3A_9 = arith.constant 0 : index
    %get3A_10 = arith.constant 0 : index
    %get3A_11 = vector.load %arg2[%get3A_9, %get3A_10] : memref<5000x128xf32, #tpu.memory_space<vmem>>, vector<5000x128xf32>
    %add3A_12 = arith.addf %add3A, %get3A_11 : vector<5000x128xf32>
    %get3A_13 = arith.constant 0 : index
    %get3A_14 = arith.constant 0 : index
    %get3A_15 = vector.load %arg3[%get3A_13, %get3A_14] : memref<1x128xf32, #tpu.memory_space<vmem>>, vector<1x128xf32>
    %add3A_16 = vector.broadcast %get3A_15 : vector<1x128xf32> to vector<5000x128xf32>
    %add3A_17 = arith.addf %add3A_12, %add3A_16 : vector<5000x128xf32>
    %mul3A = arith.mulf %add3A_17, %add3A_17 : vector<5000x128xf32>
    %reduce_sum3A = arith.constant dense<0.000000e+00> : vector<5000xf32>
    %reduce_sum3A_18 = vector.multi_reduction <add>, %mul3A, %reduce_sum3A [1] : vector<5000x128xf32> to vector<5000xf32>
    %broadcast_in_dim3A = vector.shape_cast %reduce_sum3A_18 : vector<5000xf32> to vector<5000x1xf32>
    %sqrt3A = math.sqrt %broadcast_in_dim3A : vector<5000x1xf32>
    %max3A = arith.constant 9.99999996E-13 : f32
    %max3A_19 = vector.broadcast %max3A : f32 to vector<5000x1xf32>
    %max3A_20 = arith.maximumf %sqrt3A, %max3A_19 : vector<5000x1xf32>
    %div3A = vector.broadcast %max3A_20 : vector<5000x1xf32> to vector<5000x128xf32>
    %div3A_21 = arith.divf %add3A_17, %div3A : vector<5000x128xf32>
    %swap3A = arith.constant 0 : index
    %swap3A_22 = arith.constant 0 : index
    %swap3A_23 = vector.load %arg4[%swap3A, %swap3A_22] : memref<5000x128xf32, #tpu.memory_space<vmem>>, vector<5000x128xf32>
    tpu.vector_store %arg4[%swap3A, %swap3A_22], %div3A_21 {strides = array<i32>} : memref<5000x128xf32, #tpu.memory_space<vmem>>, vector<5000x128xf32>,
    return
  }
  func.func @transform_0(%arg0: i32) -> (i32, i32, i32) {
    %c0_i32 = arith.constant 0 : i32
    %c0_i32_0 = arith.constant 0 : i32
    %c0_i32_1 = arith.constant 0 : i32
    return %c0_i32, %arg0, %c0_i32_0 : i32, i32, i32
  }
  func.func @transform_1(%arg0: i32) -> (i32, i32) {
    %add3A = arith.constant 16 : i32
    %add3A_0 = arith.addi %add3A, %arg0 : i32
    %c0_i32 = arith.constant 0 : i32
    %c0_i32_1 = arith.constant 0 : i32
    return %add3A_0, %c0_i32 : i32, i32
  }
  func.func @transform_2(%arg0: i32) -> (i32, i32) {
    %c0_i32 = arith.constant 0 : i32
    %c0_i32_0 = arith.constant 0 : i32
    %c0_i32_1 = arith.constant 0 : i32
    return %c0_i32, %c0_i32_0 : i32, i32
  }
  func.func @transform_3(%arg0: i32) -> (i32, i32) {
    %c0_i32 = arith.constant 0 : i32
    %c0_i32_0 = arith.constant 0 : i32
    return %arg0, %c0_i32 : i32, i32
  }
}

</mosaic_0001>

<sc_bundles>
// kernel: kernel.11.cloned.1.call-start
scs
__scs_entry_jumppad:
0x0: {  	(pc) =	sbr.rel $0x88, $3  }
0x1: {  	(tag) =	ssettag $0x0;
	lr =	simm.s32 $0x1  }
0x2: {  	[smem:$0x3F98] =	sst lr;
	_ =	strace $0xD0000000  }
0x3: {  	_ = 	snop  }
0x4: {  	_ = 	snop  }
0x5: {  	_ = 	snop  }
0x6: {  	_ = 	snop  }
0x7: {  	_ = 	snop  }
__scs_overlays_trampoline_lowered:
0x8: {  	[smem:$0x3FA7] =	sst s0  }
0x9: {  	[smem:$0x3FA8] =	sst s1  }
0xa: {  	[smem:$0x3FA9] =	sst s2  }
0xb: {  	[smem:$0x3FAA] =	sst s3  }
0xc: {  	[smem:$0x3FAB] =	sst s4  }
0xd: {  	[smem:$0x3FAC] =	sst s5  }
0xe: {  	[smem:$0x3FAD] =	sst s6  }
0xf: {  	[smem:$0x3FAE] =	sst s7  }
0x10: {  	[smem:$0x3FAF] =	sst s8  }
0x11: {  	[smem:$0x3FB0] =	sst s9;
	s0 =	simm.s32 @!p0 $0x0  }
0x12: {  	s1 =	sld [smem:$0x3F96];
	s0 =	simm.s32 @p0 $0x1  }
0x13: {  	[smem:$0x3FB1] =	sst s0;
	s0 =	simm.s32 @!p1 $0x0  }
0x14: {  	s2 =	sld [smem:$0x3F95];
	s0 =	simm.s32 @p1 $0x1  }
0x15: {  	[smem:$0x3FB2] =	sst s0;
	s0 =	simm.s32 @!p2 $0x0  }
0x16: {  	s3 =	sld [smem:$0x3FDB];
	s0 =	simm.s32 @p2 $0x1  }
0x17: {  	s4 =	simm.s32 $0x1BF5;
	[smem:$0x3FB4] =	sst s0  }
0x18: {  	s0 =	sld [smem:$0x3F97];
	_ =	swait.ge [sflag:s4], $0x0  }
0x19: {  	s7 =	sld [smem:$0x3F98]  }
0x1a: {  	s8 =	sadd.s32 $0xFFFFE003, lr  }
0x1b: {  	s9 =	sadd.s32 $0xFFFFFEF7, lr;
	s5 =	simm.s32 $0xFFFFFFFF;
	p2 =	slt.u32 s8, $0xFFFFF086  }
0x1c: {  	p1 =	slt.u32 s9, $0xF7A;
	s5 =	simm.s32 @!p2 $0x0  }
0x1d: {  	s5 =	simm.s32 @p1 $0x1;
	p0 =	seq.s32 s7, s2  }
0x1e: {  	s7 =	smul.u32 @!p0 $0xF7A, s2;
	p2 =	seq.s32 @!p0 s5, $0x0  }
0x1f: {  	s9 =	smul.u32 $0xF7A, s1;
	s8 =	simm.s32 @!p0 $0x1BF5;
	p2 =	por !p2, p0  }
0x20: {  	[sflag:s8] =	ssyncset.s32 @!p0 $0xFFFFF086;
	s6 =	sadd.s32 @!p0 s3, s7;
	s7 =	simm.s32 @!p0 $0x108  }
0x21: {  	s3 =	sadd.s32 s3, s9;
	s6 =	sadd.s32 @!p0 $0x88, s6;
	s7 =	simm.s32 @p2 $0x1082  }
0x22: {  	[simem:s7], [sflag:s8] =	dma.local @!p0 [hbm:s6], $0xF7A  }
0x23: {  	s9 =	sor.u32 $0xD0000000, s2;
	s6 =	simm.s32 $0x108;
	_ =	swait.ge @!p0 [sflag:s8], $0x0  }
0x24: {  	s3 =	sadd.s32 $0x88, s3;
	s6 =	simm.s32 @!p1 $0x1082;
	[sflag:s4] =	ssyncset.s32 $0xFFFFF086  }
0x25: {  	[simem:s6], [sflag:s4] =	dma.local [hbm:s3], $0xF7A  }
0x26: {  	[smem:$0x3F98] =	sst s1;
	(tag) =	ssettag s2;
	_ =	strace s9  }
0x27: {  	s1 =	sld [smem:$0x3FA8]  }
0x28: {  	s2 =	sld [smem:$0x3FA9]  }
0x29: {  	s4 =	sld [smem:$0x3FAB]  }
0x2a: {  	p0 =	seq.s32 s5, $0x0;
	s5 =	sld [smem:$0x3FAC]  }
0x2b: {  	s6 =	sld [smem:$0x3FAD]  }
0x2c: {  	s7 =	sld [smem:$0x3FAE]  }
0x2d: {  	s3 =	simm.s32 $0x108;
	s8 =	sld [smem:$0x3FAF]  }
0x2e: {  	s3 =	simm.s32 @!p0 $0x1082;
	s9 =	sld [smem:$0x3FB0]  }
0x2f: {  	lr =	sadd.s32 s0, s3;
	s0 =	sld [smem:$0x3FA7]  }
0x30: {  	s3 =	sld [smem:$0x3FAA]  }
0x31: {  	[smem:$0x3FB3] =	sst s10  }
0x32: {  	s10 =	sld [smem:$0x3FB1];
	_ =	sdelay $0x3  }
0x33: {  	p0 =	seq.s32 s10, $0x1;
	s10 =	sld [smem:$0x3FB3];
	_ =	sdelay $0x3  }
0x34: {  	[smem:$0x3FB3] =	sst s10  }
0x35: {  	s10 =	sld [smem:$0x3FB2];
	_ =	sdelay $0x3  }
0x36: {  	p1 =	seq.s32 s10, $0x1;
	s10 =	sld [smem:$0x3FB3];
	_ =	sdelay $0x3  }
0x37: {  	[smem:$0x3FB3] =	sst s10  }
0x38: {  	s10 =	sld [smem:$0x3FB4]  }
0x39: {  	_ = 	snop;
	(pc) =	sbr.ind lr, $3  }
0x3a: {  	_ = 	snop  }
0x3b: {  	_ = 	snop  }
0x3c: {  	p2 =	seq.s32 s10, $0x1;
	s10 =	sld [smem:$0x3FB3]  }
0x3d: {  	_ =	shalt  }
0x3e: {  	_ =	shalt  }
0x3f: {  	_ =	shalt  }
0x40: {  	_ =	shalt  }
0x41: {  	_ =	shalt  }
0x42: {  	_ =	shalt  }
0x43: {  	_ =	shalt  }
0x44: {  	_ =	shalt  }
0x45: {  	_ =	shalt  }
0x46: {  	_ =	shalt  }
0x47: {  	_ =	shalt  }
0x48: {  	_ =	shalt  }
0x49: {  	_ =	shalt  }
0x4a: {  	_ =	shalt  }
0x4b: {  	_ =	shalt  }
0x4c: {  	_ =	shalt  }
0x4d: {  	_ =	shalt  }
0x4e: {  	_ =	shalt  }
0x4f: {  	_ =	shalt  }
0x50: {  	_ =	shalt  }
0x51: {  	_ =	shalt  }
0x52: {  	_ =	shalt  }
0x53: {  	_ =	shalt  }
0x54: {  	_ =	shalt  }
0x55: {  	_ =	shalt  }
0x56: {  	_ =	shalt  }
0x57: {  	_ =	shalt  }
0x58: {  	_ =	shalt  }
0x59: {  	_ =	shalt  }
0x5a: {  	_ =	shalt  }
0x5b: {  	_ =	shalt  }
0x5c: {  	_ =	shalt  }
0x5d: {  	_ =	shalt  }
0x5e: {  	_ =	shalt  }
0x5f: {  	_ =	shalt  }
0x60: {  	_ =	shalt  }
0x61: {  	_ =	shalt  }
0x62: {  	_ =	shalt  }
0x63: {  	_ =	shalt  }
0x64: {  	_ =	shalt  }
0x65: {  	_ =	shalt  }
0x66: {  	_ =	shalt  }
0x67: {  	_ =	shalt  }
0x68: {  	_ =	shalt  }
0x69: {  	_ =	shalt  }
0x6a: {  	_ =	shalt  }
0x6b: {  	_ =	shalt  }
0x6c: {  	_ =	shalt  }
0x6d: {  	_ =	shalt  }
0x6e: {  	_ =	shalt  }
0x6f: {  	_ =	shalt  }
0x70: {  	_ =	shalt  }
0x71: {  	_ =	shalt  }
0x72: {  	_ =	shalt  }
0x73: {  	_ =	shalt  }
0x74: {  	_ =	shalt  }
0x75: {  	_ =	shalt  }
0x76: {  	_ =	shalt  }
0x77: {  	_ =	shalt  }
0x78: {  	_ =	shalt  }
0x79: {  	_ =	shalt  }
0x7a: {  	_ =	shalt  }
0x7b: {  	_ =	shalt  }
0x7c: {  	_ =	shalt  }
0x7d: {  	_ =	shalt  }
0x7e: {  	_ =	shalt  }
0x7f: {  	_ =	shalt  }
0x80: {  	_ =	shalt  }
0x81: {  	_ =	shalt  }
0x82: {  	_ =	shalt  }
0x83: {  	_ =	shalt  }
0x84: {  	_ =	shalt  }
0x85: {  	_ =	shalt  }
0x86: {  	_ =	shalt  }
0x87: {  	_ =	shalt  }
.Lfunc_end0:
.L_simem_size_0:
called_computation.1_lowered:
.L_overlay_start_0:
0x88: {  	s2 =	sld [smem:$0x3FD9]  }
0x89: {  	s3 =	sld [smem:$0x3FFE];
	_ =	sdelay $0x1  }
0x8a: {  	s1 =	srdreg.scid  }
0x8b: {  	s0 =	sand.u32 $0x1, s1  }
0x8c: {  	s17 =	sshll.u32 s0, $0xA;
	s2 =	sadd.s32 s3, s2  }
0x8d: {  	s2 =	sadd.s32 s2, s17  }
0x8e: {  	[smem:$0x3FBF] =	sst s2  }
0x8f: {  	_ = 	snop  }
0x90: {  	s2 =	sld [smem:$0x3FD0];
	(tm) =	ssettm $0x1  }
0x91: {  	s18 =	sld [smem:$0x3FFB];
	_ =	sdelay $0x3  }
0x92: {  	_ =	strace s18  }
0x93: {  	s3 =	sld [smem:$0x3FFC];
	_ =	sdelay $0x3  }
0x94: {  	_ =	strace s3  }
0x95: {  	s3 =	sld [smem:$0x3FFD];
	_ =	sdelay $0x3  }
0x96: {  	_ =	strace s3  }
0x97: {  	_ =	strace $0x8FFFFFFF  }
0x98: {  	s19 =	sld [smem:$0x3FDB];
	_ =	sdelay $0x1  }
0x99: {  	s4 =	simm.s32 $_scs_section_size  }
0x9a: {  	s5 =	simm.s32 $_size__tile_overlayer_lowered;
	s6 =	simm.s32 $_tile_overlayer_lowered  }
0x9b: {  	s22 =	simm.s32 $0x1BFF;
	s21 =	sshll.u32 s6, $0x1;
	s3 =	sadd.s32 s4, s19  }
0x9c: {  	s7 =	simm.s32 $0x0;
	s20 =	sshll.u32 s5, $0x1;
	s5 =	sadd.s32 s21, s3  }
0x9d: {  	[timem:s7], [sflag:s22] =	dma.local [hbm:s5], s20  }
0x9e: {  	_ =	swait.ge [sflag:s22], s20  }
0x9f: {  	s4 =	ssub.s32 $0x0, s20;
	[sflag:s22] =	ssyncset.done $0x0  }
0xa0: {  	[sflag:s22] =	ssyncadd.s32 s4;
	_ =	sdelay $0x1  }
0xa1: {  	s23 =	simm.s32 $0x1B8B  }
0xa2: {  	_ =	swait.ge [sflag:s23], $0x1  }
0xa3: {  	[sflag:s23] =	ssyncset.done $0x0  }
0xa4: {  	s25 =	simm.s32 $0x1B8E;
	s24 =	sld [smem:$0x3FFE];
	[sflag:s23] =	ssyncadd.s32 $0xFFFFFFFF  }
0xa5: {  	s26 =	simm.s32 $execute0_lowered;
	[smem:$0x3FD2] =	sst s25  }
0xa6: {  	s5 =	sshll.u32 s26, $0x1;
	_ =	strace $0x80000049;
	[dreg:$0x1] =	wrdreg $0xFFFFFFFF  }
0xa7: {  	s28 =	simm.s32 $_size_execute0_lowered;
	s3 =	sadd.s32 s3, s5;
	[dreg:$0x0] =	wrdreg $0x0  }
0xa8: {  	s5 =	sshll.u32 s28, $0x1;
	[dreg:$0x2] =	wrdreg s3  }
0xa9: {  	[dreg:$0x3] =	wrdreg s5  }
0xaa: {  	[dreg:$0x4] =	wrdreg $0xC0  }
0xab: {  	_ =	task [dreg:s7], $0x5FFFF  }
0xac: {  	[dreg:$0x1] =	wrdreg $0xFFFFFFFF  }
0xad: {  	[dreg:$0x0] =	wrdreg $0x60  }
0xae: {  	[dreg:$0x2] =	wrdreg s24  }
0xaf: {  	[dreg:$0x3] =	wrdreg s2  }
0xb0: {  	[dreg:$0x4] =	wrdreg $0xC6000  }
0xb1: {  	[dreg:$0x5] =	wrdreg $0x9  }
0xb2: {  	_ =	task.clear_ibuf [dreg:s7], $0x6FFFF;
	_ =	strace $0x90000049  }
0xb3: {  	s29 =	simm.s32 $0x9;
	_ =	strace $0x8000004B  }
0xb4: {  	_ =	swait.ge [sflag:s29], $0x1  }
0xb5: {  	[sflag:s29] =	ssyncadd.s32 $0xFFFFFFFF  }
0xb6: {  	_ =	strace $0x9000004B  }
0xb7: {  	_ =	sfence  }
0xb8: {  	s30 =	sld [smem:$0x0];
	_ =	sdelay $0x2  }
0xb9: {  	s31 =	sshll.u32 s1, $0xD;
	s1 =	sshrl.u32 s1, $0x2  }
0xba: {  	s3 =	sand.u32 $0x4000, s31;
	s1 =	sadd.s32 s1, s30  }
0xbb: {  	s0 =	sor.u32 s3, s0;
	s1 =	sshll.u32 s1, $0x11  }
0xbc: {  	s0 =	sor.u32 s1, s0  }
0xbd: {  	s0 =	sadd.s32 $0x8F2B, s0  }
0xbe: {  	[sflag:s0] =	ssyncadd.remote.s32 $0x1  }
0xbf: {  	_ =	sfence.sel $0xFFFF  }
0xc0: {  	[dreg:$0x0] =	wrdreg $0xFFFFFFFF;
	(pc) =	sbr.abs _section_cstart, $3  }
0xc1: {  	[dreg:$0x1] =	wrdreg $0xFFFFFFFF  }
0xc2: {  	_ =	task.clear_ibuf [dreg:s7], $0x2FFFF;
	_ =	strace $0x9FFFFFFF  }
0xc3: {  	(tm) =	ssettm $0x7FFFFFFF  }
tec
execute0_lowered:
.L_overlay_start_1:
0x0: {  	(tag) =	ssettag $0x1  }
0x1: {  	s0 =	rddreg [dreg:$0x0]  }
0x2: {  	s6 =	rddreg [dreg:$0x1]  }
0x3: {  	s1 =	rddreg [dreg:$0x2];
	s2 =	stileid.u32  }
0x4: {  	s3 =	simm.s32 $0x0;
	s5 =	srdreg.scid;
	s13 =	smul.u32 $0x4E000, s2  }
0x5: {  	[smem:$0x7FF] =	sst s3;
	s4 =	sadd.s32 $0x16B800, s0;
	s24 =	smul.u32 $0x4F000, s2  }
0x6: {  	s7 =	sand.u32 $0x1, s5;
	s8 =	sshll.u32 s2, $0x1;
	s15 =	smul.u32 $0x13C00, s2  }
0x7: {  	s9 =	sadd.s32 $0x2000, s0;
	s0 =	sadd.s32 $0xBE00, s0;
	s17 =	smul.u32 $0x13800, s2  }
0x8: {  	p1 =	sgt.u32 s2, $0xD;
	_ =	strace $0x8000004A;
	s10 =	ssub.s32 $0x2, s7  }
0x9: {  	s5 =	sor.u32 s7, s8;
	s29 =	ssub.s32 $0x9C4, s8;
	s31 =	smul.u32 $0x138800, s7  }
0xa: {  	s16 =	ssub.s32 $0x984, s8;
	s8 =	ssub.s32 $0x9A4, s8;
	[dreg:$0x4] =	wrdreg s29  }
0xb: {  	s11 =	sshrl.u32 s10, $0x1;
	s12 =	sshll.u32 s5, $0x4;
	[dreg:$0x6] =	wrdreg s16  }
0xc: {  	s22 =	sshrl.u32 s13, $0x2;
	[dreg:$0x5] =	wrdreg s8;
	s14 =	sadd.s32 s6, s12  }
0xd: {  	s19 =	sor.u32 $0x200, s12;
	s20 =	sadd.s32 s9, s12;
	[dreg:$0x7] =	wrdreg s14  }
0xe: {  	s10 =	ssub.s32 s10, s11;
	[dreg:$0x8] =	wrdreg s20;
	s21 =	sadd.s32 s6, s19  }
0xf: {  	s12 =	sor.u32 $0x400, s12;
	s11 =	sadd.s32 s9, s19;
	[dreg:$0x9] =	wrdreg s21  }
0x10: {  	s18 =	sadd.s32 s17, s31;
	s23 =	sadd.s32 s6, s12;
	[dreg:$0xa] =	wrdreg s11  }
0x11: {  	s12 =	sadd.s32 s9, s12;
	s8 =	sshrl.u32 s18, $0x3;
	[dreg:$0xb] =	wrdreg s23  }
0x12: {  	s28 =	sshrl.u32 s24, $0x2;
	[dreg:$0xd] =	wrdreg s12;
	s8 =	sadd.s32 s0, s8  }
0x13: {  	s12 =	sadd.s32 s28, s1;
	s28 =	smax.u32 s10, $0x1;
	[dreg:$0x12] =	wrdreg s8  }
0x14: {  	s7 =	sshll.u32 s7, $0x4;
	s11 =	sadd.s32 s22, s1;
	[dreg:$0x17] =	wrdreg s28  }
0x15: {  	s15 =	sadd.s32 $0xFFFFC800, s15;
	s25 =	sadd.s32 $0x4000, s11;
	[dreg:$0xc] =	wrdreg s11  }
0x16: {  	s19 =	sadd.s32 s31, s15;
	s26 =	sadd.s32 $0x8000, s11;
	[dreg:$0xe] =	wrdreg s25  }
0x17: {  	s13 =	sshrl.u32 s19, $0x3;
	s16 =	sadd.s32 $0xFFFFC800, s12;
	[dreg:$0xf] =	wrdreg s26  }
0x18: {  	s21 =	sshll.u32 s2, $0x5;
	s20 =	sadd.s32 $0x800, s12;
	[dreg:$0x10] =	wrdreg s16  }
0x19: {  	s0 =	sadd.s32 s0, s13;
	s22 =	sadd.s32 s21, s9;
	[dreg:$0x11] =	wrdreg s20  }
0x1a: {  	s23 =	sadd.s32 $0x4800, s12;
	s24 =	sadd.s32 $0x8800, s12;
	[dreg:$0x13] =	wrdreg s0  }
0x1b: {  	s29 =	sadd.s32 $0xC000, s11;
	s31 =	sadd.s32 $0x10000, s11;
	[dreg:$0x14] =	wrdreg s23  }
0x1c: {  	s0 =	sadd.s32 s21, s6;
	[dreg:$0x15] =	wrdreg s24;
	s26 =	sand.u32 $0x3FFFFC00, s15  }
0x1d: {  	[dreg:$0x19] =	wrdreg s29;
	s21 =	sadd.s32 s7, s0;
	s0 =	sadd.s32 s26, s1  }
0x1e: {  	[dreg:$0x1a] =	wrdreg s31;
	s0 =	sshrl.u32 @p1 s0, $0x3  }
0x1f: {  	s25 =	sadd.s32 $0xC800, s12;
	[dreg:$0x18] =	wrdreg s0;
	s0 =	simm.s32 @!p1 $0x0  }
0x20: {  	[dreg:$0x16] =	wrdreg s25;
	s0 =	simm.s32 @p1 $0x1  }
0x21: {  	v0 =	vimm.f32 $0.0e+00;
	s30 =	simm.s32 $0x0;
	s20 =	sadd.s32 s7, s22;
	[smem:$0x7FD] =	sst s0  }
.LBB2_1:
0x22: {  	s0 =	rddreg [dreg:$0x7]  }
0x23: {  	s19 =	rddreg [dreg:$0x8]  }
0x24: {  	[tilespmem:s3], [sflag:$0x7] =	stream.linear.gather [hbm4b:s0+s3], $0x80, $0x38;
	[tilespmem:$0x1FE80] =	vst v63  }
0x25: {  	s2 =	simm.s32 $0x300;
	s22 =	rddreg [dreg:$0x9]  }
0x26: {  	[tilespmem:s2], [sflag:$0x7] =	stream.linear.gather [hbm4b:s19+s3], $0x80, $0x38;
	[tilespmem:$0x1FE80] =	vst v63  }
0x27: {  	s23 =	simm.s32 $0x80;
	s24 =	rddreg [dreg:$0xa]  }
0x28: {  	[tilespmem:s23], [sflag:$0x8] =	stream.linear.gather [hbm4b:s22+s3], $0x80, $0x38;
	[tilespmem:$0x1FE80] =	vst v63  }
0x29: {  	s25 =	simm.s32 $0x380;
	s26 =	rddreg [dreg:$0xb]  }
0x2a: {  	[tilespmem:s25], [sflag:$0x8] =	stream.linear.gather [hbm4b:s24+s3], $0x80, $0x38;
	[tilespmem:$0x1FE80] =	vst v63  }
0x2b: {  	s28 =	simm.s32 $0x100;
	s29 =	rddreg [dreg:$0xd]  }
0x2c: {  	[tilespmem:s28], [sflag:$0x9] =	stream.linear.gather [hbm4b:s26+s3], $0x80, $0x38;
	[tilespmem:$0x1FE80] =	vst v63  }
0x2d: {  	s31 =	simm.s32 $0x400;
	s6 =	simm.s32 $0x200;
	s0 =	simm.s32 $0x0  }
0x2e: {  	[tilespmem:s31], [sflag:$0x9] =	stream.linear.gather [hbm4b:s29+s3], $0x80, $0x38;
	[tilespmem:$0x1FE80] =	vst v63  }
.LBB2_2:
0x2f: {  	p0 =	sne.s32 s6, $0xFE00;
	[tilespmem:s0+$0x670] =	vst v0  }
0x30: {  	[tilespmem:s0+$0x600] =	vst v0  }
0x31: {  	[tilespmem:s0+$0x610] =	vst v0  }
.Ltmp0:
0x32: {  	[tilespmem:s0+$0x620] =	vst v0;
	(pc) =	sbr.rel @p0 .LBB2_2-.Ltmp0, $4  }
0x33: {  	[tilespmem:s0+$0x630] =	vst v0  }
0x34: {  	[tilespmem:s0+$0x640] =	vst v0  }
0x35: {  	[tilespmem:s0+$0x650] =	vst v0  }
0x36: {  	[tilespmem:s0+$0x660] =	vst v0;
	s0 =	sshra.s32 s6, $0x2;
	s6 =	sadd.s32 $0x200, s6  }
0x37: {  	[tilespmem:s0+$0x670] =	vst v0  }
0x38: {  	[tilespmem:s0+$0x600] =	vst v0  }
0x39: {  	[tilespmem:s0+$0x610] =	vst v0  }
0x3a: {  	[tilespmem:s0+$0x620] =	vst v0  }
0x3b: {  	[tilespmem:s0+$0x630] =	vst v0  }
0x3c: {  	[tilespmem:s0+$0x640] =	vst v0  }
0x3d: {  	[tilespmem:s0+$0x650] =	vst v0  }
0x3e: {  	[tilespmem:s0+$0x660] =	vst v0;
	s0 =	simm.s32 @p1 $0x600;
	s2 =	rddreg [dreg:$0x10]  }
0x3f: {  	[spmem:s2] =	stream.linear.scatter @p1 [tilespmem:s0], [sflag:$0x4], $0x4000, $0x38;
	[tilespmem:$0x1FE80] =	vst v63  }
0x40: {  	s2 =	rddreg [dreg:$0x11]  }
0x41: {  	[spmem:s2] =	stream.linear.scatter @p1 [tilespmem:s0], [sflag:$0x4], $0x4000, $0x38;
	[tilespmem:$0x1FE80] =	vst v63  }
0x42: {  	s2 =	rddreg [dreg:$0x14]  }
0x43: {  	[spmem:s2] =	stream.linear.scatter @p1 [tilespmem:s0], [sflag:$0x4], $0x4000, $0x38;
	[tilespmem:$0x1FE80] =	vst v63  }
0x44: {  	s2 =	rddreg [dreg:$0x15]  }
0x45: {  	[spmem:s2] =	stream.linear.scatter @p1 [tilespmem:s0], [sflag:$0x4], $0x4000, $0x38;
	[tilespmem:$0x1FE80] =	vst v63  }
0x46: {  	s2 =	rddreg [dreg:$0x16]  }
0x47: {  	[spmem:s2] =	stream.linear.scatter @p1 [tilespmem:s0], [sflag:$0x4], $0x3C00, $0x38;
	[tilespmem:$0x1FE80] =	vst v63  }
0x48: {  	s0 =	simm.s32 @p1 $0x4  }
0x49: {  	_ =	swait.ge @p1 [sflag:s0], $0x4000  }
0x4a: {  	[sflag:s0] =	ssyncset.done @p1 $0x0  }
0x4b: {  	[sflag:s0] =	ssyncadd.s32 @p1 $0xFFFFC000  }
0x4c: {  	_ =	swait.ge @p1 [sflag:s0], $0x4000  }
0x4d: {  	[sflag:s0] =	ssyncset.done @p1 $0x0  }
0x4e: {  	[sflag:s0] =	ssyncadd.s32 @p1 $0xFFFFC000  }
0x4f: {  	_ =	swait.ge @p1 [sflag:s0], $0x4000  }
0x50: {  	[sflag:s0] =	ssyncset.done @p1 $0x0  }
0x51: {  	[sflag:s0] =	ssyncadd.s32 @p1 $0xFFFFC000  }
0x52: {  	_ =	swait.ge @p1 [sflag:s0], $0x4000  }
0x53: {  	[sflag:s0] =	ssyncset.done @p1 $0x0  }
0x54: {  	[sflag:s0] =	ssyncadd.s32 @p1 $0xFFFFC000  }
0x55: {  	_ =	swait.ge @p1 [sflag:s0], $0x3C00  }
0x56: {  	[sflag:s0] =	ssyncset.done @p1 $0x0  }
0x57: {  	[sflag:s0] =	ssyncadd.s32 @p1 $0xFFFFC400;
	s0 =	simm.s32 @!p1 $0x600  }
0x58: {  	[spmem:s11] =	stream.linear.scatter @!p1 [tilespmem:s0], [sflag:$0x4], $0x4000, $0x38;
	[tilespmem:$0x1FE80] =	vst v63  }
0x59: {  	s2 =	rddreg [dreg:$0xe]  }
0x5a: {  	[spmem:s2] =	stream.linear.scatter @!p1 [tilespmem:s0], [sflag:$0x4], $0x4000, $0x38;
	[tilespmem:$0x1FE80] =	vst v63  }
0x5b: {  	s2 =	rddreg [dreg:$0xf]  }
0x5c: {  	[spmem:s2] =	stream.linear.scatter @!p1 [tilespmem:s0], [sflag:$0x4], $0x4000, $0x38;
	[tilespmem:$0x1FE80] =	vst v63  }
0x5d: {  	s2 =	rddreg [dreg:$0x19]  }
0x5e: {  	[spmem:s2] =	stream.linear.scatter @!p1 [tilespmem:s0], [sflag:$0x4], $0x4000, $0x38;
	[tilespmem:$0x1FE80] =	vst v63  }
0x5f: {  	s2 =	rddreg [dreg:$0x1a]  }
0x60: {  	[spmem:s2] =	stream.linear.scatter @!p1 [tilespmem:s0], [sflag:$0x4], $0x3800, $0x38;
	[tilespmem:$0x1FE80] =	vst v63  }
0x61: {  	s0 =	simm.s32 @!p1 $0x4  }
0x62: {  	_ =	swait.ge @!p1 [sflag:s0], $0x4000  }
0x63: {  	[sflag:s0] =	ssyncset.done @!p1 $0x0  }
0x64: {  	[sflag:s0] =	ssyncadd.s32 @!p1 $0xFFFFC000  }
0x65: {  	_ =	swait.ge @!p1 [sflag:s0], $0x4000  }
0x66: {  	[sflag:s0] =	ssyncset.done @!p1 $0x0  }
0x67: {  	[sflag:s0] =	ssyncadd.s32 @!p1 $0xFFFFC000  }
0x68: {  	_ =	swait.ge @!p1 [sflag:s0], $0x4000  }
0x69: {  	[sflag:s0] =	ssyncset.done @!p1 $0x0  }
0x6a: {  	[sflag:s0] =	ssyncadd.s32 @!p1 $0xFFFFC000  }
0x6b: {  	_ =	swait.ge @!p1 [sflag:s0], $0x4000  }
0x6c: {  	[sflag:s0] =	ssyncset.done @!p1 $0x0  }
0x6d: {  	[sflag:s0] =	ssyncadd.s32 @!p1 $0xFFFFC000  }
0x6e: {  	_ =	swait.ge @!p1 [sflag:s0], $0x3800  }
0x6f: {  	s7 =	sadd.s32 $0x0, s5;
	[sflag:s0] =	ssyncset.done @!p1 $0x0  }
0x70: {  	s22 =	sadd.s32 $0x60, s7;
	[sflag:s0] =	ssyncadd.s32 @!p1 $0xFFFFC800;
	p1 =	por $0x1, $0x1  }
0x71: {  	p0 =	sgt.u32 s22, $0x9C3;
	[bflag:$0x0] =	sbarrier.arrive $0xFFFF;
	s6 =	simm.s32 @!p1 $0x4  }
0x72: {  	s8 =	simm.s32 @!p0 $0x0;
	p4 =	por p0, p0;
	_ =	swait.ge @!p1 [sflag:s6], $0x4000  }
0x73: {  	s10 =	simm.s32 @!p4 $0x180;
	s0 =	sadd.s32 @!p0 $0x0, s21;
	[sflag:s6] =	ssyncset.done @!p1 $0x0  }
0x74: {  	s0 =	sadd.s32 @!p4 $0x600, s0;
	s9 =	rddreg [dreg:$0x4];
	[sflag:s6] =	ssyncadd.s32 @!p1 $0xFFFFC000  }
0x75: {  	[tilespmem:s10], [sflag:$0xA] =	stream.linear.gather @!p4 [hbm4b:s0+s8], $0x80, $0x38;
	[tilespmem:$0x1FE80] =	vst v63  }
0x76: {  	p0 =	sle.u32 s9, $0x0;
	s0 =	sadd.s32 @!p4 $0x0, s20  }
0x77: {  	s31 =	simm.s32 @!p4 $0x480;
	s6 =	simm.s32 @!p0 $0x7;
	s0 =	sadd.s32 @!p4 $0x600, s0  }
0x78: {  	[tilespmem:s31], [sflag:$0xA] =	stream.linear.gather @!p4 [hbm4b:s0+s8], $0x80, $0x38;
	[tilespmem:$0x1FE80] =	vst v63  }
0x79: {  	_ =	swait.ge @!p0 [sflag:s6], $0x80  }
0x7a: {  	[sflag:s6] =	ssyncset.done @!p0 $0x0  }
0x7b: {  	[sflag:s6] =	ssyncadd.s32 @!p0 $0xFFFFFF80  }
0x7c: {  	s23 =	sadd.s32 $0x80, s7;
	_ =	swait.ge @!p0 [sflag:s6], $0x80  }
0x7d: {  	s9 =	simm.s32 @!p0 $0x80;
	s12 =	simm.s32 @!p0 $0x600;
	[sflag:s6] =	ssyncset.done @!p0 $0x0  }
0x7e: {  	s0 =	simm.s32 @!p0 $0x0;
	s8 =	simm.s32 @!p1 $0x3;
	[sflag:s6] =	ssyncadd.s32 @!p0 $0xFFFFFF80  }
0x7f: {  	[tilespmem:s12], [sflag:$0x1] =	stream.indirect.gather @!p0 [hbm4b:s4+s9], $0x80, s0, s9, $0xb8;
	[tilespmem:$0x1FE80] =	vst v63  }
0x80: {  	p2 =	sgt.u32 s23, $0x9C3;
	_ =	swait.ge @!p1 [sflag:s8], $0x4000  }
0x81: {  	s13 =	simm.s32 @!p1 $0x580;
	s14 =	simm.s32 @!p1 $0x5;
	[sflag:s8] =	ssyncset.done @!p1 $0x0  }
0x82: {  	s6 =	simm.s32 @!p1 $0x80;
	s0 =	simm.s32 @!p1 $0x8600;
	[sflag:s8] =	ssyncadd.s32 @!p1 $0xFFFFC000  }
0x83: {  	[spmem:s1] =	stream.indirect.scatter.add.f32 @!p1 [tilespmem:s0], [sflag:$0x6], $0x80, s13, s6, $0xb8;
	[tilespmem:$0x1FE80] =	vst v63  }
0x84: {  	s8 =	simm.s32 @!p2 $0x200;
	s0 =	sadd.s32 @!p2 $0x0, s20;
	_ =	swait.ge @!p1 [sflag:s14], $0x4000  }
0x85: {  	s6 =	simm.s32 @!p2 $0x0;
	s13 =	sadd.s32 @!p2 $0x0, s21;
	[sflag:s14] =	ssyncset.done @!p1 $0x0  }
0x86: {  	s13 =	sadd.s32 @!p2 $0x800, s13;
	s15 =	rddreg [dreg:$0x5];
	[sflag:s14] =	ssyncadd.s32 @!p1 $0xFFFFC000  }
0x87: {  	[tilespmem:s8], [sflag:$0xB] =	stream.linear.gather @!p2 [hbm4b:s13+s6], $0x80, $0x38;
	[tilespmem:$0x1FE80] =	vst v63  }
0x88: {  	p6 =	sle.u32 s15, $0x0;
	s13 =	sadd.s32 @!p2 $0x800, s0;
	s0 =	simm.s32 @!p2 $0x500  }
0x89: {  	[tilespmem:s0], [sflag:$0xB] =	stream.linear.gather @!p2 [hbm4b:s13+s6], $0x80, $0x38;
	[tilespmem:$0x1FE80] =	vst v63  }
0x8a: {  	s6 =	simm.s32 @!p6 $0x8  }
0x8b: {  	_ =	swait.ge @!p6 [sflag:s6], $0x80  }
0x8c: {  	[sflag:s6] =	ssyncset.done @!p6 $0x0  }
0x8d: {  	[sflag:s6] =	ssyncadd.s32 @!p6 $0xFFFFFF80  }
0x8e: {  	_ =	swait.ge @!p6 [sflag:s6], $0x80  }
0x8f: {  	s14 =	simm.s32 @!p6 $0x80;
	[sflag:s6] =	ssyncset.done @!p6 $0x0  }
0x90: {  	s15 =	simm.s32 @!p6 $0x4600;
	s13 =	simm.s32 @!p0 $0x1;
	[sflag:s6] =	ssyncadd.s32 @!p6 $0xFFFFFF80  }
0x91: {  	[tilespmem:s15], [sflag:$0x2] =	stream.indirect.gather @!p6 [hbm4b:s4+s14], $0x80, s14, s14, $0xb8;
	[tilespmem:$0x1FE80] =	vst v63  }
0x92: {  	s24 =	sadd.s32 $0xA0, s7;
	_ =	swait.ge @!p0 [sflag:s13], $0x4000  }
0x93: {  	p3 =	sgt.u32 s24, $0x9C3;
	[sflag:s13] =	ssyncset.done @!p0 $0x0  }
0x94: {  	s16 =	simm.s32 @!p1 $0x6;
	s6 =	simm.s32 @!p0 $0x300;
	[sflag:s13] =	ssyncadd.s32 @!p0 $0xFFFFC000  }
0x95: {  	[spmem:s1] =	stream.indirect.scatter.add.f32 @!p0 [tilespmem:s12], [sflag:$0x4], $0x80, s6, s9, $0xb8;
	[tilespmem:$0x1FE80] =	vst v63  }
0x96: {  	s17 =	simm.s32 @!p3 $0x0;
	s6 =	sadd.s32 @!p3 $0x0, s21;
	_ =	swait.ge @!p1 [sflag:s16], $0x4000  }
0x97: {  	s12 =	sadd.s32 @!p3 $0x0, s20;
	s9 =	simm.s32 @!p3 $0x280;
	[sflag:s16] =	ssyncset.done @!p1 $0x0  }
0x98: {  	s6 =	sadd.s32 @!p3 $0xA00, s6;
	s25 =	rddreg [dreg:$0x6];
	[sflag:s16] =	ssyncadd.s32 @!p1 $0xFFFFC000  }
0x99: {  	[tilespmem:s9], [sflag:$0xC] =	stream.linear.gather @!p3 [hbm4b:s6+s17], $0x80, $0x38;
	[tilespmem:$0x1FE80] =	vst v63  }
0x9a: {  	p5 =	sle.u32 s25, $0x0;
	s6 =	sadd.s32 @!p3 $0xA00, s12;
	s12 =	simm.s32 @!p3 $0x580  }
0x9b: {  	[tilespmem:s12], [sflag:$0xC] =	stream.linear.gather @!p3 [hbm4b:s6+s17], $0x80, $0x38;
	[tilespmem:$0x1FE80] =	vst v63  }
0x9c: {  	s6 =	simm.s32 @!p5 $0x9  }
0x9d: {  	_ =	swait.ge @!p5 [sflag:s6], $0x80  }
0x9e: {  	[sflag:s6] =	ssyncset.done @!p5 $0x0  }
0x9f: {  	[sflag:s6] =	ssyncadd.s32 @!p5 $0xFFFFFF80  }
0xa0: {  	_ =	swait.ge @!p5 [sflag:s6], $0x80  }
0xa1: {  	s16 =	simm.s32 @!p6 $0x2;
	s13 =	simm.s32 @!p5 $0x8600;
	[sflag:s6] =	ssyncset.done @!p5 $0x0  }
0xa2: {  	s17 =	simm.s32 @!p5 $0x80;
	s12 =	simm.s32 @!p5 $0x100;
	[sflag:s6] =	ssyncadd.s32 @!p5 $0xFFFFFF80  }
0xa3: {  	[tilespmem:s13], [sflag:$0x3] =	stream.indirect.gather @!p5 [hbm4b:s4+s17], $0x80, s12, s17, $0xb8;
	[tilespmem:$0x1FE80] =	vst v63  }
0xa4: {  	_ =	swait.ge @!p6 [sflag:s16], $0x4000  }
0xa5: {  	s26 =	sadd.s32 $0xC0, s7;
	[sflag:s16] =	ssyncset.done @!p6 $0x0  }
0xa6: {  	s6 =	simm.s32 @!p6 $0x380;
	s12 =	simm.s32 @!p0 $0x4;
	[sflag:s16] =	ssyncadd.s32 @!p6 $0xFFFFC000  }
0xa7: {  	[spmem:s1] =	stream.indirect.scatter.add.f32 @!p6 [tilespmem:s15], [sflag:$0x5], $0x80, s6, s14, $0xb8;
	[tilespmem:$0x1FE80] =	vst v63  }
0xa8: {  	s29 =	simm.s32 $0x0;
	p1 =	sgt.u32 s26, $0x9C3;
	_ =	swait.ge @!p0 [sflag:s12], $0x4000  }
0xa9: {  	s6 =	sadd.s32 @!p1 $0x0, s21;
	s14 =	simm.s32 @!p1 $0x0;
	[sflag:s12] =	ssyncset.done @!p0 $0x0  }
0xaa: {  	s6 =	sadd.s32 @!p1 $0xC00, s6;
	[sflag:s12] =	ssyncadd.s32 @!p0 $0xFFFFC000;
	s12 =	sadd.s32 @!p1 $0x0, s20  }
0xab: {  	[tilespmem:s14], [sflag:$0x7] =	stream.linear.gather @!p1 [hbm4b:s6+s14], $0x80, $0x38;
	[tilespmem:$0x1FE80] =	vst v63  }
0xac: {  	s22 =	simm.s32 @!p4 $0xA;
	s6 =	sadd.s32 @!p1 $0xC00, s12;
	s12 =	simm.s32 @!p1 $0x300  }
0xad: {  	[tilespmem:s12], [sflag:$0x7] =	stream.linear.gather @!p1 [hbm4b:s6+s14], $0x80, $0x38;
	[tilespmem:$0x1FE80] =	vst v63  }
0xae: {  	s28 =	sadd.s32 $0xE0, s7;
	s7 =	sadd.s32 $0x100, s7;
	_ =	swait.ge @!p4 [sflag:s22], $0x80  }
0xaf: {  	s18 =	simm.s32 @!p6 $0x5;
	s19 =	simm.s32 @!p5 $0x400;
	[sflag:s22] =	ssyncset.done @!p4 $0x0  }
0xb0: {  	s16 =	simm.s32 @!p4 $0x80;
	p0 =	sgt.u32 s28, $0x9C3;
	[sflag:s22] =	ssyncadd.s32 @!p4 $0xFFFFFF80  }
0xb1: {  	s15 =	simm.s32 @!p4 $0x600;
	s23 =	sadd.s32 @!p0 $0x0, s21;
	_ =	swait.ge @!p4 [sflag:s22], $0x80  }
0xb2: {  	s24 =	simm.s32 @!p0 $0x80;
	s26 =	simm.s32 @!p0 $0x380;
	[sflag:s22] =	ssyncset.done @!p4 $0x0  }
0xb3: {  	s23 =	sadd.s32 @!p0 $0xE00, s23;
	s14 =	simm.s32 @!p5 $0x3;
	[sflag:s22] =	ssyncadd.s32 @!p4 $0xFFFFFF80  }
0xb4: {  	[tilespmem:s15], [sflag:$0x1] =	stream.indirect.gather @!p4 [hbm4b:s4+s16], $0x80, s10, s16, $0xb8;
	[tilespmem:$0x1FE80] =	vst v63  }
0xb5: {  	s6 =	simm.s32 $0xC00;
	s12 =	simm.s32 @!p0 $0x0;
	_ =	swait.ge @!p5 [sflag:s14], $0x4000  }
0xb6: {  	s22 =	simm.s32 @!p2 $0xB;
	s10 =	sadd.s32 @!p0 $0x0, s20;
	[sflag:s14] =	ssyncset.done @!p5 $0x0  }
0xb7: {  	s25 =	sadd.s32 @!p0 $0xE00, s10;
	s10 =	simm.s32 $0xC0;
	[sflag:s14] =	ssyncadd.s32 @!p5 $0xFFFFC000  }
.LBB2_4:
0xb8: {  	[spmem:s1] =	stream.indirect.scatter.add.f32 @!p5 [tilespmem:s13], [sflag:$0x6], $0x80, s19, s17, $0xb8;
	[tilespmem:$0x1FE80] =	vst v63  }
0xb9: {  	s28 =	smov.u32 s6;
	_ =	swait.ge @!p6 [sflag:s18], $0x4000  }
0xba: {  	s6 =	sadd.s32 $0xC00, s6;
	p1 =	sgt.u32 s7, $0x9C3;
	[sflag:s18] =	ssyncset.done @!p6 $0x0  }
0xbb: {  	s7 =	sadd.s32 @!p1 s29, s20;
	[sflag:s18] =	ssyncadd.s32 @!p6 $0xFFFFC000;
	p6 =	sne.s32 s6, $0xA800  }
0xbc: {  	[tilespmem:s24], [sflag:$0x8] =	stream.linear.gather @!p0 [hbm4b:s23+s12], $0x80, $0x38;
	[tilespmem:$0x1FE80] =	vst v63  }
0xbd: {  	s2 =	sadd.s32 @!p1 $0x1000, s7;
	s7 =	simm.s32 @!p6 $0x0  }
0xbe: {  	s7 =	simm.s32 @p6 $0x1  }
0xbf: {  	[smem:$0x7FC] =	sst s7  }
0xc0: {  	[tilespmem:s26], [sflag:$0x8] =	stream.linear.gather @!p0 [hbm4b:s25+s12], $0x80, $0x38;
	[tilespmem:$0x1FE80] =	vst v63  }
0xc1: {  	_ =	swait.ge @!p2 [sflag:s22], $0x80  }
0xc2: {  	[sflag:s22] =	ssyncset.done @!p2 $0x0  }
0xc3: {  	[sflag:s22] =	ssyncadd.s32 @!p2 $0xFFFFFF80  }
0xc4: {  	_ =	swait.ge @!p2 [sflag:s22], $0x80  }
0xc5: {  	s14 =	simm.s32 @!p2 $0x80;
	[sflag:s22] =	ssyncset.done @!p2 $0x0  }
0xc6: {  	s19 =	simm.s32 @!p2 $0x4600;
	s23 =	simm.s32 @!p4 $0x1;
	[sflag:s22] =	ssyncadd.s32 @!p2 $0xFFFFFF80  }
0xc7: {  	[tilespmem:s19], [sflag:$0x2] =	stream.indirect.gather @!p2 [hbm4b:s4+s14], $0x80, s8, s14, $0xb8;
	[tilespmem:$0x1FE80] =	vst v63  }
0xc8: {  	_ =	swait.ge @!p4 [sflag:s23], $0x4000  }
0xc9: {  	[sflag:s23] =	ssyncset.done @!p4 $0x0  }
0xca: {  	s13 =	sadd.s32 s10, s5;
	s8 =	simm.s32 @!p5 $0x6;
	[sflag:s23] =	ssyncadd.s32 @!p4 $0xFFFFC000  }
0xcb: {  	[spmem:s1] =	stream.indirect.scatter.add.f32 @!p4 [tilespmem:s15], [sflag:$0x4], $0x80, s31, s16, $0xb8;
	[tilespmem:$0x1FE80] =	vst v63  }
0xcc: {  	s11 =	sadd.s32 $0x60, s13;
	_ =	swait.ge @!p5 [sflag:s8], $0x4000  }
0xcd: {  	s24 =	sadd.s32 @!p1 s29, s21;
	s25 =	simm.s32 @!p1 $0x100;
	[sflag:s8] =	ssyncset.done @!p5 $0x0  }
0xce: {  	s22 =	sadd.s32 @!p1 $0x1000, s24;
	s24 =	simm.s32 @!p1 $0x0;
	[sflag:s8] =	ssyncadd.s32 @!p5 $0xFFFFC000  }
0xcf: {  	[tilespmem:s25], [sflag:$0x9] =	stream.linear.gather @!p1 [hbm4b:s22+s24], $0x80, $0x38;
	[tilespmem:$0x1FE80] =	vst v63  }
0xd0: {  	p6 =	sgt.u32 s11, $0x9C3;
	s11 =	simm.s32 @!p1 $0x400;
	s26 =	simm.s32 @!p3 $0xC  }
0xd1: {  	[tilespmem:s11], [sflag:$0x9] =	stream.linear.gather @!p1 [hbm4b:s2+s24], $0x80, $0x38;
	[tilespmem:$0x1FE80] =	vst v63  }
0xd2: {  	_ =	swait.ge @!p3 [sflag:s26], $0x80  }
0xd3: {  	[sflag:s26] =	ssyncset.done @!p3 $0x0  }
0xd4: {  	[sflag:s26] =	ssyncadd.s32 @!p3 $0xFFFFFF80  }
0xd5: {  	_ =	swait.ge @!p3 [sflag:s26], $0x80  }
0xd6: {  	s22 =	simm.s32 @!p3 $0x8600;
	[sflag:s26] =	ssyncset.done @!p3 $0x0  }
0xd7: {  	s2 =	simm.s32 @!p2 $0x2;
	s11 =	simm.s32 @!p3 $0x80;
	[sflag:s26] =	ssyncadd.s32 @!p3 $0xFFFFFF80  }
0xd8: {  	[tilespmem:s22], [sflag:$0x3] =	stream.indirect.gather @!p3 [hbm4b:s4+s11], $0x80, s9, s11, $0xb8;
	[tilespmem:$0x1FE80] =	vst v63  }
0xd9: {  	p0 =	seq.s32 s28, $0x0;
	_ =	swait.ge @!p2 [sflag:s2], $0x4000  }
0xda: {  	s29 =	smov.u32 s28;
	s18 =	simm.s32 @!p0 $0x4;
	[sflag:s2] =	ssyncset.done @!p2 $0x0  }
0xdb: {  	s15 =	sadd.s32 @!p6 s29, s21;
	p4 =	por p6, p6;
	[sflag:s2] =	ssyncadd.s32 @!p2 $0xFFFFC000  }
0xdc: {  	[spmem:s1] =	stream.indirect.scatter.add.f32 @!p2 [tilespmem:s19], [sflag:$0x5], $0x80, s0, s14, $0xb8;
	[tilespmem:$0x1FE80] =	vst v63  }
0xdd: {  	s16 =	simm.s32 @!p6 $0x0;
	s15 =	sadd.s32 @!p4 $0x600, s15;
	_ =	swait.ge @!p0 [sflag:s18], $0x4000  }
0xde: {  	s23 =	sadd.s32 @!p4 s29, s20;
	[sflag:s18] =	ssyncset.done @!p0 $0x0;
	s26 =	rddreg [dreg:$0x4]  }
0xdf: {  	s14 =	simm.s32 @!p4 $0x180;
	[sflag:s18] =	ssyncadd.s32 @!p0 $0xFFFFC000;
	p1 =	sge.u32 s10, s26  }
0xe0: {  	[tilespmem:s14], [sflag:$0xA] =	stream.linear.gather @!p4 [hbm4b:s15+s16], $0x80, $0x38;
	[tilespmem:$0x1FE80] =	vst v63  }
0xe1: {  	s31 =	simm.s32 @!p4 $0x480;
	s8 =	sadd.s32 @!p4 $0x600, s23;
	s0 =	simm.s32 @!p1 $0x7  }
0xe2: {  	[tilespmem:s31], [sflag:$0xA] =	stream.linear.gather @!p4 [hbm4b:s8+s16], $0x80, $0x38;
	[tilespmem:$0x1FE80] =	vst v63  }
0xe3: {  	_ =	swait.ge @!p1 [sflag:s0], $0x80  }
0xe4: {  	s17 =	sadd.s32 $0x80, s13;
	[sflag:s0] =	ssyncset.done @!p1 $0x0  }
0xe5: {  	s28 =	sadd.s32 $0xA0, s13;
	s9 =	simm.s32 @!p0 $0x80;
	[sflag:s0] =	ssyncadd.s32 @!p1 $0xFFFFFF80  }
0xe6: {  	s11 =	simm.s32 @!p0 $0x580;
	p3 =	sgt.u32 s28, $0x9C3;
	_ =	swait.ge @!p1 [sflag:s0], $0x80  }
0xe7: {  	s18 =	simm.s32 @!p0 $0x3;
	s15 =	simm.s32 @!p1 $0x80;
	[sflag:s0] =	ssyncset.done @!p1 $0x0  }
0xe8: {  	s2 =	simm.s32 @!p1 $0x0;
	s16 =	simm.s32 @!p1 $0x600;
	[sflag:s0] =	ssyncadd.s32 @!p1 $0xFFFFFF80  }
0xe9: {  	[tilespmem:s16], [sflag:$0x1] =	stream.indirect.gather @!p1 [hbm4b:s4+s15], $0x80, s2, s15, $0xb8;
	[tilespmem:$0x1FE80] =	vst v63  }
0xea: {  	p2 =	sgt.u32 s17, $0x9C3;
	s17 =	simm.s32 @!p0 $0x8600;
	_ =	swait.ge @!p0 [sflag:s18], $0x4000  }
0xeb: {  	s22 =	sadd.s32 @!p2 s29, s20;
	s23 =	simm.s32 @!p2 $0x0;
	[sflag:s18] =	ssyncset.done @!p0 $0x0  }
0xec: {  	s19 =	sadd.s32 @!p2 s29, s21;
	s0 =	simm.s32 @!p0 $0x5;
	[sflag:s18] =	ssyncadd.s32 @!p0 $0xFFFFC000  }
0xed: {  	[spmem:s1] =	stream.indirect.scatter.add.f32 @!p0 [tilespmem:s17], [sflag:$0x6], $0x80, s11, s9, $0xb8;
	[tilespmem:$0x1FE80] =	vst v63  }
0xee: {  	s2 =	sadd.s32 @!p2 $0x800, s22;
	s22 =	sadd.s32 @!p3 s29, s20;
	_ =	swait.ge @!p0 [sflag:s0], $0x4000  }
0xef: {  	s8 =	simm.s32 @!p2 $0x200;
	s17 =	sadd.s32 @!p3 $0xA00, s22;
	[sflag:s0] =	ssyncset.done @!p0 $0x0  }
0xf0: {  	s9 =	sadd.s32 @!p2 $0x800, s19;
	s22 =	rddreg [dreg:$0x5];
	[sflag:s0] =	ssyncadd.s32 @!p0 $0xFFFFC000  }
0xf1: {  	[tilespmem:s8], [sflag:$0xB] =	stream.linear.gather @!p2 [hbm4b:s9+s23], $0x80, $0x38;
	[tilespmem:$0x1FE80] =	vst v63  }
0xf2: {  	s0 =	simm.s32 @!p2 $0x500;
	p6 =	sge.u32 s10, s22  }
0xf3: {  	[tilespmem:s0], [sflag:$0xB] =	stream.linear.gather @!p2 [hbm4b:s2+s23], $0x80, $0x38;
	[tilespmem:$0x1FE80] =	vst v63  }
0xf4: {  	s2 =	simm.s32 @!p6 $0x8  }
0xf5: {  	_ =	swait.ge @!p6 [sflag:s2], $0x80  }
0xf6: {  	[sflag:s2] =	ssyncset.done @!p6 $0x0  }
0xf7: {  	[sflag:s2] =	ssyncadd.s32 @!p6 $0xFFFFFF80  }
0xf8: {  	s18 =	sadd.s32 @!p3 s29, s21;
	_ =	swait.ge @!p6 [sflag:s2], $0x80  }
0xf9: {  	s24 =	simm.s32 @!p1 $0x1;
	s11 =	sadd.s32 @!p3 $0xA00, s18;
	[sflag:s2] =	ssyncset.done @!p6 $0x0  }
0xfa: {  	s18 =	simm.s32 @!p6 $0x80;
	s19 =	simm.s32 @!p6 $0x4600;
	[sflag:s2] =	ssyncadd.s32 @!p6 $0xFFFFFF80  }
0xfb: {  	[tilespmem:s19], [sflag:$0x2] =	stream.indirect.gather @!p6 [hbm4b:s4+s18], $0x80, s18, s18, $0xb8;
	[tilespmem:$0x1FE80] =	vst v63  }
0xfc: {  	_ =	swait.ge @!p1 [sflag:s24], $0x4000  }
0xfd: {  	[sflag:s24] =	ssyncset.done @!p1 $0x0  }
0xfe: {  	s22 =	simm.s32 @!p1 $0x300;
	s23 =	simm.s32 @!p0 $0x6;
	[sflag:s24] =	ssyncadd.s32 @!p1 $0xFFFFC000  }
0xff: {  	[spmem:s1] =	stream.indirect.scatter.add.f32 @!p1 [tilespmem:s16], [sflag:$0x4], $0x80, s22, s15, $0xb8;
	[tilespmem:$0x1FE80] =	vst v63  }
0x100: {  	_ =	swait.ge @!p0 [sflag:s23], $0x4000  }
0x101: {  	s9 =	simm.s32 @!p3 $0x280;
	[sflag:s23] =	ssyncset.done @!p0 $0x0  }
0x102: {  	s2 =	simm.s32 @!p3 $0x0;
	s24 =	rddreg [dreg:$0x6];
	[sflag:s23] =	ssyncadd.s32 @!p0 $0xFFFFC000  }
0x103: {  	[tilespmem:s9], [sflag:$0xC] =	stream.linear.gather @!p3 [hbm4b:s11+s2], $0x80, $0x38;
	[tilespmem:$0x1FE80] =	vst v63  }
0x104: {  	s25 =	simm.s32 @!p3 $0x580;
	p5 =	sge.u32 s10, s24  }
0x105: {  	[tilespmem:s25], [sflag:$0xC] =	stream.linear.gather @!p3 [hbm4b:s17+s2], $0x80, $0x38;
	[tilespmem:$0x1FE80] =	vst v63  }
0x106: {  	s2 =	simm.s32 @!p5 $0x9  }
0x107: {  	_ =	swait.ge @!p5 [sflag:s2], $0x80  }
0x108: {  	[sflag:s2] =	ssyncset.done @!p5 $0x0  }
0x109: {  	s12 =	sadd.s32 $0xE0, s13;
	[sflag:s2] =	ssyncadd.s32 @!p5 $0xFFFFFF80  }
0x10a: {  	s7 =	sadd.s32 $0x100, s13;
	s26 =	sadd.s32 $0xC0, s13;
	_ =	swait.ge @!p5 [sflag:s2], $0x80  }
0x10b: {  	s23 =	simm.s32 @!p6 $0x2;
	s13 =	simm.s32 @!p5 $0x8600;
	[sflag:s2] =	ssyncset.done @!p5 $0x0  }
0x10c: {  	s22 =	simm.s32 @!p5 $0x100;
	s17 =	simm.s32 @!p5 $0x80;
	[sflag:s2] =	ssyncadd.s32 @!p5 $0xFFFFFF80  }
0x10d: {  	[tilespmem:s13], [sflag:$0x3] =	stream.indirect.gather @!p5 [hbm4b:s4+s17], $0x80, s22, s17, $0xb8;
	[tilespmem:$0x1FE80] =	vst v63  }
0x10e: {  	_ =	swait.ge @!p6 [sflag:s23], $0x4000  }
0x10f: {  	[sflag:s23] =	ssyncset.done @!p6 $0x0  }
0x110: {  	s16 =	simm.s32 @!p1 $0x4;
	s11 =	simm.s32 @!p6 $0x380;
	[sflag:s23] =	ssyncadd.s32 @!p6 $0xFFFFC000  }
0x111: {  	[spmem:s1] =	stream.indirect.scatter.add.f32 @!p6 [tilespmem:s19], [sflag:$0x5], $0x80, s11, s18, $0xb8;
	[tilespmem:$0x1FE80] =	vst v63  }
0x112: {  	p0 =	sgt.u32 s26, $0x9C3;
	_ =	swait.ge @!p1 [sflag:s16], $0x4000  }
0x113: {  	s15 =	sadd.s32 @!p0 s29, s21;
	s24 =	sadd.s32 @!p0 s29, s20;
	[sflag:s16] =	ssyncset.done @!p1 $0x0  }
0x114: {  	s25 =	simm.s32 @!p0 $0x0;
	s2 =	sadd.s32 @!p0 $0xC00, s15;
	[sflag:s16] =	ssyncadd.s32 @!p1 $0xFFFFC000  }
0x115: {  	[tilespmem:s25], [sflag:$0x7] =	stream.linear.gather @!p0 [hbm4b:s2+s25], $0x80, $0x38;
	[tilespmem:$0x1FE80] =	vst v63  }
0x116: {  	s22 =	sadd.s32 @!p0 $0xC00, s24;
	s24 =	simm.s32 @!p4 $0xA;
	s11 =	simm.s32 @!p0 $0x300  }
0x117: {  	[tilespmem:s11], [sflag:$0x7] =	stream.linear.gather @!p0 [hbm4b:s22+s25], $0x80, $0x38;
	[tilespmem:$0x1FE80] =	vst v63  }
0x118: {  	_ =	swait.ge @!p4 [sflag:s24], $0x80  }
0x119: {  	[sflag:s24] =	ssyncset.done @!p4 $0x0  }
0x11a: {  	[sflag:s24] =	ssyncadd.s32 @!p4 $0xFFFFFF80  }
0x11b: {  	_ =	swait.ge @!p4 [sflag:s24], $0x80  }
0x11c: {  	s15 =	simm.s32 @!p4 $0x600;
	[sflag:s24] =	ssyncset.done @!p4 $0x0  }
0x11d: {  	s16 =	simm.s32 @!p4 $0x80;
	s2 =	simm.s32 @!p5 $0x3;
	[sflag:s24] =	ssyncadd.s32 @!p4 $0xFFFFFF80  }
0x11e: {  	[tilespmem:s15], [sflag:$0x1] =	stream.indirect.gather @!p4 [hbm4b:s4+s16], $0x80, s14, s16, $0xb8;
	[tilespmem:$0x1FE80] =	vst v63  }
0x11f: {  	_ =	swait.ge @!p5 [sflag:s2], $0x4000  }
0x120: {  	s28 =	sld [smem:$0x7FC];
	_ =	sdelay $0x2  }
0x121: {  	p1 =	seq.s32 s28, $0x1  }
.Ltmp1:
0x122: {  	s10 =	sadd.s32 $0xC0, s10;
	s19 =	simm.s32 @!p5 $0x400;
	(pc) =	sbr.rel @p1 .LBB2_4-.Ltmp1, $4  }
0x123: {  	s18 =	simm.s32 @!p6 $0x5;
	p0 =	sgt.u32 s12, $0x9C3;
	s22 =	simm.s32 @!p2 $0xB  }
0x124: {  	s11 =	sadd.s32 @!p0 s29, s21;
	s12 =	simm.s32 @!p0 $0x0;
	s26 =	simm.s32 @!p0 $0x380  }
0x125: {  	s23 =	sadd.s32 @!p0 $0xE00, s11;
	s11 =	sadd.s32 @!p0 s29, s20;
	[sflag:s2] =	ssyncset.done @!p5 $0x0  }
0x126: {  	s25 =	sadd.s32 @!p0 $0xE00, s11;
	s24 =	simm.s32 @!p0 $0x80;
	[sflag:s2] =	ssyncadd.s32 @!p5 $0xFFFFC000  }
0x127: {  	[spmem:s1] =	stream.indirect.scatter.add.f32 @!p5 [tilespmem:s13], [sflag:$0x6], $0x80, s19, s17, $0xb8;
	[tilespmem:$0x1FE80] =	vst v63  }
0x128: {  	_ =	swait.ge @!p6 [sflag:s18], $0x4000  }
0x129: {  	[sflag:s18] =	ssyncset.done @!p6 $0x0  }
0x12a: {  	[sflag:s18] =	ssyncadd.s32 @!p6 $0xFFFFC000  }
0x12b: {  	[tilespmem:s24], [sflag:$0x8] =	stream.linear.gather @!p0 [hbm4b:s23+s12], $0x80, $0x38;
	[tilespmem:$0x1FE80] =	vst v63  }
0x12c: {  	_ = 	snop  }
0x12d: {  	[tilespmem:s26], [sflag:$0x8] =	stream.linear.gather @!p0 [hbm4b:s25+s12], $0x80, $0x38;
	[tilespmem:$0x1FE80] =	vst v63  }
0x12e: {  	_ =	swait.ge @!p2 [sflag:s22], $0x80  }
0x12f: {  	[sflag:s22] =	ssyncset.done @!p2 $0x0  }
0x130: {  	[sflag:s22] =	ssyncadd.s32 @!p2 $0xFFFFFF80  }
0x131: {  	_ =	swait.ge @!p2 [sflag:s22], $0x80  }
0x132: {  	[sflag:s22] =	ssyncset.done @!p2 $0x0  }
0x133: {  	s2 =	simm.s32 @!p2 $0x80;
	s6 =	simm.s32 @!p2 $0x4600;
	[sflag:s22] =	ssyncadd.s32 @!p2 $0xFFFFFF80  }
0x134: {  	[tilespmem:s6], [sflag:$0x2] =	stream.indirect.gather @!p2 [hbm4b:s4+s2], $0x80, s8, s2, $0xb8;
	[tilespmem:$0x1FE80] =	vst v63  }
0x135: {  	s8 =	simm.s32 @!p4 $0x1  }
0x136: {  	_ =	swait.ge @!p4 [sflag:s8], $0x4000  }
0x137: {  	[sflag:s8] =	ssyncset.done @!p4 $0x0  }
0x138: {  	[sflag:s8] =	ssyncadd.s32 @!p4 $0xFFFFC000;
	s8 =	simm.s32 @!p5 $0x6  }
0x139: {  	[spmem:s1] =	stream.indirect.scatter.add.f32 @!p4 [tilespmem:s15], [sflag:$0x4], $0x80, s31, s16, $0xb8;
	[tilespmem:$0x1FE80] =	vst v63  }
0x13a: {  	p0 =	sgt.u32 s7, $0x9C3;
	_ =	swait.ge @!p5 [sflag:s8], $0x4000  }
0x13b: {  	s7 =	sadd.s32 @!p0 s29, s21;
	s10 =	simm.s32 @!p0 $0x0;
	[sflag:s8] =	ssyncset.done @!p5 $0x0  }
0x13c: {  	s7 =	sadd.s32 @!p0 $0x1000, s7;
	[sflag:s8] =	ssyncadd.s32 @!p5 $0xFFFFC000;
	s8 =	simm.s32 @!p0 $0x100  }
0x13d: {  	[tilespmem:s8], [sflag:$0x9] =	stream.linear.gather @!p0 [hbm4b:s7+s10], $0x80, $0x38;
	[tilespmem:$0x1FE80] =	vst v63  }
0x13e: {  	s7 =	sadd.s32 @!p0 s29, s20  }
0x13f: {  	s8 =	simm.s32 @!p0 $0x400;
	s7 =	sadd.s32 @!p0 $0x1000, s7  }
0x140: {  	[tilespmem:s8], [sflag:$0x9] =	stream.linear.gather @!p0 [hbm4b:s7+s10], $0x80, $0x38;
	[tilespmem:$0x1FE80] =	vst v63  }
0x141: {  	s7 =	simm.s32 @!p3 $0xC  }
0x142: {  	_ =	swait.ge @!p3 [sflag:s7], $0x80  }
0x143: {  	[sflag:s7] =	ssyncset.done @!p3 $0x0  }
0x144: {  	[sflag:s7] =	ssyncadd.s32 @!p3 $0xFFFFFF80  }
0x145: {  	_ =	swait.ge @!p3 [sflag:s7], $0x80  }
0x146: {  	[sflag:s7] =	ssyncset.done @!p3 $0x0  }
0x147: {  	s8 =	simm.s32 @!p3 $0x80;
	[sflag:s7] =	ssyncadd.s32 @!p3 $0xFFFFFF80;
	s7 =	simm.s32 @!p3 $0x8600  }
0x148: {  	[tilespmem:s7], [sflag:$0x3] =	stream.indirect.gather @!p3 [hbm4b:s4+s8], $0x80, s9, s8, $0xb8;
	[tilespmem:$0x1FE80] =	vst v63  }
0x149: {  	s7 =	simm.s32 @!p2 $0x2  }
0x14a: {  	_ =	swait.ge @!p2 [sflag:s7], $0x4000  }
0x14b: {  	[sflag:s7] =	ssyncset.done @!p2 $0x0;
	s29 =	sld [smem:$0x7FD]  }
0x14c: {  	[sflag:s7] =	ssyncadd.s32 @!p2 $0xFFFFC000  }
0x14d: {  	[spmem:s1] =	stream.indirect.scatter.add.f32 @!p2 [tilespmem:s6], [sflag:$0x5], $0x80, s0, s2, $0xb8;
	[tilespmem:$0x1FE80] =	vst v63  }
0x14e: {  	s2 =	stileid.u32;
	p1 =	seq.s32 s29, $0x1;
	[bflag:$0x0] =	sbarrier.arrive $0xFFFF  }
0x14f: {  	s0 =	sshll.u32 @p1 s2, $0x6;
	s6 =	rddreg [dreg:$0x13]  }
0x150: {  	s7 =	rddreg [dreg:$0x18];
	s0 =	sor.u32 @p1 $0x1C0D, s0  }
0x151: {  	[hbm:s6], [sflag:s0] =	dma.local @p1 [spmem:s7], $0x2780  }
0x152: {  	s0 =	simm.s32 @p1 $0xD  }
0x153: {  	_ =	swait.ge @p1 [sflag:s0], $0x2780  }
0x154: {  	s11 =	rddreg [dreg:$0xc]  }
0x155: {  	s2 =	sshll.u32 @!p1 s2, $0x6;
	[sflag:s0] =	ssyncset.done @p1 $0x0;
	s7 =	rddreg [dreg:$0x12]  }
0x156: {  	[sflag:s0] =	ssyncadd.s32 @p1 $0xFFFFD880;
	s0 =	sor.u32 @!p1 $0x1C0D, s2;
	s2 =	sshrl.u32 @!p1 s11, $0x3  }
0x157: {  	[hbm:s7], [sflag:s0] =	dma.local @!p1 [spmem:s2], $0x2700  }
0x158: {  	s0 =	simm.s32 @!p1 $0xD  }
0x159: {  	_ =	swait.ge @!p1 [sflag:s0], $0x2700  }
0x15a: {  	s30 =	sadd.s32 $0x1, s30;
	s31 =	rddreg [dreg:$0x17]  }
0x15b: {  	p0 =	sne.s32 s30, s31  }
.Ltmp2:
0x15c: {  	_ = 	snop;
	(pc) =	sbr.rel @p0 .LBB2_1-.Ltmp2, $3  }
0x15d: {  	_ =	sdelay $0x1  }
0x15e: {  	[sflag:s0] =	ssyncset.done @!p1 $0x0  }
0x15f: {  	s6 =	stileid.u32;
	[sflag:s0] =	ssyncadd.s32 @!p1 $0xFFFFD900  }
0x160: {  	_ =	sfence.sel $0x180000  }
0x161: {  	[bflag:$0x0] =	sbarrier.arrive $0xFFFF  }
0x162: {  	_ =	strace $0x9000004A  }
0x163: {  	[bflag:$0x2] =	sbarrier.arrive $0xFFFF  }
0x164: {  	p0 =	sne.s32 s6, $0x0;
	s0 =	rddreg [dreg:$0x3]  }
0x165: {  	s0 =	sadd.s32 @!p0 $0x100000, s0  }
0x166: {  	[sflag:s0] =	ssyncadd.tile.s32 @!p0 $0x1;
	_ =	shalt  }
.Lfunc_end2:
_tile_overlayer_lowered:
.L_overlay_start_2:
0x167: {  	(tag) =	ssettag $0x2  }
0x168: {  	s0 =	rddreg [dreg:$0x0];
	s2 =	stileid.u32  }
0x169: {  	s1 =	rddreg [dreg:$0x1];
	p0 =	sne.s32 s2, $0x0  }
0x16a: {  	s3 =	rddreg [dreg:$0x2];
	[bflag:$0x3] =	sbarrier.arrive $0xFFFF;
	s2 =	simm.s32 @!p0 $0x1C0D  }
0x16b: {  	[timem:s3], [sflag:s2] =	dma.local @!p0 [hbm:s0], s1  }
0x16c: {  	s0 =	simm.s32 @!p0 $0xD  }
0x16d: {  	_ =	swait.ge @!p0 [sflag:s0], s1  }
0x16e: {  	s1 =	ssub.s32 @!p0 $0x0, s1;
	[sflag:s0] =	ssyncset.done @!p0 $0x0  }
0x16f: {  	[sflag:s0] =	ssyncadd.s32 @!p0 s1  }
0x170: {  	[bflag:$0x3] =	sbarrier.arrive $0xFFFF  }
0x171: {  	_ =	shalt  }

// kernel: kernel.8.cloned.1.call-start
scs
__scs_entry_jumppad:
0x0: {  	(pc) =	sbr.rel $0x88, $3  }
0x1: {  	(tag) =	ssettag $0x0;
	lr =	simm.s32 $0x1  }
0x2: {  	[smem:$0x3F98] =	sst lr;
	_ =	strace $0xD0000000  }
0x3: {  	_ = 	snop  }
0x4: {  	_ = 	snop  }
0x5: {  	_ = 	snop  }
0x6: {  	_ = 	snop  }
0x7: {  	_ = 	snop  }
__scs_overlays_trampoline_lowered:
0x8: {  	[smem:$0x3FA7] =	sst s0  }
0x9: {  	[smem:$0x3FA8] =	sst s1  }
0xa: {  	[smem:$0x3FA9] =	sst s2  }
0xb: {  	[smem:$0x3FAA] =	sst s3  }
0xc: {  	[smem:$0x3FAB] =	sst s4  }
0xd: {  	[smem:$0x3FAC] =	sst s5  }
0xe: {  	[smem:$0x3FAD] =	sst s6  }
0xf: {  	[smem:$0x3FAE] =	sst s7  }
0x10: {  	[smem:$0x3FAF] =	sst s8  }
0x11: {  	[smem:$0x3FB0] =	sst s9;
	s0 =	simm.s32 @!p0 $0x0  }
0x12: {  	s1 =	sld [smem:$0x3F96];
	s0 =	simm.s32 @p0 $0x1  }
0x13: {  	[smem:$0x3FB1] =	sst s0;
	s0 =	simm.s32 @!p1 $0x0  }
0x14: {  	s2 =	sld [smem:$0x3F95];
	s0 =	simm.s32 @p1 $0x1  }
0x15: {  	[smem:$0x3FB2] =	sst s0;
	s0 =	simm.s32 @!p2 $0x0  }
0x16: {  	s3 =	sld [smem:$0x3FDB];
	s0 =	simm.s32 @p2 $0x1  }
0x17: {  	s4 =	simm.s32 $0x1BF5;
	[smem:$0x3FB4] =	sst s0  }
0x18: {  	s0 =	sld [smem:$0x3F97];
	_ =	swait.ge [sflag:s4], $0x0  }
0x19: {  	s7 =	sld [smem:$0x3F98]  }
0x1a: {  	s8 =	sadd.s32 $0xFFFFE003, lr  }
0x1b: {  	s9 =	sadd.s32 $0xFFFFFEF7, lr;
	s5 =	simm.s32 $0xFFFFFFFF;
	p2 =	slt.u32 s8, $0xFFFFF086  }
0x1c: {  	p1 =	slt.u32 s9, $0xF7A;
	s5 =	simm.s32 @!p2 $0x0  }
0x1d: {  	s5 =	simm.s32 @p1 $0x1;
	p0 =	seq.s32 s7, s2  }
0x1e: {  	s7 =	smul.u32 @!p0 $0xF7A, s2;
	p2 =	seq.s32 @!p0 s5, $0x0  }
0x1f: {  	s9 =	smul.u32 $0xF7A, s1;
	s8 =	simm.s32 @!p0 $0x1BF5;
	p2 =	por !p2, p0  }
0x20: {  	[sflag:s8] =	ssyncset.s32 @!p0 $0xFFFFF086;
	s6 =	sadd.s32 @!p0 s3, s7;
	s7 =	simm.s32 @!p0 $0x108  }
0x21: {  	s3 =	sadd.s32 s3, s9;
	s6 =	sadd.s32 @!p0 $0x88, s6;
	s7 =	simm.s32 @p2 $0x1082  }
0x22: {  	[simem:s7], [sflag:s8] =	dma.local @!p0 [hbm:s6], $0xF7A  }
0x23: {  	s9 =	sor.u32 $0xD0000000, s2;
	s6 =	simm.s32 $0x108;
	_ =	swait.ge @!p0 [sflag:s8], $0x0  }
0x24: {  	s3 =	sadd.s32 $0x88, s3;
	s6 =	simm.s32 @!p1 $0x1082;
	[sflag:s4] =	ssyncset.s32 $0xFFFFF086  }
0x25: {  	[simem:s6], [sflag:s4] =	dma.local [hbm:s3], $0xF7A  }
0x26: {  	[smem:$0x3F98] =	sst s1;
	(tag) =	ssettag s2;
	_ =	strace s9  }
0x27: {  	s1 =	sld [smem:$0x3FA8]  }
0x28: {  	s2 =	sld [smem:$0x3FA9]  }
0x29: {  	s4 =	sld [smem:$0x3FAB]  }
0x2a: {  	p0 =	seq.s32 s5, $0x0;
	s5 =	sld [smem:$0x3FAC]  }
0x2b: {  	s6 =	sld [smem:$0x3FAD]  }
0x2c: {  	s7 =	sld [smem:$0x3FAE]  }
0x2d: {  	s3 =	simm.s32 $0x108;
	s8 =	sld [smem:$0x3FAF]  }
0x2e: {  	s3 =	simm.s32 @!p0 $0x1082;
	s9 =	sld [smem:$0x3FB0]  }
0x2f: {  	lr =	sadd.s32 s0, s3;
	s0 =	sld [smem:$0x3FA7]  }
0x30: {  	s3 =	sld [smem:$0x3FAA]  }
0x31: {  	[smem:$0x3FB3] =	sst s10  }
0x32: {  	s10 =	sld [smem:$0x3FB1];
	_ =	sdelay $0x3  }
0x33: {  	p0 =	seq.s32 s10, $0x1;
	s10 =	sld [smem:$0x3FB3];
	_ =	sdelay $0x3  }
0x34: {  	[smem:$0x3FB3] =	sst s10  }
0x35: {  	s10 =	sld [smem:$0x3FB2];
	_ =	sdelay $0x3  }
0x36: {  	p1 =	seq.s32 s10, $0x1;
	s10 =	sld [smem:$0x3FB3];
	_ =	sdelay $0x3  }
0x37: {  	[smem:$0x3FB3] =	sst s10  }
0x38: {  	s10 =	sld [smem:$0x3FB4]  }
0x39: {  	_ = 	snop;
	(pc) =	sbr.ind lr, $3  }
0x3a: {  	_ = 	snop  }
0x3b: {  	_ = 	snop  }
0x3c: {  	p2 =	seq.s32 s10, $0x1;
	s10 =	sld [smem:$0x3FB3]  }
0x3d: {  	_ =	shalt  }
0x3e: {  	_ =	shalt  }
0x3f: {  	_ =	shalt  }
0x40: {  	_ =	shalt  }
0x41: {  	_ =	shalt  }
0x42: {  	_ =	shalt  }
0x43: {  	_ =	shalt  }
0x44: {  	_ =	shalt  }
0x45: {  	_ =	shalt  }
0x46: {  	_ =	shalt  }
0x47: {  	_ =	shalt  }
0x48: {  	_ =	shalt  }
0x49: {  	_ =	shalt  }
0x4a: {  	_ =	shalt  }
0x4b: {  	_ =	shalt  }
0x4c: {  	_ =	shalt  }
0x4d: {  	_ =	shalt  }
0x4e: {  	_ =	shalt  }
0x4f: {  	_ =	shalt  }
0x50: {  	_ =	shalt  }
0x51: {  	_ =	shalt  }
0x52: {  	_ =	shalt  }
0x53: {  	_ =	shalt  }
0x54: {  	_ =	shalt  }
0x55: {  	_ =	shalt  }
0x56: {  	_ =	shalt  }
0x57: {  	_ =	shalt  }
0x58: {  	_ =	shalt  }
0x59: {  	_ =	shalt  }
0x5a: {  	_ =	shalt  }
0x5b: {  	_ =	shalt  }
0x5c: {  	_ =	shalt  }
0x5d: {  	_ =	shalt  }
0x5e: {  	_ =	shalt  }
0x5f: {  	_ =	shalt  }
0x60: {  	_ =	shalt  }
0x61: {  	_ =	shalt  }
0x62: {  	_ =	shalt  }
0x63: {  	_ =	shalt  }
0x64: {  	_ =	shalt  }
0x65: {  	_ =	shalt  }
0x66: {  	_ =	shalt  }
0x67: {  	_ =	shalt  }
0x68: {  	_ =	shalt  }
0x69: {  	_ =	shalt  }
0x6a: {  	_ =	shalt  }
0x6b: {  	_ =	shalt  }
0x6c: {  	_ =	shalt  }
0x6d: {  	_ =	shalt  }
0x6e: {  	_ =	shalt  }
0x6f: {  	_ =	shalt  }
0x70: {  	_ =	shalt  }
0x71: {  	_ =	shalt  }
0x72: {  	_ =	shalt  }
0x73: {  	_ =	shalt  }
0x74: {  	_ =	shalt  }
0x75: {  	_ =	shalt  }
0x76: {  	_ =	shalt  }
0x77: {  	_ =	shalt  }
0x78: {  	_ =	shalt  }
0x79: {  	_ =	shalt  }
0x7a: {  	_ =	shalt  }
0x7b: {  	_ =	shalt  }
0x7c: {  	_ =	shalt  }
0x7d: {  	_ =	shalt  }
0x7e: {  	_ =	shalt  }
0x7f: {  	_ =	shalt  }
0x80: {  	_ =	shalt  }
0x81: {  	_ =	shalt  }
0x82: {  	_ =	shalt  }
0x83: {  	_ =	shalt  }
0x84: {  	_ =	shalt  }
0x85: {  	_ =	shalt  }
0x86: {  	_ =	shalt  }
0x87: {  	_ =	shalt  }
.Lfunc_end0:
.L_simem_size_0:
called_computation_lowered:
.L_overlay_start_0:
0x88: {  	s2 =	sld [smem:$0x3FD9]  }
0x89: {  	s3 =	sld [smem:$0x3FFE];
	_ =	sdelay $0x1  }
0x8a: {  	s1 =	srdreg.scid  }
0x8b: {  	s0 =	sand.u32 $0x1, s1  }
0x8c: {  	s17 =	sshll.u32 s0, $0xA;
	s2 =	sadd.s32 s3, s2  }
0x8d: {  	s2 =	sadd.s32 s2, s17  }
0x8e: {  	[smem:$0x3FBF] =	sst s2  }
0x8f: {  	_ = 	snop  }
0x90: {  	s2 =	sld [smem:$0x3FD0];
	(tm) =	ssettm $0x1  }
0x91: {  	s18 =	sld [smem:$0x3FFB];
	_ =	sdelay $0x3  }
0x92: {  	_ =	strace s18  }
0x93: {  	s3 =	sld [smem:$0x3FFC];
	_ =	sdelay $0x3  }
0x94: {  	_ =	strace s3  }
0x95: {  	s3 =	sld [smem:$0x3FFD];
	_ =	sdelay $0x3  }
0x96: {  	_ =	strace s3  }
0x97: {  	_ =	strace $0x8FFFFFFF  }
0x98: {  	s19 =	sld [smem:$0x3FDB];
	_ =	sdelay $0x1  }
0x99: {  	s4 =	simm.s32 $_scs_section_size  }
0x9a: {  	s5 =	simm.s32 $_size__tile_overlayer_lowered;
	s6 =	simm.s32 $_tile_overlayer_lowered  }
0x9b: {  	s22 =	simm.s32 $0x1BFF;
	s21 =	sshll.u32 s6, $0x1;
	s3 =	sadd.s32 s4, s19  }
0x9c: {  	s7 =	simm.s32 $0x0;
	s20 =	sshll.u32 s5, $0x1;
	s5 =	sadd.s32 s21, s3  }
0x9d: {  	[timem:s7], [sflag:s22] =	dma.local [hbm:s5], s20  }
0x9e: {  	_ =	swait.ge [sflag:s22], s20  }
0x9f: {  	s4 =	ssub.s32 $0x0, s20;
	[sflag:s22] =	ssyncset.done $0x0  }
0xa0: {  	[sflag:s22] =	ssyncadd.s32 s4;
	_ =	sdelay $0x1  }
0xa1: {  	s23 =	simm.s32 $0x1B8B  }
0xa2: {  	_ =	swait.ge [sflag:s23], $0x1  }
0xa3: {  	[sflag:s23] =	ssyncset.done $0x0  }
0xa4: {  	s25 =	simm.s32 $0x1B8E;
	s24 =	sld [smem:$0x3FFE];
	[sflag:s23] =	ssyncadd.s32 $0xFFFFFFFF  }
0xa5: {  	s26 =	simm.s32 $execute0_lowered;
	[smem:$0x3FD2] =	sst s25  }
0xa6: {  	s5 =	sshll.u32 s26, $0x1;
	_ =	strace $0x80000046;
	[dreg:$0x1] =	wrdreg $0xFFFFFFFF  }
0xa7: {  	s28 =	simm.s32 $_size_execute0_lowered;
	s3 =	sadd.s32 s3, s5;
	[dreg:$0x0] =	wrdreg $0x0  }
0xa8: {  	s5 =	sshll.u32 s28, $0x1;
	[dreg:$0x2] =	wrdreg s3  }
0xa9: {  	[dreg:$0x3] =	wrdreg s5  }
0xaa: {  	[dreg:$0x4] =	wrdreg $0xC0  }
0xab: {  	_ =	task [dreg:s7], $0x5FFFF  }
0xac: {  	[dreg:$0x1] =	wrdreg $0xFFFFFFFF  }
0xad: {  	[dreg:$0x0] =	wrdreg $0x60  }
0xae: {  	[dreg:$0x2] =	wrdreg s24  }
0xaf: {  	[dreg:$0x3] =	wrdreg s2  }
0xb0: {  	[dreg:$0x4] =	wrdreg $0xC6000  }
0xb1: {  	[dreg:$0x5] =	wrdreg $0x9  }
0xb2: {  	_ =	task.clear_ibuf [dreg:s7], $0x6FFFF;
	_ =	strace $0x90000046  }
0xb3: {  	s29 =	simm.s32 $0x9;
	_ =	strace $0x80000048  }
0xb4: {  	_ =	swait.ge [sflag:s29], $0x1  }
0xb5: {  	[sflag:s29] =	ssyncadd.s32 $0xFFFFFFFF  }
0xb6: {  	_ =	strace $0x90000048  }
0xb7: {  	_ =	sfence  }
0xb8: {  	s30 =	sld [smem:$0x0];
	_ =	sdelay $0x2  }
0xb9: {  	s31 =	sshll.u32 s1, $0xD;
	s1 =	sshrl.u32 s1, $0x2  }
0xba: {  	s3 =	sand.u32 $0x4000, s31;
	s1 =	sadd.s32 s1, s30  }
0xbb: {  	s0 =	sor.u32 s3, s0;
	s1 =	sshll.u32 s1, $0x11  }
0xbc: {  	s0 =	sor.u32 s1, s0  }
0xbd: {  	s0 =	sadd.s32 $0x8F2B, s0  }
0xbe: {  	[sflag:s0] =	ssyncadd.remote.s32 $0x1  }
0xbf: {  	_ =	sfence.sel $0xFFFF  }
0xc0: {  	[dreg:$0x0] =	wrdreg $0xFFFFFFFF;
	(pc) =	sbr.abs _section_cstart, $3  }
0xc1: {  	[dreg:$0x1] =	wrdreg $0xFFFFFFFF  }
0xc2: {  	_ =	task.clear_ibuf [dreg:s7], $0x2FFFF;
	_ =	strace $0x9FFFFFFF  }
0xc3: {  	(tm) =	ssettm $0x7FFFFFFF  }
tec
execute0_lowered:
.L_overlay_start_1:
0x0: {  	(tag) =	ssettag $0x1  }
0x1: {  	s0 =	rddreg [dreg:$0x0]  }
0x2: {  	s6 =	rddreg [dreg:$0x1]  }
0x3: {  	s1 =	rddreg [dreg:$0x2];
	s2 =	stileid.u32  }
0x4: {  	s3 =	simm.s32 $0x0;
	s5 =	srdreg.scid;
	s13 =	smul.u32 $0x4E000, s2  }
0x5: {  	[smem:$0x7FF] =	sst s3;
	s4 =	sadd.s32 $0xBE00, s0;
	s24 =	smul.u32 $0x4F000, s2  }
0x6: {  	s7 =	sand.u32 $0x1, s5;
	s8 =	sshll.u32 s2, $0x1;
	s15 =	smul.u32 $0x13C00, s2  }
0x7: {  	s9 =	sadd.s32 $0x2000, s0;
	s0 =	sadd.s32 $0x16B800, s0;
	s17 =	smul.u32 $0x13800, s2  }
0x8: {  	p1 =	sgt.u32 s2, $0xD;
	_ =	strace $0x80000047;
	s10 =	ssub.s32 $0x2, s7  }
0x9: {  	s5 =	sor.u32 s7, s8;
	s29 =	ssub.s32 $0x9C4, s8;
	s31 =	smul.u32 $0x138800, s7  }
0xa: {  	s16 =	ssub.s32 $0x984, s8;
	s8 =	ssub.s32 $0x9A4, s8;
	[dreg:$0x4] =	wrdreg s29  }
0xb: {  	s11 =	sshrl.u32 s10, $0x1;
	s12 =	sshll.u32 s5, $0x4;
	[dreg:$0x6] =	wrdreg s16  }
0xc: {  	s22 =	sshrl.u32 s13, $0x2;
	[dreg:$0x5] =	wrdreg s8;
	s14 =	sadd.s32 s6, s12  }
0xd: {  	s19 =	sor.u32 $0x200, s12;
	s20 =	sadd.s32 s9, s12;
	[dreg:$0x7] =	wrdreg s14  }
0xe: {  	s10 =	ssub.s32 s10, s11;
	[dreg:$0x8] =	wrdreg s20;
	s21 =	sadd.s32 s6, s19  }
0xf: {  	s12 =	sor.u32 $0x400, s12;
	s11 =	sadd.s32 s9, s19;
	[dreg:$0x9] =	wrdreg s21  }
0x10: {  	s18 =	sadd.s32 s17, s31;
	s23 =	sadd.s32 s6, s12;
	[dreg:$0xa] =	wrdreg s11  }
0x11: {  	s12 =	sadd.s32 s9, s12;
	s8 =	sshrl.u32 s18, $0x3;
	[dreg:$0xb] =	wrdreg s23  }
0x12: {  	s28 =	sshrl.u32 s24, $0x2;
	[dreg:$0xd] =	wrdreg s12;
	s8 =	sadd.s32 s0, s8  }
0x13: {  	s12 =	sadd.s32 s28, s1;
	s28 =	smax.u32 s10, $0x1;
	[dreg:$0x12] =	wrdreg s8  }
0x14: {  	s7 =	sshll.u32 s7, $0x4;
	s11 =	sadd.s32 s22, s1;
	[dreg:$0x17] =	wrdreg s28  }
0x15: {  	s15 =	sadd.s32 $0xFFFFC800, s15;
	s25 =	sadd.s32 $0x4000, s11;
	[dreg:$0xc] =	wrdreg s11  }
0x16: {  	s19 =	sadd.s32 s31, s15;
	s26 =	sadd.s32 $0x8000, s11;
	[dreg:$0xe] =	wrdreg s25  }
0x17: {  	s13 =	sshrl.u32 s19, $0x3;
	s16 =	sadd.s32 $0xFFFFC800, s12;
	[dreg:$0xf] =	wrdreg s26  }
0x18: {  	s21 =	sshll.u32 s2, $0x5;
	s20 =	sadd.s32 $0x800, s12;
	[dreg:$0x10] =	wrdreg s16  }
0x19: {  	s0 =	sadd.s32 s0, s13;
	s22 =	sadd.s32 s21, s9;
	[dreg:$0x11] =	wrdreg s20  }
0x1a: {  	s23 =	sadd.s32 $0x4800, s12;
	s24 =	sadd.s32 $0x8800, s12;
	[dreg:$0x13] =	wrdreg s0  }
0x1b: {  	s29 =	sadd.s32 $0xC000, s11;
	s31 =	sadd.s32 $0x10000, s11;
	[dreg:$0x14] =	wrdreg s23  }
0x1c: {  	s0 =	sadd.s32 s21, s6;
	[dreg:$0x15] =	wrdreg s24;
	s26 =	sand.u32 $0x3FFFFC00, s15  }
0x1d: {  	[dreg:$0x19] =	wrdreg s29;
	s21 =	sadd.s32 s7, s0;
	s0 =	sadd.s32 s26, s1  }
0x1e: {  	[dreg:$0x1a] =	wrdreg s31;
	s0 =	sshrl.u32 @p1 s0, $0x3  }
0x1f: {  	s25 =	sadd.s32 $0xC800, s12;
	[dreg:$0x18] =	wrdreg s0;
	s0 =	simm.s32 @!p1 $0x0  }
0x20: {  	[dreg:$0x16] =	wrdreg s25;
	s0 =	simm.s32 @p1 $0x1  }
0x21: {  	v0 =	vimm.f32 $0.0e+00;
	s30 =	simm.s32 $0x0;
	s20 =	sadd.s32 s7, s22;
	[smem:$0x7FD] =	sst s0  }
.LBB2_1:
0x22: {  	s0 =	rddreg [dreg:$0x7]  }
0x23: {  	s19 =	rddreg [dreg:$0x8]  }
0x24: {  	[tilespmem:s3], [sflag:$0x7] =	stream.linear.gather [hbm4b:s0+s3], $0x80, $0x38;
	[tilespmem:$0x1FE80] =	vst v63  }
0x25: {  	s2 =	simm.s32 $0x300;
	s22 =	rddreg [dreg:$0x9]  }
0x26: {  	[tilespmem:s2], [sflag:$0x7] =	stream.linear.gather [hbm4b:s19+s3], $0x80, $0x38;
	[tilespmem:$0x1FE80] =	vst v63  }
0x27: {  	s23 =	simm.s32 $0x80;
	s24 =	rddreg [dreg:$0xa]  }
0x28: {  	[tilespmem:s23], [sflag:$0x8] =	stream.linear.gather [hbm4b:s22+s3], $0x80, $0x38;
	[tilespmem:$0x1FE80] =	vst v63  }
0x29: {  	s25 =	simm.s32 $0x380;
	s26 =	rddreg [dreg:$0xb]  }
0x2a: {  	[tilespmem:s25], [sflag:$0x8] =	stream.linear.gather [hbm4b:s24+s3], $0x80, $0x38;
	[tilespmem:$0x1FE80] =	vst v63  }
0x2b: {  	s28 =	simm.s32 $0x100;
	s29 =	rddreg [dreg:$0xd]  }
0x2c: {  	[tilespmem:s28], [sflag:$0x9] =	stream.linear.gather [hbm4b:s26+s3], $0x80, $0x38;
	[tilespmem:$0x1FE80] =	vst v63  }
0x2d: {  	s31 =	simm.s32 $0x400;
	s6 =	simm.s32 $0x200;
	s0 =	simm.s32 $0x0  }
0x2e: {  	[tilespmem:s31], [sflag:$0x9] =	stream.linear.gather [hbm4b:s29+s3], $0x80, $0x38;
	[tilespmem:$0x1FE80] =	vst v63  }
.LBB2_2:
0x2f: {  	p0 =	sne.s32 s6, $0xFE00;
	[tilespmem:s0+$0x670] =	vst v0  }
0x30: {  	[tilespmem:s0+$0x600] =	vst v0  }
0x31: {  	[tilespmem:s0+$0x610] =	vst v0  }
.Ltmp0:
0x32: {  	[tilespmem:s0+$0x620] =	vst v0;
	(pc) =	sbr.rel @p0 .LBB2_2-.Ltmp0, $4  }
0x33: {  	[tilespmem:s0+$0x630] =	vst v0  }
0x34: {  	[tilespmem:s0+$0x640] =	vst v0  }
0x35: {  	[tilespmem:s0+$0x650] =	vst v0  }
0x36: {  	[tilespmem:s0+$0x660] =	vst v0;
	s0 =	sshra.s32 s6, $0x2;
	s6 =	sadd.s32 $0x200, s6  }
0x37: {  	[tilespmem:s0+$0x670] =	vst v0  }
0x38: {  	[tilespmem:s0+$0x600] =	vst v0  }
0x39: {  	[tilespmem:s0+$0x610] =	vst v0  }
0x3a: {  	[tilespmem:s0+$0x620] =	vst v0  }
0x3b: {  	[tilespmem:s0+$0x630] =	vst v0  }
0x3c: {  	[tilespmem:s0+$0x640] =	vst v0  }
0x3d: {  	[tilespmem:s0+$0x650] =	vst v0  }
0x3e: {  	[tilespmem:s0+$0x660] =	vst v0;
	s0 =	simm.s32 @p1 $0x600;
	s2 =	rddreg [dreg:$0x10]  }
0x3f: {  	[spmem:s2] =	stream.linear.scatter @p1 [tilespmem:s0], [sflag:$0x4], $0x4000, $0x38;
	[tilespmem:$0x1FE80] =	vst v63  }
0x40: {  	s2 =	rddreg [dreg:$0x11]  }
0x41: {  	[spmem:s2] =	stream.linear.scatter @p1 [tilespmem:s0], [sflag:$0x4], $0x4000, $0x38;
	[tilespmem:$0x1FE80] =	vst v63  }
0x42: {  	s2 =	rddreg [dreg:$0x14]  }
0x43: {  	[spmem:s2] =	stream.linear.scatter @p1 [tilespmem:s0], [sflag:$0x4], $0x4000, $0x38;
	[tilespmem:$0x1FE80] =	vst v63  }
0x44: {  	s2 =	rddreg [dreg:$0x15]  }
0x45: {  	[spmem:s2] =	stream.linear.scatter @p1 [tilespmem:s0], [sflag:$0x4], $0x4000, $0x38;
	[tilespmem:$0x1FE80] =	vst v63  }
0x46: {  	s2 =	rddreg [dreg:$0x16]  }
0x47: {  	[spmem:s2] =	stream.linear.scatter @p1 [tilespmem:s0], [sflag:$0x4], $0x3C00, $0x38;
	[tilespmem:$0x1FE80] =	vst v63  }
0x48: {  	s0 =	simm.s32 @p1 $0x4  }
0x49: {  	_ =	swait.ge @p1 [sflag:s0], $0x4000  }
0x4a: {  	[sflag:s0] =	ssyncset.done @p1 $0x0  }
0x4b: {  	[sflag:s0] =	ssyncadd.s32 @p1 $0xFFFFC000  }
0x4c: {  	_ =	swait.ge @p1 [sflag:s0], $0x4000  }
0x4d: {  	[sflag:s0] =	ssyncset.done @p1 $0x0  }
0x4e: {  	[sflag:s0] =	ssyncadd.s32 @p1 $0xFFFFC000  }
0x4f: {  	_ =	swait.ge @p1 [sflag:s0], $0x4000  }
0x50: {  	[sflag:s0] =	ssyncset.done @p1 $0x0  }
0x51: {  	[sflag:s0] =	ssyncadd.s32 @p1 $0xFFFFC000  }
0x52: {  	_ =	swait.ge @p1 [sflag:s0], $0x4000  }
0x53: {  	[sflag:s0] =	ssyncset.done @p1 $0x0  }
0x54: {  	[sflag:s0] =	ssyncadd.s32 @p1 $0xFFFFC000  }
0x55: {  	_ =	swait.ge @p1 [sflag:s0], $0x3C00  }
0x56: {  	[sflag:s0] =	ssyncset.done @p1 $0x0  }
0x57: {  	[sflag:s0] =	ssyncadd.s32 @p1 $0xFFFFC400;
	s0 =	simm.s32 @!p1 $0x600  }
0x58: {  	[spmem:s11] =	stream.linear.scatter @!p1 [tilespmem:s0], [sflag:$0x4], $0x4000, $0x38;
	[tilespmem:$0x1FE80] =	vst v63  }
0x59: {  	s2 =	rddreg [dreg:$0xe]  }
0x5a: {  	[spmem:s2] =	stream.linear.scatter @!p1 [tilespmem:s0], [sflag:$0x4], $0x4000, $0x38;
	[tilespmem:$0x1FE80] =	vst v63  }
0x5b: {  	s2 =	rddreg [dreg:$0xf]  }
0x5c: {  	[spmem:s2] =	stream.linear.scatter @!p1 [tilespmem:s0], [sflag:$0x4], $0x4000, $0x38;
	[tilespmem:$0x1FE80] =	vst v63  }
0x5d: {  	s2 =	rddreg [dreg:$0x19]  }
0x5e: {  	[spmem:s2] =	stream.linear.scatter @!p1 [tilespmem:s0], [sflag:$0x4], $0x4000, $0x38;
	[tilespmem:$0x1FE80] =	vst v63  }
0x5f: {  	s2 =	rddreg [dreg:$0x1a]  }
0x60: {  	[spmem:s2] =	stream.linear.scatter @!p1 [tilespmem:s0], [sflag:$0x4], $0x3800, $0x38;
	[tilespmem:$0x1FE80] =	vst v63  }
0x61: {  	s0 =	simm.s32 @!p1 $0x4  }
0x62: {  	_ =	swait.ge @!p1 [sflag:s0], $0x4000  }
0x63: {  	[sflag:s0] =	ssyncset.done @!p1 $0x0  }
0x64: {  	[sflag:s0] =	ssyncadd.s32 @!p1 $0xFFFFC000  }
0x65: {  	_ =	swait.ge @!p1 [sflag:s0], $0x4000  }
0x66: {  	[sflag:s0] =	ssyncset.done @!p1 $0x0  }
0x67: {  	[sflag:s0] =	ssyncadd.s32 @!p1 $0xFFFFC000  }
0x68: {  	_ =	swait.ge @!p1 [sflag:s0], $0x4000  }
0x69: {  	[sflag:s0] =	ssyncset.done @!p1 $0x0  }
0x6a: {  	[sflag:s0] =	ssyncadd.s32 @!p1 $0xFFFFC000  }
0x6b: {  	_ =	swait.ge @!p1 [sflag:s0], $0x4000  }
0x6c: {  	[sflag:s0] =	ssyncset.done @!p1 $0x0  }
0x6d: {  	[sflag:s0] =	ssyncadd.s32 @!p1 $0xFFFFC000  }
0x6e: {  	_ =	swait.ge @!p1 [sflag:s0], $0x3800  }
0x6f: {  	s7 =	sadd.s32 $0x0, s5;
	[sflag:s0] =	ssyncset.done @!p1 $0x0  }
0x70: {  	s22 =	sadd.s32 $0x60, s7;
	[sflag:s0] =	ssyncadd.s32 @!p1 $0xFFFFC800;
	p1 =	por $0x1, $0x1  }
0x71: {  	p0 =	sgt.u32 s22, $0x9C3;
	[bflag:$0x0] =	sbarrier.arrive $0xFFFF;
	s6 =	simm.s32 @!p1 $0x4  }
0x72: {  	s8 =	simm.s32 @!p0 $0x0;
	p4 =	por p0, p0;
	_ =	swait.ge @!p1 [sflag:s6], $0x4000  }
0x73: {  	s10 =	simm.s32 @!p4 $0x180;
	s0 =	sadd.s32 @!p0 $0x0, s21;
	[sflag:s6] =	ssyncset.done @!p1 $0x0  }
0x74: {  	s0 =	sadd.s32 @!p4 $0x600, s0;
	s9 =	rddreg [dreg:$0x4];
	[sflag:s6] =	ssyncadd.s32 @!p1 $0xFFFFC000  }
0x75: {  	[tilespmem:s10], [sflag:$0xA] =	stream.linear.gather @!p4 [hbm4b:s0+s8], $0x80, $0x38;
	[tilespmem:$0x1FE80] =	vst v63  }
0x76: {  	p0 =	sle.u32 s9, $0x0;
	s0 =	sadd.s32 @!p4 $0x0, s20  }
0x77: {  	s31 =	simm.s32 @!p4 $0x480;
	s6 =	simm.s32 @!p0 $0x7;
	s0 =	sadd.s32 @!p4 $0x600, s0  }
0x78: {  	[tilespmem:s31], [sflag:$0xA] =	stream.linear.gather @!p4 [hbm4b:s0+s8], $0x80, $0x38;
	[tilespmem:$0x1FE80] =	vst v63  }
0x79: {  	_ =	swait.ge @!p0 [sflag:s6], $0x80  }
0x7a: {  	[sflag:s6] =	ssyncset.done @!p0 $0x0  }
0x7b: {  	[sflag:s6] =	ssyncadd.s32 @!p0 $0xFFFFFF80  }
0x7c: {  	s23 =	sadd.s32 $0x80, s7;
	_ =	swait.ge @!p0 [sflag:s6], $0x80  }
0x7d: {  	s9 =	simm.s32 @!p0 $0x80;
	s12 =	simm.s32 @!p0 $0x600;
	[sflag:s6] =	ssyncset.done @!p0 $0x0  }
0x7e: {  	s0 =	simm.s32 @!p0 $0x0;
	s8 =	simm.s32 @!p1 $0x3;
	[sflag:s6] =	ssyncadd.s32 @!p0 $0xFFFFFF80  }
0x7f: {  	[tilespmem:s12], [sflag:$0x1] =	stream.indirect.gather @!p0 [hbm4b:s4+s9], $0x80, s0, s9, $0xb8;
	[tilespmem:$0x1FE80] =	vst v63  }
0x80: {  	p2 =	sgt.u32 s23, $0x9C3;
	_ =	swait.ge @!p1 [sflag:s8], $0x4000  }
0x81: {  	s13 =	simm.s32 @!p1 $0x580;
	s14 =	simm.s32 @!p1 $0x5;
	[sflag:s8] =	ssyncset.done @!p1 $0x0  }
0x82: {  	s6 =	simm.s32 @!p1 $0x80;
	s0 =	simm.s32 @!p1 $0x8600;
	[sflag:s8] =	ssyncadd.s32 @!p1 $0xFFFFC000  }
0x83: {  	[spmem:s1] =	stream.indirect.scatter.add.f32 @!p1 [tilespmem:s0], [sflag:$0x6], $0x80, s13, s6, $0xb8;
	[tilespmem:$0x1FE80] =	vst v63  }
0x84: {  	s8 =	simm.s32 @!p2 $0x200;
	s0 =	sadd.s32 @!p2 $0x0, s20;
	_ =	swait.ge @!p1 [sflag:s14], $0x4000  }
0x85: {  	s6 =	simm.s32 @!p2 $0x0;
	s13 =	sadd.s32 @!p2 $0x0, s21;
	[sflag:s14] =	ssyncset.done @!p1 $0x0  }
0x86: {  	s13 =	sadd.s32 @!p2 $0x800, s13;
	s15 =	rddreg [dreg:$0x5];
	[sflag:s14] =	ssyncadd.s32 @!p1 $0xFFFFC000  }
0x87: {  	[tilespmem:s8], [sflag:$0xB] =	stream.linear.gather @!p2 [hbm4b:s13+s6], $0x80, $0x38;
	[tilespmem:$0x1FE80] =	vst v63  }
0x88: {  	p6 =	sle.u32 s15, $0x0;
	s13 =	sadd.s32 @!p2 $0x800, s0;
	s0 =	simm.s32 @!p2 $0x500  }
0x89: {  	[tilespmem:s0], [sflag:$0xB] =	stream.linear.gather @!p2 [hbm4b:s13+s6], $0x80, $0x38;
	[tilespmem:$0x1FE80] =	vst v63  }
0x8a: {  	s6 =	simm.s32 @!p6 $0x8  }
0x8b: {  	_ =	swait.ge @!p6 [sflag:s6], $0x80  }
0x8c: {  	[sflag:s6] =	ssyncset.done @!p6 $0x0  }
0x8d: {  	[sflag:s6] =	ssyncadd.s32 @!p6 $0xFFFFFF80  }
0x8e: {  	_ =	swait.ge @!p6 [sflag:s6], $0x80  }
0x8f: {  	s14 =	simm.s32 @!p6 $0x80;
	[sflag:s6] =	ssyncset.done @!p6 $0x0  }
0x90: {  	s15 =	simm.s32 @!p6 $0x4600;
	s13 =	simm.s32 @!p0 $0x1;
	[sflag:s6] =	ssyncadd.s32 @!p6 $0xFFFFFF80  }
0x91: {  	[tilespmem:s15], [sflag:$0x2] =	stream.indirect.gather @!p6 [hbm4b:s4+s14], $0x80, s14, s14, $0xb8;
	[tilespmem:$0x1FE80] =	vst v63  }
0x92: {  	s24 =	sadd.s32 $0xA0, s7;
	_ =	swait.ge @!p0 [sflag:s13], $0x4000  }
0x93: {  	p3 =	sgt.u32 s24, $0x9C3;
	[sflag:s13] =	ssyncset.done @!p0 $0x0  }
0x94: {  	s16 =	simm.s32 @!p1 $0x6;
	s6 =	simm.s32 @!p0 $0x300;
	[sflag:s13] =	ssyncadd.s32 @!p0 $0xFFFFC000  }
0x95: {  	[spmem:s1] =	stream.indirect.scatter.add.f32 @!p0 [tilespmem:s12], [sflag:$0x4], $0x80, s6, s9, $0xb8;
	[tilespmem:$0x1FE80] =	vst v63  }
0x96: {  	s17 =	simm.s32 @!p3 $0x0;
	s6 =	sadd.s32 @!p3 $0x0, s21;
	_ =	swait.ge @!p1 [sflag:s16], $0x4000  }
0x97: {  	s12 =	sadd.s32 @!p3 $0x0, s20;
	s9 =	simm.s32 @!p3 $0x280;
	[sflag:s16] =	ssyncset.done @!p1 $0x0  }
0x98: {  	s6 =	sadd.s32 @!p3 $0xA00, s6;
	s25 =	rddreg [dreg:$0x6];
	[sflag:s16] =	ssyncadd.s32 @!p1 $0xFFFFC000  }
0x99: {  	[tilespmem:s9], [sflag:$0xC] =	stream.linear.gather @!p3 [hbm4b:s6+s17], $0x80, $0x38;
	[tilespmem:$0x1FE80] =	vst v63  }
0x9a: {  	p5 =	sle.u32 s25, $0x0;
	s6 =	sadd.s32 @!p3 $0xA00, s12;
	s12 =	simm.s32 @!p3 $0x580  }
0x9b: {  	[tilespmem:s12], [sflag:$0xC] =	stream.linear.gather @!p3 [hbm4b:s6+s17], $0x80, $0x38;
	[tilespmem:$0x1FE80] =	vst v63  }
0x9c: {  	s6 =	simm.s32 @!p5 $0x9  }
0x9d: {  	_ =	swait.ge @!p5 [sflag:s6], $0x80  }
0x9e: {  	[sflag:s6] =	ssyncset.done @!p5 $0x0  }
0x9f: {  	[sflag:s6] =	ssyncadd.s32 @!p5 $0xFFFFFF80  }
0xa0: {  	_ =	swait.ge @!p5 [sflag:s6], $0x80  }
0xa1: {  	s16 =	simm.s32 @!p6 $0x2;
	s13 =	simm.s32 @!p5 $0x8600;
	[sflag:s6] =	ssyncset.done @!p5 $0x0  }
0xa2: {  	s17 =	simm.s32 @!p5 $0x80;
	s12 =	simm.s32 @!p5 $0x100;
	[sflag:s6] =	ssyncadd.s32 @!p5 $0xFFFFFF80  }
0xa3: {  	[tilespmem:s13], [sflag:$0x3] =	stream.indirect.gather @!p5 [hbm4b:s4+s17], $0x80, s12, s17, $0xb8;
	[tilespmem:$0x1FE80] =	vst v63  }
0xa4: {  	_ =	swait.ge @!p6 [sflag:s16], $0x4000  }
0xa5: {  	s26 =	sadd.s32 $0xC0, s7;
	[sflag:s16] =	ssyncset.done @!p6 $0x0  }
0xa6: {  	s6 =	simm.s32 @!p6 $0x380;
	s12 =	simm.s32 @!p0 $0x4;
	[sflag:s16] =	ssyncadd.s32 @!p6 $0xFFFFC000  }
0xa7: {  	[spmem:s1] =	stream.indirect.scatter.add.f32 @!p6 [tilespmem:s15], [sflag:$0x5], $0x80, s6, s14, $0xb8;
	[tilespmem:$0x1FE80] =	vst v63  }
0xa8: {  	s29 =	simm.s32 $0x0;
	p1 =	sgt.u32 s26, $0x9C3;
	_ =	swait.ge @!p0 [sflag:s12], $0x4000  }
0xa9: {  	s6 =	sadd.s32 @!p1 $0x0, s21;
	s14 =	simm.s32 @!p1 $0x0;
	[sflag:s12] =	ssyncset.done @!p0 $0x0  }
0xaa: {  	s6 =	sadd.s32 @!p1 $0xC00, s6;
	[sflag:s12] =	ssyncadd.s32 @!p0 $0xFFFFC000;
	s12 =	sadd.s32 @!p1 $0x0, s20  }
0xab: {  	[tilespmem:s14], [sflag:$0x7] =	stream.linear.gather @!p1 [hbm4b:s6+s14], $0x80, $0x38;
	[tilespmem:$0x1FE80] =	vst v63  }
0xac: {  	s22 =	simm.s32 @!p4 $0xA;
	s6 =	sadd.s32 @!p1 $0xC00, s12;
	s12 =	simm.s32 @!p1 $0x300  }
0xad: {  	[tilespmem:s12], [sflag:$0x7] =	stream.linear.gather @!p1 [hbm4b:s6+s14], $0x80, $0x38;
	[tilespmem:$0x1FE80] =	vst v63  }
0xae: {  	s28 =	sadd.s32 $0xE0, s7;
	s7 =	sadd.s32 $0x100, s7;
	_ =	swait.ge @!p4 [sflag:s22], $0x80  }
0xaf: {  	s18 =	simm.s32 @!p6 $0x5;
	s19 =	simm.s32 @!p5 $0x400;
	[sflag:s22] =	ssyncset.done @!p4 $0x0  }
0xb0: {  	s16 =	simm.s32 @!p4 $0x80;
	p0 =	sgt.u32 s28, $0x9C3;
	[sflag:s22] =	ssyncadd.s32 @!p4 $0xFFFFFF80  }
0xb1: {  	s15 =	simm.s32 @!p4 $0x600;
	s23 =	sadd.s32 @!p0 $0x0, s21;
	_ =	swait.ge @!p4 [sflag:s22], $0x80  }
0xb2: {  	s24 =	simm.s32 @!p0 $0x80;
	s26 =	simm.s32 @!p0 $0x380;
	[sflag:s22] =	ssyncset.done @!p4 $0x0  }
0xb3: {  	s23 =	sadd.s32 @!p0 $0xE00, s23;
	s14 =	simm.s32 @!p5 $0x3;
	[sflag:s22] =	ssyncadd.s32 @!p4 $0xFFFFFF80  }
0xb4: {  	[tilespmem:s15], [sflag:$0x1] =	stream.indirect.gather @!p4 [hbm4b:s4+s16], $0x80, s10, s16, $0xb8;
	[tilespmem:$0x1FE80] =	vst v63  }
0xb5: {  	s6 =	simm.s32 $0xC00;
	s12 =	simm.s32 @!p0 $0x0;
	_ =	swait.ge @!p5 [sflag:s14], $0x4000  }
0xb6: {  	s22 =	simm.s32 @!p2 $0xB;
	s10 =	sadd.s32 @!p0 $0x0, s20;
	[sflag:s14] =	ssyncset.done @!p5 $0x0  }
0xb7: {  	s25 =	sadd.s32 @!p0 $0xE00, s10;
	s10 =	simm.s32 $0xC0;
	[sflag:s14] =	ssyncadd.s32 @!p5 $0xFFFFC000  }
.LBB2_4:
0xb8: {  	[spmem:s1] =	stream.indirect.scatter.add.f32 @!p5 [tilespmem:s13], [sflag:$0x6], $0x80, s19, s17, $0xb8;
	[tilespmem:$0x1FE80] =	vst v63  }
0xb9: {  	s28 =	smov.u32 s6;
	_ =	swait.ge @!p6 [sflag:s18], $0x4000  }
0xba: {  	s6 =	sadd.s32 $0xC00, s6;
	p1 =	sgt.u32 s7, $0x9C3;
	[sflag:s18] =	ssyncset.done @!p6 $0x0  }
0xbb: {  	s7 =	sadd.s32 @!p1 s29, s20;
	[sflag:s18] =	ssyncadd.s32 @!p6 $0xFFFFC000;
	p6 =	sne.s32 s6, $0xA800  }
0xbc: {  	[tilespmem:s24], [sflag:$0x8] =	stream.linear.gather @!p0 [hbm4b:s23+s12], $0x80, $0x38;
	[tilespmem:$0x1FE80] =	vst v63  }
0xbd: {  	s2 =	sadd.s32 @!p1 $0x1000, s7;
	s7 =	simm.s32 @!p6 $0x0  }
0xbe: {  	s7 =	simm.s32 @p6 $0x1  }
0xbf: {  	[smem:$0x7FC] =	sst s7  }
0xc0: {  	[tilespmem:s26], [sflag:$0x8] =	stream.linear.gather @!p0 [hbm4b:s25+s12], $0x80, $0x38;
	[tilespmem:$0x1FE80] =	vst v63  }
0xc1: {  	_ =	swait.ge @!p2 [sflag:s22], $0x80  }
0xc2: {  	[sflag:s22] =	ssyncset.done @!p2 $0x0  }
0xc3: {  	[sflag:s22] =	ssyncadd.s32 @!p2 $0xFFFFFF80  }
0xc4: {  	_ =	swait.ge @!p2 [sflag:s22], $0x80  }
0xc5: {  	s14 =	simm.s32 @!p2 $0x80;
	[sflag:s22] =	ssyncset.done @!p2 $0x0  }
0xc6: {  	s19 =	simm.s32 @!p2 $0x4600;
	s23 =	simm.s32 @!p4 $0x1;
	[sflag:s22] =	ssyncadd.s32 @!p2 $0xFFFFFF80  }
0xc7: {  	[tilespmem:s19], [sflag:$0x2] =	stream.indirect.gather @!p2 [hbm4b:s4+s14], $0x80, s8, s14, $0xb8;
	[tilespmem:$0x1FE80] =	vst v63  }
0xc8: {  	_ =	swait.ge @!p4 [sflag:s23], $0x4000  }
0xc9: {  	[sflag:s23] =	ssyncset.done @!p4 $0x0  }
0xca: {  	s13 =	sadd.s32 s10, s5;
	s8 =	simm.s32 @!p5 $0x6;
	[sflag:s23] =	ssyncadd.s32 @!p4 $0xFFFFC000  }
0xcb: {  	[spmem:s1] =	stream.indirect.scatter.add.f32 @!p4 [tilespmem:s15], [sflag:$0x4], $0x80, s31, s16, $0xb8;
	[tilespmem:$0x1FE80] =	vst v63  }
0xcc: {  	s11 =	sadd.s32 $0x60, s13;
	_ =	swait.ge @!p5 [sflag:s8], $0x4000  }
0xcd: {  	s24 =	sadd.s32 @!p1 s29, s21;
	s25 =	simm.s32 @!p1 $0x100;
	[sflag:s8] =	ssyncset.done @!p5 $0x0  }
0xce: {  	s22 =	sadd.s32 @!p1 $0x1000, s24;
	s24 =	simm.s32 @!p1 $0x0;
	[sflag:s8] =	ssyncadd.s32 @!p5 $0xFFFFC000  }
0xcf: {  	[tilespmem:s25], [sflag:$0x9] =	stream.linear.gather @!p1 [hbm4b:s22+s24], $0x80, $0x38;
	[tilespmem:$0x1FE80] =	vst v63  }
0xd0: {  	p6 =	sgt.u32 s11, $0x9C3;
	s11 =	simm.s32 @!p1 $0x400;
	s26 =	simm.s32 @!p3 $0xC  }
0xd1: {  	[tilespmem:s11], [sflag:$0x9] =	stream.linear.gather @!p1 [hbm4b:s2+s24], $0x80, $0x38;
	[tilespmem:$0x1FE80] =	vst v63  }
0xd2: {  	_ =	swait.ge @!p3 [sflag:s26], $0x80  }
0xd3: {  	[sflag:s26] =	ssyncset.done @!p3 $0x0  }
0xd4: {  	[sflag:s26] =	ssyncadd.s32 @!p3 $0xFFFFFF80  }
0xd5: {  	_ =	swait.ge @!p3 [sflag:s26], $0x80  }
0xd6: {  	s22 =	simm.s32 @!p3 $0x8600;
	[sflag:s26] =	ssyncset.done @!p3 $0x0  }
0xd7: {  	s2 =	simm.s32 @!p2 $0x2;
	s11 =	simm.s32 @!p3 $0x80;
	[sflag:s26] =	ssyncadd.s32 @!p3 $0xFFFFFF80  }
0xd8: {  	[tilespmem:s22], [sflag:$0x3] =	stream.indirect.gather @!p3 [hbm4b:s4+s11], $0x80, s9, s11, $0xb8;
	[tilespmem:$0x1FE80] =	vst v63  }
0xd9: {  	p0 =	seq.s32 s28, $0x0;
	_ =	swait.ge @!p2 [sflag:s2], $0x4000  }
0xda: {  	s29 =	smov.u32 s28;
	s18 =	simm.s32 @!p0 $0x4;
	[sflag:s2] =	ssyncset.done @!p2 $0x0  }
0xdb: {  	s15 =	sadd.s32 @!p6 s29, s21;
	p4 =	por p6, p6;
	[sflag:s2] =	ssyncadd.s32 @!p2 $0xFFFFC000  }
0xdc: {  	[spmem:s1] =	stream.indirect.scatter.add.f32 @!p2 [tilespmem:s19], [sflag:$0x5], $0x80, s0, s14, $0xb8;
	[tilespmem:$0x1FE80] =	vst v63  }
0xdd: {  	s16 =	simm.s32 @!p6 $0x0;
	s15 =	sadd.s32 @!p4 $0x600, s15;
	_ =	swait.ge @!p0 [sflag:s18], $0x4000  }
0xde: {  	s23 =	sadd.s32 @!p4 s29, s20;
	[sflag:s18] =	ssyncset.done @!p0 $0x0;
	s26 =	rddreg [dreg:$0x4]  }
0xdf: {  	s14 =	simm.s32 @!p4 $0x180;
	[sflag:s18] =	ssyncadd.s32 @!p0 $0xFFFFC000;
	p1 =	sge.u32 s10, s26  }
0xe0: {  	[tilespmem:s14], [sflag:$0xA] =	stream.linear.gather @!p4 [hbm4b:s15+s16], $0x80, $0x38;
	[tilespmem:$0x1FE80] =	vst v63  }
0xe1: {  	s31 =	simm.s32 @!p4 $0x480;
	s8 =	sadd.s32 @!p4 $0x600, s23;
	s0 =	simm.s32 @!p1 $0x7  }
0xe2: {  	[tilespmem:s31], [sflag:$0xA] =	stream.linear.gather @!p4 [hbm4b:s8+s16], $0x80, $0x38;
	[tilespmem:$0x1FE80] =	vst v63  }
0xe3: {  	_ =	swait.ge @!p1 [sflag:s0], $0x80  }
0xe4: {  	s17 =	sadd.s32 $0x80, s13;
	[sflag:s0] =	ssyncset.done @!p1 $0x0  }
0xe5: {  	s28 =	sadd.s32 $0xA0, s13;
	s9 =	simm.s32 @!p0 $0x80;
	[sflag:s0] =	ssyncadd.s32 @!p1 $0xFFFFFF80  }
0xe6: {  	s11 =	simm.s32 @!p0 $0x580;
	p3 =	sgt.u32 s28, $0x9C3;
	_ =	swait.ge @!p1 [sflag:s0], $0x80  }
0xe7: {  	s18 =	simm.s32 @!p0 $0x3;
	s15 =	simm.s32 @!p1 $0x80;
	[sflag:s0] =	ssyncset.done @!p1 $0x0  }
0xe8: {  	s2 =	simm.s32 @!p1 $0x0;
	s16 =	simm.s32 @!p1 $0x600;
	[sflag:s0] =	ssyncadd.s32 @!p1 $0xFFFFFF80  }
0xe9: {  	[tilespmem:s16], [sflag:$0x1] =	stream.indirect.gather @!p1 [hbm4b:s4+s15], $0x80, s2, s15, $0xb8;
	[tilespmem:$0x1FE80] =	vst v63  }
0xea: {  	p2 =	sgt.u32 s17, $0x9C3;
	s17 =	simm.s32 @!p0 $0x8600;
	_ =	swait.ge @!p0 [sflag:s18], $0x4000  }
0xeb: {  	s22 =	sadd.s32 @!p2 s29, s20;
	s23 =	simm.s32 @!p2 $0x0;
	[sflag:s18] =	ssyncset.done @!p0 $0x0  }
0xec: {  	s19 =	sadd.s32 @!p2 s29, s21;
	s0 =	simm.s32 @!p0 $0x5;
	[sflag:s18] =	ssyncadd.s32 @!p0 $0xFFFFC000  }
0xed: {  	[spmem:s1] =	stream.indirect.scatter.add.f32 @!p0 [tilespmem:s17], [sflag:$0x6], $0x80, s11, s9, $0xb8;
	[tilespmem:$0x1FE80] =	vst v63  }
0xee: {  	s2 =	sadd.s32 @!p2 $0x800, s22;
	s22 =	sadd.s32 @!p3 s29, s20;
	_ =	swait.ge @!p0 [sflag:s0], $0x4000  }
0xef: {  	s8 =	simm.s32 @!p2 $0x200;
	s17 =	sadd.s32 @!p3 $0xA00, s22;
	[sflag:s0] =	ssyncset.done @!p0 $0x0  }
0xf0: {  	s9 =	sadd.s32 @!p2 $0x800, s19;
	s22 =	rddreg [dreg:$0x5];
	[sflag:s0] =	ssyncadd.s32 @!p0 $0xFFFFC000  }
0xf1: {  	[tilespmem:s8], [sflag:$0xB] =	stream.linear.gather @!p2 [hbm4b:s9+s23], $0x80, $0x38;
	[tilespmem:$0x1FE80] =	vst v63  }
0xf2: {  	s0 =	simm.s32 @!p2 $0x500;
	p6 =	sge.u32 s10, s22  }
0xf3: {  	[tilespmem:s0], [sflag:$0xB] =	stream.linear.gather @!p2 [hbm4b:s2+s23], $0x80, $0x38;
	[tilespmem:$0x1FE80] =	vst v63  }
0xf4: {  	s2 =	simm.s32 @!p6 $0x8  }
0xf5: {  	_ =	swait.ge @!p6 [sflag:s2], $0x80  }
0xf6: {  	[sflag:s2] =	ssyncset.done @!p6 $0x0  }
0xf7: {  	[sflag:s2] =	ssyncadd.s32 @!p6 $0xFFFFFF80  }
0xf8: {  	s18 =	sadd.s32 @!p3 s29, s21;
	_ =	swait.ge @!p6 [sflag:s2], $0x80  }
0xf9: {  	s24 =	simm.s32 @!p1 $0x1;
	s11 =	sadd.s32 @!p3 $0xA00, s18;
	[sflag:s2] =	ssyncset.done @!p6 $0x0  }
0xfa: {  	s18 =	simm.s32 @!p6 $0x80;
	s19 =	simm.s32 @!p6 $0x4600;
	[sflag:s2] =	ssyncadd.s32 @!p6 $0xFFFFFF80  }
0xfb: {  	[tilespmem:s19], [sflag:$0x2] =	stream.indirect.gather @!p6 [hbm4b:s4+s18], $0x80, s18, s18, $0xb8;
	[tilespmem:$0x1FE80] =	vst v63  }
0xfc: {  	_ =	swait.ge @!p1 [sflag:s24], $0x4000  }
0xfd: {  	[sflag:s24] =	ssyncset.done @!p1 $0x0  }
0xfe: {  	s22 =	simm.s32 @!p1 $0x300;
	s23 =	simm.s32 @!p0 $0x6;
	[sflag:s24] =	ssyncadd.s32 @!p1 $0xFFFFC000  }
0xff: {  	[spmem:s1] =	stream.indirect.scatter.add.f32 @!p1 [tilespmem:s16], [sflag:$0x4], $0x80, s22, s15, $0xb8;
	[tilespmem:$0x1FE80] =	vst v63  }
0x100: {  	_ =	swait.ge @!p0 [sflag:s23], $0x4000  }
0x101: {  	s9 =	simm.s32 @!p3 $0x280;
	[sflag:s23] =	ssyncset.done @!p0 $0x0  }
0x102: {  	s2 =	simm.s32 @!p3 $0x0;
	s24 =	rddreg [dreg:$0x6];
	[sflag:s23] =	ssyncadd.s32 @!p0 $0xFFFFC000  }
0x103: {  	[tilespmem:s9], [sflag:$0xC] =	stream.linear.gather @!p3 [hbm4b:s11+s2], $0x80, $0x38;
	[tilespmem:$0x1FE80] =	vst v63  }
0x104: {  	s25 =	simm.s32 @!p3 $0x580;
	p5 =	sge.u32 s10, s24  }
0x105: {  	[tilespmem:s25], [sflag:$0xC] =	stream.linear.gather @!p3 [hbm4b:s17+s2], $0x80, $0x38;
	[tilespmem:$0x1FE80] =	vst v63  }
0x106: {  	s2 =	simm.s32 @!p5 $0x9  }
0x107: {  	_ =	swait.ge @!p5 [sflag:s2], $0x80  }
0x108: {  	[sflag:s2] =	ssyncset.done @!p5 $0x0  }
0x109: {  	s12 =	sadd.s32 $0xE0, s13;
	[sflag:s2] =	ssyncadd.s32 @!p5 $0xFFFFFF80  }
0x10a: {  	s7 =	sadd.s32 $0x100, s13;
	s26 =	sadd.s32 $0xC0, s13;
	_ =	swait.ge @!p5 [sflag:s2], $0x80  }
0x10b: {  	s23 =	simm.s32 @!p6 $0x2;
	s13 =	simm.s32 @!p5 $0x8600;
	[sflag:s2] =	ssyncset.done @!p5 $0x0  }
0x10c: {  	s22 =	simm.s32 @!p5 $0x100;
	s17 =	simm.s32 @!p5 $0x80;
	[sflag:s2] =	ssyncadd.s32 @!p5 $0xFFFFFF80  }
0x10d: {  	[tilespmem:s13], [sflag:$0x3] =	stream.indirect.gather @!p5 [hbm4b:s4+s17], $0x80, s22, s17, $0xb8;
	[tilespmem:$0x1FE80] =	vst v63  }
0x10e: {  	_ =	swait.ge @!p6 [sflag:s23], $0x4000  }
0x10f: {  	[sflag:s23] =	ssyncset.done @!p6 $0x0  }
0x110: {  	s16 =	simm.s32 @!p1 $0x4;
	s11 =	simm.s32 @!p6 $0x380;
	[sflag:s23] =	ssyncadd.s32 @!p6 $0xFFFFC000  }
0x111: {  	[spmem:s1] =	stream.indirect.scatter.add.f32 @!p6 [tilespmem:s19], [sflag:$0x5], $0x80, s11, s18, $0xb8;
	[tilespmem:$0x1FE80] =	vst v63  }
0x112: {  	p0 =	sgt.u32 s26, $0x9C3;
	_ =	swait.ge @!p1 [sflag:s16], $0x4000  }
0x113: {  	s15 =	sadd.s32 @!p0 s29, s21;
	s24 =	sadd.s32 @!p0 s29, s20;
	[sflag:s16] =	ssyncset.done @!p1 $0x0  }
0x114: {  	s25 =	simm.s32 @!p0 $0x0;
	s2 =	sadd.s32 @!p0 $0xC00, s15;
	[sflag:s16] =	ssyncadd.s32 @!p1 $0xFFFFC000  }
0x115: {  	[tilespmem:s25], [sflag:$0x7] =	stream.linear.gather @!p0 [hbm4b:s2+s25], $0x80, $0x38;
	[tilespmem:$0x1FE80] =	vst v63  }
0x116: {  	s22 =	sadd.s32 @!p0 $0xC00, s24;
	s24 =	simm.s32 @!p4 $0xA;
	s11 =	simm.s32 @!p0 $0x300  }
0x117: {  	[tilespmem:s11], [sflag:$0x7] =	stream.linear.gather @!p0 [hbm4b:s22+s25], $0x80, $0x38;
	[tilespmem:$0x1FE80] =	vst v63  }
0x118: {  	_ =	swait.ge @!p4 [sflag:s24], $0x80  }
0x119: {  	[sflag:s24] =	ssyncset.done @!p4 $0x0  }
0x11a: {  	[sflag:s24] =	ssyncadd.s32 @!p4 $0xFFFFFF80  }
0x11b: {  	_ =	swait.ge @!p4 [sflag:s24], $0x80  }
0x11c: {  	s15 =	simm.s32 @!p4 $0x600;
	[sflag:s24] =	ssyncset.done @!p4 $0x0  }
0x11d: {  	s16 =	simm.s32 @!p4 $0x80;
	s2 =	simm.s32 @!p5 $0x3;
	[sflag:s24] =	ssyncadd.s32 @!p4 $0xFFFFFF80  }
0x11e: {  	[tilespmem:s15], [sflag:$0x1] =	stream.indirect.gather @!p4 [hbm4b:s4+s16], $0x80, s14, s16, $0xb8;
	[tilespmem:$0x1FE80] =	vst v63  }
0x11f: {  	_ =	swait.ge @!p5 [sflag:s2], $0x4000  }
0x120: {  	s28 =	sld [smem:$0x7FC];
	_ =	sdelay $0x2  }
0x121: {  	p1 =	seq.s32 s28, $0x1  }
.Ltmp1:
0x122: {  	s10 =	sadd.s32 $0xC0, s10;
	s19 =	simm.s32 @!p5 $0x400;
	(pc) =	sbr.rel @p1 .LBB2_4-.Ltmp1, $4  }
0x123: {  	s18 =	simm.s32 @!p6 $0x5;
	p0 =	sgt.u32 s12, $0x9C3;
	s22 =	simm.s32 @!p2 $0xB  }
0x124: {  	s11 =	sadd.s32 @!p0 s29, s21;
	s12 =	simm.s32 @!p0 $0x0;
	s26 =	simm.s32 @!p0 $0x380  }
0x125: {  	s23 =	sadd.s32 @!p0 $0xE00, s11;
	s11 =	sadd.s32 @!p0 s29, s20;
	[sflag:s2] =	ssyncset.done @!p5 $0x0  }
0x126: {  	s25 =	sadd.s32 @!p0 $0xE00, s11;
	s24 =	simm.s32 @!p0 $0x80;
	[sflag:s2] =	ssyncadd.s32 @!p5 $0xFFFFC000  }
0x127: {  	[spmem:s1] =	stream.indirect.scatter.add.f32 @!p5 [tilespmem:s13], [sflag:$0x6], $0x80, s19, s17, $0xb8;
	[tilespmem:$0x1FE80] =	vst v63  }
0x128: {  	_ =	swait.ge @!p6 [sflag:s18], $0x4000  }
0x129: {  	[sflag:s18] =	ssyncset.done @!p6 $0x0  }
0x12a: {  	[sflag:s18] =	ssyncadd.s32 @!p6 $0xFFFFC000  }
0x12b: {  	[tilespmem:s24], [sflag:$0x8] =	stream.linear.gather @!p0 [hbm4b:s23+s12], $0x80, $0x38;
	[tilespmem:$0x1FE80] =	vst v63  }
0x12c: {  	_ = 	snop  }
0x12d: {  	[tilespmem:s26], [sflag:$0x8] =	stream.linear.gather @!p0 [hbm4b:s25+s12], $0x80, $0x38;
	[tilespmem:$0x1FE80] =	vst v63  }
0x12e: {  	_ =	swait.ge @!p2 [sflag:s22], $0x80  }
0x12f: {  	[sflag:s22] =	ssyncset.done @!p2 $0x0  }
0x130: {  	[sflag:s22] =	ssyncadd.s32 @!p2 $0xFFFFFF80  }
0x131: {  	_ =	swait.ge @!p2 [sflag:s22], $0x80  }
0x132: {  	[sflag:s22] =	ssyncset.done @!p2 $0x0  }
0x133: {  	s2 =	simm.s32 @!p2 $0x80;
	s6 =	simm.s32 @!p2 $0x4600;
	[sflag:s22] =	ssyncadd.s32 @!p2 $0xFFFFFF80  }
0x134: {  	[tilespmem:s6], [sflag:$0x2] =	stream.indirect.gather @!p2 [hbm4b:s4+s2], $0x80, s8, s2, $0xb8;
	[tilespmem:$0x1FE80] =	vst v63  }
0x135: {  	s8 =	simm.s32 @!p4 $0x1  }
0x136: {  	_ =	swait.ge @!p4 [sflag:s8], $0x4000  }
0x137: {  	[sflag:s8] =	ssyncset.done @!p4 $0x0  }
0x138: {  	[sflag:s8] =	ssyncadd.s32 @!p4 $0xFFFFC000;
	s8 =	simm.s32 @!p5 $0x6  }
0x139: {  	[spmem:s1] =	stream.indirect.scatter.add.f32 @!p4 [tilespmem:s15], [sflag:$0x4], $0x80, s31, s16, $0xb8;
	[tilespmem:$0x1FE80] =	vst v63  }
0x13a: {  	p0 =	sgt.u32 s7, $0x9C3;
	_ =	swait.ge @!p5 [sflag:s8], $0x4000  }
0x13b: {  	s7 =	sadd.s32 @!p0 s29, s21;
	s10 =	simm.s32 @!p0 $0x0;
	[sflag:s8] =	ssyncset.done @!p5 $0x0  }
0x13c: {  	s7 =	sadd.s32 @!p0 $0x1000, s7;
	[sflag:s8] =	ssyncadd.s32 @!p5 $0xFFFFC000;
	s8 =	simm.s32 @!p0 $0x100  }
0x13d: {  	[tilespmem:s8], [sflag:$0x9] =	stream.linear.gather @!p0 [hbm4b:s7+s10], $0x80, $0x38;
	[tilespmem:$0x1FE80] =	vst v63  }
0x13e: {  	s7 =	sadd.s32 @!p0 s29, s20  }
0x13f: {  	s8 =	simm.s32 @!p0 $0x400;
	s7 =	sadd.s32 @!p0 $0x1000, s7  }
0x140: {  	[tilespmem:s8], [sflag:$0x9] =	stream.linear.gather @!p0 [hbm4b:s7+s10], $0x80, $0x38;
	[tilespmem:$0x1FE80] =	vst v63  }
0x141: {  	s7 =	simm.s32 @!p3 $0xC  }
0x142: {  	_ =	swait.ge @!p3 [sflag:s7], $0x80  }
0x143: {  	[sflag:s7] =	ssyncset.done @!p3 $0x0  }
0x144: {  	[sflag:s7] =	ssyncadd.s32 @!p3 $0xFFFFFF80  }
0x145: {  	_ =	swait.ge @!p3 [sflag:s7], $0x80  }
0x146: {  	[sflag:s7] =	ssyncset.done @!p3 $0x0  }
0x147: {  	s8 =	simm.s32 @!p3 $0x80;
	[sflag:s7] =	ssyncadd.s32 @!p3 $0xFFFFFF80;
	s7 =	simm.s32 @!p3 $0x8600  }
0x148: {  	[tilespmem:s7], [sflag:$0x3] =	stream.indirect.gather @!p3 [hbm4b:s4+s8], $0x80, s9, s8, $0xb8;
	[tilespmem:$0x1FE80] =	vst v63  }
0x149: {  	s7 =	simm.s32 @!p2 $0x2  }
0x14a: {  	_ =	swait.ge @!p2 [sflag:s7], $0x4000  }
0x14b: {  	[sflag:s7] =	ssyncset.done @!p2 $0x0;
	s29 =	sld [smem:$0x7FD]  }
0x14c: {  	[sflag:s7] =	ssyncadd.s32 @!p2 $0xFFFFC000  }
0x14d: {  	[spmem:s1] =	stream.indirect.scatter.add.f32 @!p2 [tilespmem:s6], [sflag:$0x5], $0x80, s0, s2, $0xb8;
	[tilespmem:$0x1FE80] =	vst v63  }
0x14e: {  	s2 =	stileid.u32;
	p1 =	seq.s32 s29, $0x1;
	[bflag:$0x0] =	sbarrier.arrive $0xFFFF  }
0x14f: {  	s0 =	sshll.u32 @p1 s2, $0x6;
	s6 =	rddreg [dreg:$0x13]  }
0x150: {  	s7 =	rddreg [dreg:$0x18];
	s0 =	sor.u32 @p1 $0x1C0D, s0  }
0x151: {  	[hbm:s6], [sflag:s0] =	dma.local @p1 [spmem:s7], $0x2780  }
0x152: {  	s0 =	simm.s32 @p1 $0xD  }
0x153: {  	_ =	swait.ge @p1 [sflag:s0], $0x2780  }
0x154: {  	s11 =	rddreg [dreg:$0xc]  }
0x155: {  	s2 =	sshll.u32 @!p1 s2, $0x6;
	[sflag:s0] =	ssyncset.done @p1 $0x0;
	s7 =	rddreg [dreg:$0x12]  }
0x156: {  	[sflag:s0] =	ssyncadd.s32 @p1 $0xFFFFD880;
	s0 =	sor.u32 @!p1 $0x1C0D, s2;
	s2 =	sshrl.u32 @!p1 s11, $0x3  }
0x157: {  	[hbm:s7], [sflag:s0] =	dma.local @!p1 [spmem:s2], $0x2700  }
0x158: {  	s0 =	simm.s32 @!p1 $0xD  }
0x159: {  	_ =	swait.ge @!p1 [sflag:s0], $0x2700  }
0x15a: {  	s30 =	sadd.s32 $0x1, s30;
	s31 =	rddreg [dreg:$0x17]  }
0x15b: {  	p0 =	sne.s32 s30, s31  }
.Ltmp2:
0x15c: {  	_ = 	snop;
	(pc) =	sbr.rel @p0 .LBB2_1-.Ltmp2, $3  }
0x15d: {  	_ =	sdelay $0x1  }
0x15e: {  	[sflag:s0] =	ssyncset.done @!p1 $0x0  }
0x15f: {  	s6 =	stileid.u32;
	[sflag:s0] =	ssyncadd.s32 @!p1 $0xFFFFD900  }
0x160: {  	_ =	sfence.sel $0x180000  }
0x161: {  	[bflag:$0x0] =	sbarrier.arrive $0xFFFF  }
0x162: {  	_ =	strace $0x90000047  }
0x163: {  	[bflag:$0x2] =	sbarrier.arrive $0xFFFF  }
0x164: {  	p0 =	sne.s32 s6, $0x0;
	s0 =	rddreg [dreg:$0x3]  }
0x165: {  	s0 =	sadd.s32 @!p0 $0x100000, s0  }
0x166: {  	[sflag:s0] =	ssyncadd.tile.s32 @!p0 $0x1;
	_ =	shalt  }
.Lfunc_end2:
_tile_overlayer_lowered:
.L_overlay_start_2:
0x167: {  	(tag) =	ssettag $0x2  }
0x168: {  	s0 =	rddreg [dreg:$0x0];
	s2 =	stileid.u32  }
0x169: {  	s1 =	rddreg [dreg:$0x1];
	p0 =	sne.s32 s2, $0x0  }
0x16a: {  	s3 =	rddreg [dreg:$0x2];
	[bflag:$0x3] =	sbarrier.arrive $0xFFFF;
	s2 =	simm.s32 @!p0 $0x1C0D  }
0x16b: {  	[timem:s3], [sflag:s2] =	dma.local @!p0 [hbm:s0], s1  }
0x16c: {  	s0 =	simm.s32 @!p0 $0xD  }
0x16d: {  	_ =	swait.ge @!p0 [sflag:s0], s1  }
0x16e: {  	s1 =	ssub.s32 @!p0 $0x0, s1;
	[sflag:s0] =	ssyncset.done @!p0 $0x0  }
0x16f: {  	[sflag:s0] =	ssyncadd.s32 @!p0 s1  }
0x170: {  	[bflag:$0x3] =	sbarrier.arrive $0xFFFF  }
0x171: {  	_ =	shalt  }

</sc_bundles>
